<compile_context>
chip_gen: v7x
topology: tpu7x:2x2x1
jax: 0.10.2.dev20260603
libtpu: 0.0.44.dev20260713+nightly
codegen_flags: <defaults>
</compile_context>

<pallas_src>
import jax
import jax.numpy as jnp
from jax import lax
from jax.experimental import pallas as pl
from jax.experimental.pallas import tpu as pltpu
from jax.experimental.pallas import tpu_sc as plsc

N_ART = 10000
D = 128
NC, NS = 2, 16
NW = NC * NS
N_PAD = 10240
RPS = N_PAD // NS
CH = 128
SD_CHUNKS = 80
PB_CHUNKS = 4
E_SD_PAD = NW * SD_CHUNKS * CH + 2 * CH
E_PB_PAD = NW * PB_CHUNKS * CH + 2 * CH


def _make_sum_call(n_chunks):
    assert n_chunks % 2 == 0

    def body(table, src_i, dst_i, o_acc, acc,
             idx_s0, idx_d0, rows0, sem0, idx_s1, idx_d1, rows1, sem1, zrow):
        c = lax.axis_index("c")
        s = lax.axis_index("s")
        wid = s * NC + c
        rbase = s * RPS
        zv = jnp.zeros((16,), jnp.float32)
        bufs = ((idx_s0, idx_d0, rows0, sem0), (idx_s1, idx_d1, rows1, sem1))

        def _fz(i, carry):
            for j in range(D // 16):
                zrow[i, pl.ds(j * 16, 16)] = zv
            return carry
        lax.fori_loop(0, zrow.shape[0], _fz, 0)

        def zb(j, carry):
            pltpu.sync_copy(zrow, acc.at[pl.ds(rbase + j * 16, 16)])
            return carry
        lax.fori_loop(0, RPS // 16, zb, 0)

        plsc.subcore_barrier()
        ebase = wid * (n_chunks * CH)

        for b in range(2):
            i_s, i_d, rw, sm = bufs[b]
            off = pl.multiple_of(ebase + b * CH, 8)
            pltpu.sync_copy(src_i.at[pl.ds(off, CH)], i_s)
            pltpu.sync_copy(dst_i.at[pl.ds(off, CH)], i_d)
            pltpu.async_copy(table.at[i_s], rw, sm)

        def eb(g, carry):
            for b in range(2):
                i_s, i_d, rw, sm = bufs[b]
                i = g * 2 + b
                pltpu.make_async_copy(table.at[pl.ds(0, CH)], rw, sm).wait()
                pltpu.sync_copy(rw, acc.at[i_d], add=True)
                off2 = pl.multiple_of(ebase + (i + 2) * CH, 8)
                pltpu.sync_copy(src_i.at[pl.ds(off2, CH)], i_s)
                pltpu.sync_copy(dst_i.at[pl.ds(off2, CH)], i_d)
                pltpu.async_copy(table.at[i_s], rw, sm)
            return carry
        lax.fori_loop(0, n_chunks // 2, eb, 0)

        for b in range(2):
            _, _, rw, sm = bufs[b]
            pltpu.make_async_copy(table.at[pl.ds(0, CH)], rw, sm).wait()

        plsc.subcore_barrier()
        pltpu.sync_copy(acc.at[pl.ds(rbase, RPS)],
                        o_acc.at[c, pl.ds(rbase, RPS)])

    f32 = jnp.float32
    mesh = plsc.VectorSubcoreMesh(core_axis_name="c", subcore_axis_name="s")
    return pl.kernel(
        body,
        out_type=[jax.ShapeDtypeStruct((NC, N_PAD, D), f32)],
        scratch_types=[
            pltpu.VMEM_SHARED((N_PAD, D), f32),
            pltpu.VMEM((CH,), jnp.int32),
            pltpu.VMEM((CH,), jnp.int32),
            pltpu.VMEM((CH, D), f32),
            pltpu.SemaphoreType.DMA,
            pltpu.VMEM((CH,), jnp.int32),
            pltpu.VMEM((CH,), jnp.int32),
            pltpu.VMEM((CH, D), f32),
            pltpu.SemaphoreType.DMA,
            pltpu.VMEM((16, D), f32),
        ],
        mesh=mesh,
    )


def _make_cnt_call(n_chunks):
    def body(dst_i, o_acc, acc, idx_d, ones_rows, zrow, sem):
        c = lax.axis_index("c")
        s = lax.axis_index("s")
        wid = s * NC + c
        rbase = s * RPS
        zv = jnp.zeros((16,), jnp.float32)
        ov = jnp.ones((16,), jnp.float32)

        def _fz(i, carry):
            for j in range(D // 16):
                zrow[i, pl.ds(j * 16, 16)] = zv
            return carry
        lax.fori_loop(0, zrow.shape[0], _fz, 0)

        def _fo(i, carry):
            for j in range(D // 16):
                ones_rows[i, pl.ds(j * 16, 16)] = ov
            return carry
        lax.fori_loop(0, ones_rows.shape[0], _fo, 0)

        def zb(j, carry):
            pltpu.sync_copy(zrow, acc.at[pl.ds(rbase + j * 16, 16)])
            return carry
        lax.fori_loop(0, RPS // 16, zb, 0)

        plsc.subcore_barrier()
        ebase = wid * (n_chunks * CH)

        def eb(i, carry):
            off = pl.multiple_of(ebase + i * CH, 8)
            pltpu.sync_copy(dst_i.at[pl.ds(off, CH)], idx_d)
            pltpu.sync_copy(ones_rows, acc.at[idx_d], add=True)
            return carry
        lax.fori_loop(0, n_chunks, eb, 0)

        plsc.subcore_barrier()
        pltpu.sync_copy(acc.at[pl.ds(rbase, RPS)],
                        o_acc.at[c, pl.ds(rbase, RPS)])

    f32 = jnp.float32
    mesh = plsc.VectorSubcoreMesh(core_axis_name="c", subcore_axis_name="s")
    return pl.kernel(
        body,
        out_type=[jax.ShapeDtypeStruct((NC, N_PAD, D), f32)],
        scratch_types=[
            pltpu.VMEM_SHARED((N_PAD, D), f32),
            pltpu.VMEM((CH,), jnp.int32),
            pltpu.VMEM((CH, D), f32),
            pltpu.VMEM((16, D), f32),
            pltpu.SemaphoreType.DMA,
        ],
        mesh=mesh,
    )


BLK = 1024


def _tc_body(ssd, csd, spb, cpb, x,
             w1l, w1r, wsl, wsr, w2l, w2r, b1, bs, b2, o):
    def dot(a, b):
        return lax.dot_general(a, b[...], (((1,), (0,)), ((), ())),
                               preferred_element_type=jnp.float32)

    agg_sd = (ssd[0] + ssd[1]) / jnp.maximum(csd[0][:, 0:1] + csd[1][:, 0:1], 1.0)
    agg_pb = (spb[0] + spb[1]) / jnp.maximum(cpb[0][:, 0:1] + cpb[1][:, 0:1], 1.0)
    xb = x[...]
    h1 = jnp.maximum(dot(agg_pb, w1l) + b1[...] + dot(xb, w1r), 0.0)
    h2 = jnp.maximum(dot(agg_sd, wsl) + bs[...] + dot(xb, wsr), 0.0)
    o[...] = dot(agg_pb, w2l) + b2[...] + dot(h1 + h2, w2r)


def _tc_combine(ssd, csd, spb, cpb, x_art_p,
                w1lT, w1rT, wslT, wsrT, w2lT, w2rT, b1, bs, b2):
    f32 = jnp.float32
    sum_spec = pl.BlockSpec((NC, BLK, D), lambda i: (0, i, 0))
    w_spec = pl.BlockSpec((D, D), lambda i: (0, 0))
    b_spec = pl.BlockSpec((1, D), lambda i: (0, 0))
    return pl.pallas_call(
        _tc_body,
        grid=(N_PAD // BLK,),
        in_specs=[sum_spec, sum_spec, sum_spec, sum_spec,
                  pl.BlockSpec((BLK, D), lambda i: (i, 0)),
                  w_spec, w_spec, w_spec, w_spec, w_spec, w_spec,
                  b_spec, b_spec, b_spec],
        out_specs=pl.BlockSpec((BLK, D), lambda i: (i, 0)),
        out_shape=jax.ShapeDtypeStruct((N_PAD, D), f32),
    )(ssd, csd, spb, cpb, x_art_p,
      w1lT, w1rT, wslT, wsrT, w2lT, w2rT, b1, bs, b2)


def kernel(x_article, x_source, edge_index_pb, edge_index_sd,
           W1l, b1l, W1r, Wsl, bsl, Wsr, W2l, b2l, W2r):
    i32 = jnp.int32
    x_art_p = jnp.pad(x_article, ((0, N_PAD - N_ART), (0, 0)))
    src_sd = edge_index_sd[0].astype(i32)
    dst_sd = edge_index_sd[1].astype(i32)
    src_pb = edge_index_pb[1].astype(i32)
    dst_pb = edge_index_pb[0].astype(i32)

    pad_sd = E_SD_PAD - src_sd.shape[0]
    src_sd = jnp.pad(src_sd, (0, pad_sd))
    dst_sd = jnp.pad(dst_sd, (0, pad_sd), constant_values=N_PAD - 1)
    pad_pb = E_PB_PAD - src_pb.shape[0]
    src_pb = jnp.pad(src_pb, (0, pad_pb))
    dst_pb = jnp.pad(dst_pb, (0, pad_pb), constant_values=N_PAD - 1)

    (ssd,) = _make_sum_call(SD_CHUNKS)(x_art_p, src_sd, dst_sd)
    (spb,) = _make_sum_call(PB_CHUNKS)(x_source, src_pb, dst_pb)
    (csd,) = _make_cnt_call(SD_CHUNKS)(dst_sd)
    (cpb,) = _make_cnt_call(PB_CHUNKS)(dst_pb)

    out = _tc_combine(ssd, csd, spb, cpb, x_art_p,
                      W1l.T, W1r.T, Wsl.T, Wsr.T, W2l.T, W2r.T,
                      b1l.reshape(1, -1), bsl.reshape(1, -1),
                      b2l.reshape(1, -1))
    return out[:N_ART]

# --- scband reference (transcript-rebuilt; emitter-appended) ---
"""Pipeline reference for scband-multi-relational-gnn-28750511079547 (READ-ONLY COPY).

The authoritative reference and input builder live on the scoring server;
editing this copy changes nothing except your own understanding.
"""

import jax, jax.numpy as jnp
import numpy as np

N_ART = 10000
N_SRC = 1000
E_PB = 10000
E_SD = 320000
D = 128
H = 128
OUT = 128


def _glorot(key, shape):
    fan_in = shape[1]
    return jax.random.normal(key, shape, dtype=jnp.float32) / jnp.sqrt(fan_in)


def setup_inputs(seed: int = 0) -> dict:
    key = jax.random.key(seed)
    ks = jax.random.split(key, 16)
    inp = {}
    inp['x_article'] = jax.random.normal(ks[0], (N_ART, D), dtype=jnp.float32)
    inp['x_source'] = jax.random.normal(ks[1], (N_SRC, D), dtype=jnp.float32)
    # pb edge_index: row0 = article idx, row1 = source idx (('article','published_by','source'))
    art_idx = jax.random.randint(ks[2], (E_PB,), 0, N_ART)
    src_idx = jax.random.randint(ks[3], (E_PB,), 0, N_SRC)
    inp['edge_index_pb'] = jnp.stack([art_idx, src_idx], axis=0)
    inp['edge_index_sd'] = jax.random.randint(ks[4], (2, E_SD), 0, N_ART)
    # SAGEConv params: lin_l (neighbor, with bias), lin_r (root, no bias)
    inp['W1l'] = _glorot(ks[5], (H, D))      # conv1_pb lin_l: source feats -> hidden
    inp['b1l'] = jnp.zeros((H,), dtype=jnp.float32)
    inp['W1r'] = _glorot(ks[6], (H, D))      # conv1_pb lin_r: article feats -> hidden
    inp['Wsl'] = _glorot(ks[7], (H, D))      # conv1_sd lin_l
    inp['bsl'] = jnp.zeros((H,), dtype=jnp.float32)
    inp['Wsr'] = _glorot(ks[8], (H, D))      # conv1_sd lin_r
    inp['W2l'] = _glorot(ks[9], (OUT, D))    # conv2_pb lin_l: source feats -> out
    inp['b2l'] = jnp.zeros((OUT,), dtype=jnp.float32)
    inp['W2r'] = _glorot(ks[10], (OUT, H))   # conv2_pb lin_r: hidden article feats -> out
    return inp


def _mean_aggr(x_src, src, dst, num_dst):
    msgs = jnp.take(x_src, src, axis=0)
    summed = jax.ops.segment_sum(msgs, dst, num_segments=num_dst)
    cnt = jax.ops.segment_sum(jnp.ones((src.shape[0],), dtype=x_src.dtype), dst, num_segments=num_dst)
    return summed / jnp.clip(cnt, 1.0)[:, None]


def reference(x_article, x_source, edge_index_pb, edge_index_sd,
              W1l, b1l, W1r, Wsl, bsl, Wsr, W2l, b2l, W2r):
    n_art = x_article.shape[0]
    # source_to_article = pb_edge_index.flip([0])
    src_sa = edge_index_pb[1]  # source nodes (message senders)
    dst_sa = edge_index_pb[0]  # article nodes (receivers)

    # conv1_pb: SAGEConv((source, article) -> hidden), mean aggregation
    agg1 = _mean_aggr(x_source, src_sa, dst_sa, n_art)
    x_from_src = jax.nn.relu(agg1 @ W1l.T + b1l + x_article @ W1r.T)

    # conv1_sd: SAGEConv(article -> hidden) on same_day edges
    agg_sd = _mean_aggr(x_article, edge_index_sd[0], edge_index_sd[1], n_art)
    x_same_day = jax.nn.relu(agg_sd @ Wsl.T + bsl + x_article @ Wsr.T)

    x_updated = x_from_src + x_same_day

    # conv2_pb: SAGEConv((source, hidden) -> out)
    agg2 = _mean_aggr(x_source, src_sa, dst_sa, n_art)
    out_article = agg2 @ W2l.T + b2l + x_updated @ W2r.T
    return out_article

if __name__ == "__main__":
    import jax
    _d = setup_inputs()
    print(jax.jit(kernel)(*tuple(_d.values())))

</pallas_src>

<mosaic_0001>
#map = affine_map<(d0, d1) -> (0)>
#map1 = affine_map<(d0, d1) -> (0, 0, 0)>
module attributes {stable_mosaic.version = 14 : i64} {
  func.func @body(%arg0: i32, %arg1: i32, %arg2: memref<327936xi32, #tpu.memory_space<hbm>>, %arg3: memref<2x10240x128xf32, #tpu.memory_space<hbm>>, %arg4: memref<10240x128xf32, #tpu.memory_space<vmem_shared>>, %arg5: memref<128xi32, #tpu.memory_space<vmem>>, %arg6: memref<128x128xf32, #tpu.memory_space<vmem>>, %arg7: memref<16x128xf32, #tpu.memory_space<vmem>>, %arg8: memref<!tpu.dma_semaphore, #tpu.memory_space<semaphore_mem>>) attributes {dimension_semantics = [#tpu.dimension_semantics<core_parallel>, #tpu.dimension_semantics<subcore_parallel>], iteration_bounds = array<i64: 2, 16>, scalar_prefetch = 0 : i64, scratch_operands = 5 : i64, tpu.core_type = #tpu.core_type<sc_vector_subcore>, window_params = [{transform_indices = #map}, {transform_indices = #map1}]} {
    %mul3A = arith.constant 2 : i32
    %mul3A_0 = arith.muli %arg1, %mul3A : i32
    %add3A = arith.addi %mul3A_0, %arg0 : i32
    %mul3A_1 = arith.constant 640 : i32
    %mul3A_2 = arith.muli %arg1, %mul3A_1 : i32
    %broadcast_in_dim3A = arith.constant 0.000000e+00 : f32
    %broadcast_in_dim3A_3 = vector.broadcast %broadcast_in_dim3A : f32 to vector<16xf32>
    %broadcast_in_dim3A_4 = arith.constant 1.000000e+00 : f32
    %broadcast_in_dim3A_5 = vector.broadcast %broadcast_in_dim3A_4 : f32 to vector<16xf32>
    %scan3A = arith.constant 0 : i32
    %scan3A_6 = arith.constant 0 : i32
    %scan3A_7 = arith.constant 16 : i32
    %scan3A_8 = arith.addi %scan3A_6, %scan3A_7 : i32
    %scan3A_9 = arith.constant 1 : i32
    scf.for %scan3A_32 = %scan3A_6 to %scan3A_8 step %scan3A_9  : i32 {
      %swap3A = arith.index_cast %scan3A_32 : i32 to index
      %swap3A_33 = arith.constant 0 : index
      %swap3A_34 = tpu.vector_load %arg7[%swap3A, %swap3A_33] {strides = array<i32>} : memref<16x128xf32, #tpu.memory_space<vmem>>, vector<1x16xf32>,
      %swap3A_35 = vector.shape_cast %swap3A_34 : vector<1x16xf32> to vector<16xf32>
      %swap3A_36 = vector.shape_cast %broadcast_in_dim3A_3 : vector<16xf32> to vector<1x16xf32>
      tpu.vector_store %arg7[%swap3A, %swap3A_33], %swap3A_36 {strides = array<i32>} : memref<16x128xf32, #tpu.memory_space<vmem>>, vector<1x16xf32>,
      %swap3A_37 = arith.index_cast %scan3A_32 : i32 to index
      %swap3A_38 = arith.constant 16 : index
      %swap3A_39 = tpu.vector_load %arg7[%swap3A_37, %swap3A_38] {strides = array<i32>} : memref<16x128xf32, #tpu.memory_space<vmem>>, vector<1x16xf32>,
      %swap3A_40 = vector.shape_cast %swap3A_39 : vector<1x16xf32> to vector<16xf32>
      %swap3A_41 = vector.shape_cast %broadcast_in_dim3A_3 : vector<16xf32> to vector<1x16xf32>
      tpu.vector_store %arg7[%swap3A_37, %swap3A_38], %swap3A_41 {strides = array<i32>} : memref<16x128xf32, #tpu.memory_space<vmem>>, vector<1x16xf32>,
      %swap3A_42 = arith.index_cast %scan3A_32 : i32 to index
      %swap3A_43 = arith.constant 32 : index
      %swap3A_44 = tpu.vector_load %arg7[%swap3A_42, %swap3A_43] {strides = array<i32>} : memref<16x128xf32, #tpu.memory_space<vmem>>, vector<1x16xf32>,
      %swap3A_45 = vector.shape_cast %swap3A_44 : vector<1x16xf32> to vector<16xf32>
      %swap3A_46 = vector.shape_cast %broadcast_in_dim3A_3 : vector<16xf32> to vector<1x16xf32>
      tpu.vector_store %arg7[%swap3A_42, %swap3A_43], %swap3A_46 {strides = array<i32>} : memref<16x128xf32, #tpu.memory_space<vmem>>, vector<1x16xf32>,
      %swap3A_47 = arith.index_cast %scan3A_32 : i32 to index
      %swap3A_48 = arith.constant 48 : index
      %swap3A_49 = tpu.vector_load %arg7[%swap3A_47, %swap3A_48] {strides = array<i32>} : memref<16x128xf32, #tpu.memory_space<vmem>>, vector<1x16xf32>,
      %swap3A_50 = vector.shape_cast %swap3A_49 : vector<1x16xf32> to vector<16xf32>
      %swap3A_51 = vector.shape_cast %broadcast_in_dim3A_3 : vector<16xf32> to vector<1x16xf32>
      tpu.vector_store %arg7[%swap3A_47, %swap3A_48], %swap3A_51 {strides = array<i32>} : memref<16x128xf32, #tpu.memory_space<vmem>>, vector<1x16xf32>,
      %swap3A_52 = arith.index_cast %scan3A_32 : i32 to index
      %swap3A_53 = arith.constant 64 : index
      %swap3A_54 = tpu.vector_load %arg7[%swap3A_52, %swap3A_53] {strides = array<i32>} : memref<16x128xf32, #tpu.memory_space<vmem>>, vector<1x16xf32>,
      %swap3A_55 = vector.shape_cast %swap3A_54 : vector<1x16xf32> to vector<16xf32>
      %swap3A_56 = vector.shape_cast %broadcast_in_dim3A_3 : vector<16xf32> to vector<1x16xf32>
      tpu.vector_store %arg7[%swap3A_52, %swap3A_53], %swap3A_56 {strides = array<i32>} : memref<16x128xf32, #tpu.memory_space<vmem>>, vector<1x16xf32>,
      %swap3A_57 = arith.index_cast %scan3A_32 : i32 to index
      %swap3A_58 = arith.constant 80 : index
      %swap3A_59 = tpu.vector_load %arg7[%swap3A_57, %swap3A_58] {strides = array<i32>} : memref<16x128xf32, #tpu.memory_space<vmem>>, vector<1x16xf32>,
      %swap3A_60 = vector.shape_cast %swap3A_59 : vector<1x16xf32> to vector<16xf32>
      %swap3A_61 = vector.shape_cast %broadcast_in_dim3A_3 : vector<16xf32> to vector<1x16xf32>
      tpu.vector_store %arg7[%swap3A_57, %swap3A_58], %swap3A_61 {strides = array<i32>} : memref<16x128xf32, #tpu.memory_space<vmem>>, vector<1x16xf32>,
      %swap3A_62 = arith.index_cast %scan3A_32 : i32 to index
      %swap3A_63 = arith.constant 96 : index
      %swap3A_64 = tpu.vector_load %arg7[%swap3A_62, %swap3A_63] {strides = array<i32>} : memref<16x128xf32, #tpu.memory_space<vmem>>, vector<1x16xf32>,
      %swap3A_65 = vector.shape_cast %swap3A_64 : vector<1x16xf32> to vector<16xf32>
      %swap3A_66 = vector.shape_cast %broadcast_in_dim3A_3 : vector<16xf32> to vector<1x16xf32>
      tpu.vector_store %arg7[%swap3A_62, %swap3A_63], %swap3A_66 {strides = array<i32>} : memref<16x128xf32, #tpu.memory_space<vmem>>, vector<1x16xf32>,
      %swap3A_67 = arith.index_cast %scan3A_32 : i32 to index
      %swap3A_68 = arith.constant 112 : index
      %swap3A_69 = tpu.vector_load %arg7[%swap3A_67, %swap3A_68] {strides = array<i32>} : memref<16x128xf32, #tpu.memory_space<vmem>>, vector<1x16xf32>,
      %swap3A_70 = vector.shape_cast %swap3A_69 : vector<1x16xf32> to vector<16xf32>
      %swap3A_71 = vector.shape_cast %broadcast_in_dim3A_3 : vector<16xf32> to vector<1x16xf32>
      tpu.vector_store %arg7[%swap3A_67, %swap3A_68], %swap3A_71 {strides = array<i32>} : memref<16x128xf32, #tpu.memory_space<vmem>>, vector<1x16xf32>,
    }
    %scan3A_10 = arith.constant 16 : i32
    %scan3A_11 = arith.constant 0 : i32
    %scan3A_12 = arith.constant 0 : i32
    %scan3A_13 = arith.constant 128 : i32
    %scan3A_14 = arith.addi %scan3A_12, %scan3A_13 : i32
    %scan3A_15 = arith.constant 1 : i32
    scf.for %scan3A_32 = %scan3A_12 to %scan3A_14 step %scan3A_15  : i32 {
      %swap3A = arith.index_cast %scan3A_32 : i32 to index
      %swap3A_33 = arith.constant 0 : index
      %swap3A_34 = tpu.vector_load %arg6[%swap3A, %swap3A_33] {strides = array<i32>} : memref<128x128xf32, #tpu.memory_space<vmem>>, vector<1x16xf32>,
      %swap3A_35 = vector.shape_cast %swap3A_34 : vector<1x16xf32> to vector<16xf32>
      %swap3A_36 = vector.shape_cast %broadcast_in_dim3A_5 : vector<16xf32> to vector<1x16xf32>
      tpu.vector_store %arg6[%swap3A, %swap3A_33], %swap3A_36 {strides = array<i32>} : memref<128x128xf32, #tpu.memory_space<vmem>>, vector<1x16xf32>,
      %swap3A_37 = arith.index_cast %scan3A_32 : i32 to index
      %swap3A_38 = arith.constant 16 : index
      %swap3A_39 = tpu.vector_load %arg6[%swap3A_37, %swap3A_38] {strides = array<i32>} : memref<128x128xf32, #tpu.memory_space<vmem>>, vector<1x16xf32>,
      %swap3A_40 = vector.shape_cast %swap3A_39 : vector<1x16xf32> to vector<16xf32>
      %swap3A_41 = vector.shape_cast %broadcast_in_dim3A_5 : vector<16xf32> to vector<1x16xf32>
      tpu.vector_store %arg6[%swap3A_37, %swap3A_38], %swap3A_41 {strides = array<i32>} : memref<128x128xf32, #tpu.memory_space<vmem>>, vector<1x16xf32>,
      %swap3A_42 = arith.index_cast %scan3A_32 : i32 to index
      %swap3A_43 = arith.constant 32 : index
      %swap3A_44 = tpu.vector_load %arg6[%swap3A_42, %swap3A_43] {strides = array<i32>} : memref<128x128xf32, #tpu.memory_space<vmem>>, vector<1x16xf32>,
      %swap3A_45 = vector.shape_cast %swap3A_44 : vector<1x16xf32> to vector<16xf32>
      %swap3A_46 = vector.shape_cast %broadcast_in_dim3A_5 : vector<16xf32> to vector<1x16xf32>
      tpu.vector_store %arg6[%swap3A_42, %swap3A_43], %swap3A_46 {strides = array<i32>} : memref<128x128xf32, #tpu.memory_space<vmem>>, vector<1x16xf32>,
      %swap3A_47 = arith.index_cast %scan3A_32 : i32 to index
      %swap3A_48 = arith.constant 48 : index
      %swap3A_49 = tpu.vector_load %arg6[%swap3A_47, %swap3A_48] {strides = array<i32>} : memref<128x128xf32, #tpu.memory_space<vmem>>, vector<1x16xf32>,
      %swap3A_50 = vector.shape_cast %swap3A_49 : vector<1x16xf32> to vector<16xf32>
      %swap3A_51 = vector.shape_cast %broadcast_in_dim3A_5 : vector<16xf32> to vector<1x16xf32>
      tpu.vector_store %arg6[%swap3A_47, %swap3A_48], %swap3A_51 {strides = array<i32>} : memref<128x128xf32, #tpu.memory_space<vmem>>, vector<1x16xf32>,
      %swap3A_52 = arith.index_cast %scan3A_32 : i32 to index
      %swap3A_53 = arith.constant 64 : index
      %swap3A_54 = tpu.vector_load %arg6[%swap3A_52, %swap3A_53] {strides = array<i32>} : memref<128x128xf32, #tpu.memory_space<vmem>>, vector<1x16xf32>,
      %swap3A_55 = vector.shape_cast %swap3A_54 : vector<1x16xf32> to vector<16xf32>
      %swap3A_56 = vector.shape_cast %broadcast_in_dim3A_5 : vector<16xf32> to vector<1x16xf32>
      tpu.vector_store %arg6[%swap3A_52, %swap3A_53], %swap3A_56 {strides = array<i32>} : memref<128x128xf32, #tpu.memory_space<vmem>>, vector<1x16xf32>,
      %swap3A_57 = arith.index_cast %scan3A_32 : i32 to index
      %swap3A_58 = arith.constant 80 : index
      %swap3A_59 = tpu.vector_load %arg6[%swap3A_57, %swap3A_58] {strides = array<i32>} : memref<128x128xf32, #tpu.memory_space<vmem>>, vector<1x16xf32>,
      %swap3A_60 = vector.shape_cast %swap3A_59 : vector<1x16xf32> to vector<16xf32>
      %swap3A_61 = vector.shape_cast %broadcast_in_dim3A_5 : vector<16xf32> to vector<1x16xf32>
      tpu.vector_store %arg6[%swap3A_57, %swap3A_58], %swap3A_61 {strides = array<i32>} : memref<128x128xf32, #tpu.memory_space<vmem>>, vector<1x16xf32>,
      %swap3A_62 = arith.index_cast %scan3A_32 : i32 to index
      %swap3A_63 = arith.constant 96 : index
      %swap3A_64 = tpu.vector_load %arg6[%swap3A_62, %swap3A_63] {strides = array<i32>} : memref<128x128xf32, #tpu.memory_space<vmem>>, vector<1x16xf32>,
      %swap3A_65 = vector.shape_cast %swap3A_64 : vector<1x16xf32> to vector<16xf32>
      %swap3A_66 = vector.shape_cast %broadcast_in_dim3A_5 : vector<16xf32> to vector<1x16xf32>
      tpu.vector_store %arg6[%swap3A_62, %swap3A_63], %swap3A_66 {strides = array<i32>} : memref<128x128xf32, #tpu.memory_space<vmem>>, vector<1x16xf32>,
      %swap3A_67 = arith.index_cast %scan3A_32 : i32 to index
      %swap3A_68 = arith.constant 112 : index
      %swap3A_69 = tpu.vector_load %arg6[%swap3A_67, %swap3A_68] {strides = array<i32>} : memref<128x128xf32, #tpu.memory_space<vmem>>, vector<1x16xf32>,
      %swap3A_70 = vector.shape_cast %swap3A_69 : vector<1x16xf32> to vector<16xf32>
      %swap3A_71 = vector.shape_cast %broadcast_in_dim3A_5 : vector<16xf32> to vector<1x16xf32>
      tpu.vector_store %arg6[%swap3A_67, %swap3A_68], %swap3A_71 {strides = array<i32>} : memref<128x128xf32, #tpu.memory_space<vmem>>, vector<1x16xf32>,
    }
    %scan3A_16 = arith.constant 128 : i32
    %scan3A_17 = arith.constant 0 : i32
    %scan3A_18 = arith.constant 0 : i32
    %scan3A_19 = arith.constant 40 : i32
    %scan3A_20 = arith.addi %scan3A_18, %scan3A_19 : i32
    %scan3A_21 = arith.constant 1 : i32
    scf.for %scan3A_32 = %scan3A_18 to %scan3A_20 step %scan3A_21  : i32 {
      %mul3A_33 = arith.constant 16 : i32
      %mul3A_34 = arith.muli %scan3A_32, %mul3A_33 : i32
      %add3A_35 = arith.addi %mul3A_2, %mul3A_34 : i32
      "tpu.region"() ({
        %run_scoped3A = tpu.sem_alloc : memref<!tpu.dma_semaphore, #tpu.memory_space<semaphore_mem>>
        %dma_start3A = arith.constant 0 : i32
        %dma_start3A_36 = tpu.memref_slice %arg4[%add3A_35, %dma_start3A] : memref<10240x128xf32, #tpu.memory_space<vmem_shared>> -> memref<16x128xf32, #tpu.memory_space<vmem_shared>>
        %dma_start3A_37 = arith.constant 0 : i32
        %dma_start3A_38 = tpu.memref_slice %arg4[%add3A_35, %dma_start3A_37] : memref<10240x128xf32, #tpu.memory_space<vmem_shared>> -> memref<16x128xf32, #tpu.memory_space<vmem_shared>>
        tpu.enqueue_dma source(%arg7 : memref<16x128xf32, #tpu.memory_space<vmem>>) target(%dma_start3A_38 : memref<16x128xf32, #tpu.memory_space<vmem_shared>>) target_semaphore(%run_scoped3A : memref<!tpu.dma_semaphore, #tpu.memory_space<semaphore_mem>>)
        %dma_wait3A = arith.constant 0 : i32
        %dma_wait3A_39 = tpu.memref_slice %arg4[%add3A_35, %dma_wait3A] : memref<10240x128xf32, #tpu.memory_space<vmem_shared>> -> memref<16x128xf32, #tpu.memory_space<vmem_shared>>
        %dma_wait3A_40 = arith.constant 0 : i32
        %dma_wait3A_41 = tpu.memref_slice %arg4[%add3A_35, %dma_wait3A_40] : memref<10240x128xf32, #tpu.memory_space<vmem_shared>> -> memref<16x128xf32, #tpu.memory_space<vmem_shared>>
        tpu.wait_dma2 semaphore(%run_scoped3A : memref<!tpu.dma_semaphore, #tpu.memory_space<semaphore_mem>>) src(%arg7 : memref<16x128xf32, #tpu.memory_space<vmem>>) dst(%dma_wait3A_41 : memref<16x128xf32, #tpu.memory_space<vmem_shared>>)
        tpu.yield
      }) : () -> ()
    }
    %scan3A_22 = arith.constant 40 : i32
    %barrier3A = arith.constant 0 : index
    tpu.barrier barrier_id(%barrier3A)
    %mul3A_23 = arith.constant 10240 : i32
    %mul3A_24 = arith.muli %add3A, %mul3A_23 : i32
    %scan3A_25 = arith.constant 0 : i32
    %scan3A_26 = arith.constant 0 : i32
    %scan3A_27 = arith.constant 80 : i32
    %scan3A_28 = arith.addi %scan3A_26, %scan3A_27 : i32
    %scan3A_29 = arith.constant 1 : i32
    scf.for %scan3A_32 = %scan3A_26 to %scan3A_28 step %scan3A_29  : i32 {
      %mul3A_33 = arith.constant 128 : i32
      %mul3A_34 = arith.muli %scan3A_32, %mul3A_33 : i32
      %add3A_35 = arith.addi %mul3A_24, %mul3A_34 : i32
      %multiple_of3A = tpu.assume_multiple %add3A_35, 8 : i32
      "tpu.region"() ({
        %run_scoped3A = tpu.sem_alloc : memref<!tpu.dma_semaphore, #tpu.memory_space<semaphore_mem>>
        %dma_start3A = tpu.memref_slice %arg2[%multiple_of3A] : memref<327936xi32, #tpu.memory_space<hbm>> -> memref<128xi32, #tpu.memory_space<hbm>>
        %dma_start3A_36 = tpu.memref_slice %arg2[%multiple_of3A] : memref<327936xi32, #tpu.memory_space<hbm>> -> memref<128xi32, #tpu.memory_space<hbm>>
        tpu.enqueue_dma source(%dma_start3A_36 : memref<128xi32, #tpu.memory_space<hbm>>) target(%arg5 : memref<128xi32, #tpu.memory_space<vmem>>) target_semaphore(%run_scoped3A : memref<!tpu.dma_semaphore, #tpu.memory_space<semaphore_mem>>)
        %dma_wait3A = tpu.memref_slice %arg2[%multiple_of3A] : memref<327936xi32, #tpu.memory_space<hbm>> -> memref<128xi32, #tpu.memory_space<hbm>>
        %dma_wait3A_37 = tpu.memref_slice %arg2[%multiple_of3A] : memref<327936xi32, #tpu.memory_space<hbm>> -> memref<128xi32, #tpu.memory_space<hbm>>
        tpu.wait_dma2 semaphore(%run_scoped3A : memref<!tpu.dma_semaphore, #tpu.memory_space<semaphore_mem>>) src(%dma_wait3A_37 : memref<128xi32, #tpu.memory_space<hbm>>) dst(%arg5 : memref<128xi32, #tpu.memory_space<vmem>>)
        tpu.yield
      }) : () -> ()
      "tpu.region"() ({
        %run_scoped3A = tpu.sem_alloc : memref<!tpu.dma_semaphore, #tpu.memory_space<semaphore_mem>>
        %dma_start3A = arith.constant 0 : i32
        %dma_start3A_36 = arith.constant 0 : i32
        %dma_start3A_37 = tpu.memref_slice %arg4[%dma_start3A, %dma_start3A_36] : memref<10240x128xf32, #tpu.memory_space<vmem_shared>> -> memref<10240x128xf32, #tpu.memory_space<vmem_shared>>
        tpu.enqueue_indirect_dma source(%arg6 : memref<128x128xf32, #tpu.memory_space<vmem>>) target(%dma_start3A_37 : memref<10240x128xf32, #tpu.memory_space<vmem_shared>>) offsets(%arg5 : memref<128xi32, #tpu.memory_space<vmem>>) semaphore(%run_scoped3A : memref<!tpu.dma_semaphore, #tpu.memory_space<semaphore_mem>>) {add = true}
        %dma_wait3A = arith.constant 0 : i32
        %dma_wait3A_38 = arith.constant 0 : i32
        %dma_wait3A_39 = tpu.memref_slice %arg4[%dma_wait3A, %dma_wait3A_38] : memref<10240x128xf32, #tpu.memory_space<vmem_shared>> -> memref<10240x128xf32, #tpu.memory_space<vmem_shared>>
        tpu.wait_indirect_dma semaphore(%run_scoped3A : memref<!tpu.dma_semaphore, #tpu.memory_space<semaphore_mem>>) src(%arg6 : memref<128x128xf32, #tpu.memory_space<vmem>>) dst(%dma_wait3A_39 : memref<10240x128xf32, #tpu.memory_space<vmem_shared>>)
        tpu.yield
      }) : () -> ()
    }
    %scan3A_30 = arith.constant 80 : i32
    %barrier3A_31 = arith.constant 0 : index
    tpu.barrier barrier_id(%barrier3A_31)
    "tpu.region"() ({
      %run_scoped3A = tpu.sem_alloc : memref<!tpu.dma_semaphore, #tpu.memory_space<semaphore_mem>>
      %dma_start3A = arith.constant 0 : i32
      %dma_start3A_32 = tpu.memref_slice %arg3[%arg0, %mul3A_2, %dma_start3A] : memref<2x10240x128xf32, #tpu.memory_space<hbm>> -> memref<1x640x128xf32, #tpu.memory_space<hbm>>
      %dma_start3A_33 = tpu.memref_squeeze %dma_start3A_32 : memref<1x640x128xf32, #tpu.memory_space<hbm>> -> memref<640x128xf32, #tpu.memory_space<hbm>>
      %dma_start3A_34 = arith.constant 0 : i32
      %dma_start3A_35 = tpu.memref_slice %arg4[%mul3A_2, %dma_start3A_34] : memref<10240x128xf32, #tpu.memory_space<vmem_shared>> -> memref<640x128xf32, #tpu.memory_space<vmem_shared>>
      tpu.enqueue_dma source(%dma_start3A_35 : memref<640x128xf32, #tpu.memory_space<vmem_shared>>) target(%dma_start3A_33 : memref<640x128xf32, #tpu.memory_space<hbm>>) target_semaphore(%run_scoped3A : memref<!tpu.dma_semaphore, #tpu.memory_space<semaphore_mem>>)
      %dma_wait3A = arith.constant 0 : i32
      %dma_wait3A_36 = tpu.memref_slice %arg3[%arg0, %mul3A_2, %dma_wait3A] : memref<2x10240x128xf32, #tpu.memory_space<hbm>> -> memref<1x640x128xf32, #tpu.memory_space<hbm>>
      %dma_wait3A_37 = tpu.memref_squeeze %dma_wait3A_36 : memref<1x640x128xf32, #tpu.memory_space<hbm>> -> memref<640x128xf32, #tpu.memory_space<hbm>>
      %dma_wait3A_38 = arith.constant 0 : i32
      %dma_wait3A_39 = tpu.memref_slice %arg4[%mul3A_2, %dma_wait3A_38] : memref<10240x128xf32, #tpu.memory_space<vmem_shared>> -> memref<640x128xf32, #tpu.memory_space<vmem_shared>>
      tpu.wait_dma2 semaphore(%run_scoped3A : memref<!tpu.dma_semaphore, #tpu.memory_space<semaphore_mem>>) src(%dma_wait3A_39 : memref<640x128xf32, #tpu.memory_space<vmem_shared>>) dst(%dma_wait3A_37 : memref<640x128xf32, #tpu.memory_space<hbm>>)
      tpu.yield
    }) : () -> ()
    return
  }
}

#map = affine_map<(d0, d1) -> (0, 0)>
#map1 = affine_map<(d0, d1) -> (0)>
#map2 = affine_map<(d0, d1) -> (0, 0, 0)>
module attributes {stable_mosaic.version = 14 : i64} {
  func.func @body(%arg0: i32, %arg1: i32, %arg2: memref<1000x128xf32, #tpu.memory_space<hbm>>, %arg3: memref<16640xi32, #tpu.memory_space<hbm>>, %arg4: memref<16640xi32, #tpu.memory_space<hbm>>, %arg5: memref<2x10240x128xf32, #tpu.memory_space<hbm>>, %arg6: memref<10240x128xf32, #tpu.memory_space<vmem_shared>>, %arg7: memref<128xi32, #tpu.memory_space<vmem>>, %arg8: memref<128xi32, #tpu.memory_space<vmem>>, %arg9: memref<128x128xf32, #tpu.memory_space<vmem>>, %arg10: memref<!tpu.dma_semaphore, #tpu.memory_space<semaphore_mem>>, %arg11: memref<128xi32, #tpu.memory_space<vmem>>, %arg12: memref<128xi32, #tpu.memory_space<vmem>>, %arg13: memref<128x128xf32, #tpu.memory_space<vmem>>, %arg14: memref<!tpu.dma_semaphore, #tpu.memory_space<semaphore_mem>>, %arg15: memref<16x128xf32, #tpu.memory_space<vmem>>) attributes {dimension_semantics = [#tpu.dimension_semantics<core_parallel>, #tpu.dimension_semantics<subcore_parallel>], iteration_bounds = array<i64: 2, 16>, scalar_prefetch = 0 : i64, scratch_operands = 10 : i64, tpu.core_type = #tpu.core_type<sc_vector_subcore>, window_params = [{transform_indices = #map}, {transform_indices = #map1}, {transform_indices = #map1}, {transform_indices = #map2}]} {
    %mul3A = arith.constant 2 : i32
    %mul3A_0 = arith.muli %arg1, %mul3A : i32
    %add3A = arith.addi %mul3A_0, %arg0 : i32
    %mul3A_1 = arith.constant 640 : i32
    %mul3A_2 = arith.muli %arg1, %mul3A_1 : i32
    %broadcast_in_dim3A = arith.constant 0.000000e+00 : f32
    %broadcast_in_dim3A_3 = vector.broadcast %broadcast_in_dim3A : f32 to vector<16xf32>
    %scan3A = arith.constant 0 : i32
    %scan3A_4 = arith.constant 0 : i32
    %scan3A_5 = arith.constant 16 : i32
    %scan3A_6 = arith.addi %scan3A_4, %scan3A_5 : i32
    %scan3A_7 = arith.constant 1 : i32
    scf.for %scan3A_45 = %scan3A_4 to %scan3A_6 step %scan3A_7  : i32 {
      %swap3A = arith.index_cast %scan3A_45 : i32 to index
      %swap3A_46 = arith.constant 0 : index
      %swap3A_47 = tpu.vector_load %arg15[%swap3A, %swap3A_46] {strides = array<i32>} : memref<16x128xf32, #tpu.memory_space<vmem>>, vector<1x16xf32>,
      %swap3A_48 = vector.shape_cast %swap3A_47 : vector<1x16xf32> to vector<16xf32>
      %swap3A_49 = vector.shape_cast %broadcast_in_dim3A_3 : vector<16xf32> to vector<1x16xf32>
      tpu.vector_store %arg15[%swap3A, %swap3A_46], %swap3A_49 {strides = array<i32>} : memref<16x128xf32, #tpu.memory_space<vmem>>, vector<1x16xf32>,
      %swap3A_50 = arith.index_cast %scan3A_45 : i32 to index
      %swap3A_51 = arith.constant 16 : index
      %swap3A_52 = tpu.vector_load %arg15[%swap3A_50, %swap3A_51] {strides = array<i32>} : memref<16x128xf32, #tpu.memory_space<vmem>>, vector<1x16xf32>,
      %swap3A_53 = vector.shape_cast %swap3A_52 : vector<1x16xf32> to vector<16xf32>
      %swap3A_54 = vector.shape_cast %broadcast_in_dim3A_3 : vector<16xf32> to vector<1x16xf32>
      tpu.vector_store %arg15[%swap3A_50, %swap3A_51], %swap3A_54 {strides = array<i32>} : memref<16x128xf32, #tpu.memory_space<vmem>>, vector<1x16xf32>,
      %swap3A_55 = arith.index_cast %scan3A_45 : i32 to index
      %swap3A_56 = arith.constant 32 : index
      %swap3A_57 = tpu.vector_load %arg15[%swap3A_55, %swap3A_56] {strides = array<i32>} : memref<16x128xf32, #tpu.memory_space<vmem>>, vector<1x16xf32>,
      %swap3A_58 = vector.shape_cast %swap3A_57 : vector<1x16xf32> to vector<16xf32>
      %swap3A_59 = vector.shape_cast %broadcast_in_dim3A_3 : vector<16xf32> to vector<1x16xf32>
      tpu.vector_store %arg15[%swap3A_55, %swap3A_56], %swap3A_59 {strides = array<i32>} : memref<16x128xf32, #tpu.memory_space<vmem>>, vector<1x16xf32>,
      %swap3A_60 = arith.index_cast %scan3A_45 : i32 to index
      %swap3A_61 = arith.constant 48 : index
      %swap3A_62 = tpu.vector_load %arg15[%swap3A_60, %swap3A_61] {strides = array<i32>} : memref<16x128xf32, #tpu.memory_space<vmem>>, vector<1x16xf32>,
      %swap3A_63 = vector.shape_cast %swap3A_62 : vector<1x16xf32> to vector<16xf32>
      %swap3A_64 = vector.shape_cast %broadcast_in_dim3A_3 : vector<16xf32> to vector<1x16xf32>
      tpu.vector_store %arg15[%swap3A_60, %swap3A_61], %swap3A_64 {strides = array<i32>} : memref<16x128xf32, #tpu.memory_space<vmem>>, vector<1x16xf32>,
      %swap3A_65 = arith.index_cast %scan3A_45 : i32 to index
      %swap3A_66 = arith.constant 64 : index
      %swap3A_67 = tpu.vector_load %arg15[%swap3A_65, %swap3A_66] {strides = array<i32>} : memref<16x128xf32, #tpu.memory_space<vmem>>, vector<1x16xf32>,
      %swap3A_68 = vector.shape_cast %swap3A_67 : vector<1x16xf32> to vector<16xf32>
      %swap3A_69 = vector.shape_cast %broadcast_in_dim3A_3 : vector<16xf32> to vector<1x16xf32>
      tpu.vector_store %arg15[%swap3A_65, %swap3A_66], %swap3A_69 {strides = array<i32>} : memref<16x128xf32, #tpu.memory_space<vmem>>, vector<1x16xf32>,
      %swap3A_70 = arith.index_cast %scan3A_45 : i32 to index
      %swap3A_71 = arith.constant 80 : index
      %swap3A_72 = tpu.vector_load %arg15[%swap3A_70, %swap3A_71] {strides = array<i32>} : memref<16x128xf32, #tpu.memory_space<vmem>>, vector<1x16xf32>,
      %swap3A_73 = vector.shape_cast %swap3A_72 : vector<1x16xf32> to vector<16xf32>
      %swap3A_74 = vector.shape_cast %broadcast_in_dim3A_3 : vector<16xf32> to vector<1x16xf32>
      tpu.vector_store %arg15[%swap3A_70, %swap3A_71], %swap3A_74 {strides = array<i32>} : memref<16x128xf32, #tpu.memory_space<vmem>>, vector<1x16xf32>,
      %swap3A_75 = arith.index_cast %scan3A_45 : i32 to index
      %swap3A_76 = arith.constant 96 : index
      %swap3A_77 = tpu.vector_load %arg15[%swap3A_75, %swap3A_76] {strides = array<i32>} : memref<16x128xf32, #tpu.memory_space<vmem>>, vector<1x16xf32>,
      %swap3A_78 = vector.shape_cast %swap3A_77 : vector<1x16xf32> to vector<16xf32>
      %swap3A_79 = vector.shape_cast %broadcast_in_dim3A_3 : vector<16xf32> to vector<1x16xf32>
      tpu.vector_store %arg15[%swap3A_75, %swap3A_76], %swap3A_79 {strides = array<i32>} : memref<16x128xf32, #tpu.memory_space<vmem>>, vector<1x16xf32>,
      %swap3A_80 = arith.index_cast %scan3A_45 : i32 to index
      %swap3A_81 = arith.constant 112 : index
      %swap3A_82 = tpu.vector_load %arg15[%swap3A_80, %swap3A_81] {strides = array<i32>} : memref<16x128xf32, #tpu.memory_space<vmem>>, vector<1x16xf32>,
      %swap3A_83 = vector.shape_cast %swap3A_82 : vector<1x16xf32> to vector<16xf32>
      %swap3A_84 = vector.shape_cast %broadcast_in_dim3A_3 : vector<16xf32> to vector<1x16xf32>
      tpu.vector_store %arg15[%swap3A_80, %swap3A_81], %swap3A_84 {strides = array<i32>} : memref<16x128xf32, #tpu.memory_space<vmem>>, vector<1x16xf32>,
    }
    %scan3A_8 = arith.constant 16 : i32
    %scan3A_9 = arith.constant 0 : i32
    %scan3A_10 = arith.constant 0 : i32
    %scan3A_11 = arith.constant 40 : i32
    %scan3A_12 = arith.addi %scan3A_10, %scan3A_11 : i32
    %scan3A_13 = arith.constant 1 : i32
    scf.for %scan3A_45 = %scan3A_10 to %scan3A_12 step %scan3A_13  : i32 {
      %mul3A_46 = arith.constant 16 : i32
      %mul3A_47 = arith.muli %scan3A_45, %mul3A_46 : i32
      %add3A_48 = arith.addi %mul3A_2, %mul3A_47 : i32
      "tpu.region"() ({
        %run_scoped3A = tpu.sem_alloc : memref<!tpu.dma_semaphore, #tpu.memory_space<semaphore_mem>>
        %dma_start3A_49 = arith.constant 0 : i32
        %dma_start3A_50 = tpu.memref_slice %arg6[%add3A_48, %dma_start3A_49] : memref<10240x128xf32, #tpu.memory_space<vmem_shared>> -> memref<16x128xf32, #tpu.memory_space<vmem_shared>>
        %dma_start3A_51 = arith.constant 0 : i32
        %dma_start3A_52 = tpu.memref_slice %arg6[%add3A_48, %dma_start3A_51] : memref<10240x128xf32, #tpu.memory_space<vmem_shared>> -> memref<16x128xf32, #tpu.memory_space<vmem_shared>>
        tpu.enqueue_dma source(%arg15 : memref<16x128xf32, #tpu.memory_space<vmem>>) target(%dma_start3A_52 : memref<16x128xf32, #tpu.memory_space<vmem_shared>>) target_semaphore(%run_scoped3A : memref<!tpu.dma_semaphore, #tpu.memory_space<semaphore_mem>>)
        %dma_wait3A_53 = arith.constant 0 : i32
        %dma_wait3A_54 = tpu.memref_slice %arg6[%add3A_48, %dma_wait3A_53] : memref<10240x128xf32, #tpu.memory_space<vmem_shared>> -> memref<16x128xf32, #tpu.memory_space<vmem_shared>>
        %dma_wait3A_55 = arith.constant 0 : i32
        %dma_wait3A_56 = tpu.memref_slice %arg6[%add3A_48, %dma_wait3A_55] : memref<10240x128xf32, #tpu.memory_space<vmem_shared>> -> memref<16x128xf32, #tpu.memory_space<vmem_shared>>
        tpu.wait_dma2 semaphore(%run_scoped3A : memref<!tpu.dma_semaphore, #tpu.memory_space<semaphore_mem>>) src(%arg15 : memref<16x128xf32, #tpu.memory_space<vmem>>) dst(%dma_wait3A_56 : memref<16x128xf32, #tpu.memory_space<vmem_shared>>)
        tpu.yield
      }) : () -> ()
    }
    %scan3A_14 = arith.constant 40 : i32
    %barrier3A = arith.constant 0 : index
    tpu.barrier barrier_id(%barrier3A)
    %mul3A_15 = arith.constant 512 : i32
    %mul3A_16 = arith.muli %add3A, %mul3A_15 : i32
    %add3A_17 = arith.constant 0 : i32
    %add3A_18 = arith.addi %mul3A_16, %add3A_17 : i32
    %multiple_of3A = tpu.assume_multiple %add3A_18, 8 : i32
    "tpu.region"() ({
      %run_scoped3A = tpu.sem_alloc : memref<!tpu.dma_semaphore, #tpu.memory_space<semaphore_mem>>
      %dma_start3A_45 = tpu.memref_slice %arg3[%multiple_of3A] : memref<16640xi32, #tpu.memory_space<hbm>> -> memref<128xi32, #tpu.memory_space<hbm>>
      %dma_start3A_46 = tpu.memref_slice %arg3[%multiple_of3A] : memref<16640xi32, #tpu.memory_space<hbm>> -> memref<128xi32, #tpu.memory_space<hbm>>
      tpu.enqueue_dma source(%dma_start3A_46 : memref<128xi32, #tpu.memory_space<hbm>>) target(%arg7 : memref<128xi32, #tpu.memory_space<vmem>>) target_semaphore(%run_scoped3A : memref<!tpu.dma_semaphore, #tpu.memory_space<semaphore_mem>>)
      %dma_wait3A_47 = tpu.memref_slice %arg3[%multiple_of3A] : memref<16640xi32, #tpu.memory_space<hbm>> -> memref<128xi32, #tpu.memory_space<hbm>>
      %dma_wait3A_48 = tpu.memref_slice %arg3[%multiple_of3A] : memref<16640xi32, #tpu.memory_space<hbm>> -> memref<128xi32, #tpu.memory_space<hbm>>
      tpu.wait_dma2 semaphore(%run_scoped3A : memref<!tpu.dma_semaphore, #tpu.memory_space<semaphore_mem>>) src(%dma_wait3A_48 : memref<128xi32, #tpu.memory_space<hbm>>) dst(%arg7 : memref<128xi32, #tpu.memory_space<vmem>>)
      tpu.yield
    }) : () -> ()
    "tpu.region"() ({
      %run_scoped3A = tpu.sem_alloc : memref<!tpu.dma_semaphore, #tpu.memory_space<semaphore_mem>>
      %dma_start3A_45 = tpu.memref_slice %arg4[%multiple_of3A] : memref<16640xi32, #tpu.memory_space<hbm>> -> memref<128xi32, #tpu.memory_space<hbm>>
      %dma_start3A_46 = tpu.memref_slice %arg4[%multiple_of3A] : memref<16640xi32, #tpu.memory_space<hbm>> -> memref<128xi32, #tpu.memory_space<hbm>>
      tpu.enqueue_dma source(%dma_start3A_46 : memref<128xi32, #tpu.memory_space<hbm>>) target(%arg8 : memref<128xi32, #tpu.memory_space<vmem>>) target_semaphore(%run_scoped3A : memref<!tpu.dma_semaphore, #tpu.memory_space<semaphore_mem>>)
      %dma_wait3A_47 = tpu.memref_slice %arg4[%multiple_of3A] : memref<16640xi32, #tpu.memory_space<hbm>> -> memref<128xi32, #tpu.memory_space<hbm>>
      %dma_wait3A_48 = tpu.memref_slice %arg4[%multiple_of3A] : memref<16640xi32, #tpu.memory_space<hbm>> -> memref<128xi32, #tpu.memory_space<hbm>>
      tpu.wait_dma2 semaphore(%run_scoped3A : memref<!tpu.dma_semaphore, #tpu.memory_space<semaphore_mem>>) src(%dma_wait3A_48 : memref<128xi32, #tpu.memory_space<hbm>>) dst(%arg8 : memref<128xi32, #tpu.memory_space<vmem>>)
      tpu.yield
    }) : () -> ()
    %dma_start3A = arith.constant 0 : i32
    %dma_start3A_19 = arith.constant 0 : i32
    %dma_start3A_20 = tpu.memref_slice %arg2[%dma_start3A, %dma_start3A_19] : memref<1000x128xf32, #tpu.memory_space<hbm>> -> memref<1000x128xf32, #tpu.memory_space<hbm>>
    tpu.enqueue_indirect_dma source(%dma_start3A_20 : memref<1000x128xf32, #tpu.memory_space<hbm>>) target(%arg9 : memref<128x128xf32, #tpu.memory_space<vmem>>) offsets(%arg7 : memref<128xi32, #tpu.memory_space<vmem>>) semaphore(%arg10 : memref<!tpu.dma_semaphore, #tpu.memory_space<semaphore_mem>>)
    %add3A_21 = arith.constant 128 : i32
    %add3A_22 = arith.addi %mul3A_16, %add3A_21 : i32
    %multiple_of3A_23 = tpu.assume_multiple %add3A_22, 8 : i32
    "tpu.region"() ({
      %run_scoped3A = tpu.sem_alloc : memref<!tpu.dma_semaphore, #tpu.memory_space<semaphore_mem>>
      %dma_start3A_45 = tpu.memref_slice %arg3[%multiple_of3A_23] : memref<16640xi32, #tpu.memory_space<hbm>> -> memref<128xi32, #tpu.memory_space<hbm>>
      %dma_start3A_46 = tpu.memref_slice %arg3[%multiple_of3A_23] : memref<16640xi32, #tpu.memory_space<hbm>> -> memref<128xi32, #tpu.memory_space<hbm>>
      tpu.enqueue_dma source(%dma_start3A_46 : memref<128xi32, #tpu.memory_space<hbm>>) target(%arg11 : memref<128xi32, #tpu.memory_space<vmem>>) target_semaphore(%run_scoped3A : memref<!tpu.dma_semaphore, #tpu.memory_space<semaphore_mem>>)
      %dma_wait3A_47 = tpu.memref_slice %arg3[%multiple_of3A_23] : memref<16640xi32, #tpu.memory_space<hbm>> -> memref<128xi32, #tpu.memory_space<hbm>>
      %dma_wait3A_48 = tpu.memref_slice %arg3[%multiple_of3A_23] : memref<16640xi32, #tpu.memory_space<hbm>> -> memref<128xi32, #tpu.memory_space<hbm>>
      tpu.wait_dma2 semaphore(%run_scoped3A : memref<!tpu.dma_semaphore, #tpu.memory_space<semaphore_mem>>) src(%dma_wait3A_48 : memref<128xi32, #tpu.memory_space<hbm>>) dst(%arg11 : memref<128xi32, #tpu.memory_space<vmem>>)
      tpu.yield
    }) : () -> ()
    "tpu.region"() ({
      %run_scoped3A = tpu.sem_alloc : memref<!tpu.dma_semaphore, #tpu.memory_space<semaphore_mem>>
      %dma_start3A_45 = tpu.memref_slice %arg4[%multiple_of3A_23] : memref<16640xi32, #tpu.memory_space<hbm>> -> memref<128xi32, #tpu.memory_space<hbm>>
      %dma_start3A_46 = tpu.memref_slice %arg4[%multiple_of3A_23] : memref<16640xi32, #tpu.memory_space<hbm>> -> memref<128xi32, #tpu.memory_space<hbm>>
      tpu.enqueue_dma source(%dma_start3A_46 : memref<128xi32, #tpu.memory_space<hbm>>) target(%arg12 : memref<128xi32, #tpu.memory_space<vmem>>) target_semaphore(%run_scoped3A : memref<!tpu.dma_semaphore, #tpu.memory_space<semaphore_mem>>)
      %dma_wait3A_47 = tpu.memref_slice %arg4[%multiple_of3A_23] : memref<16640xi32, #tpu.memory_space<hbm>> -> memref<128xi32, #tpu.memory_space<hbm>>
      %dma_wait3A_48 = tpu.memref_slice %arg4[%multiple_of3A_23] : memref<16640xi32, #tpu.memory_space<hbm>> -> memref<128xi32, #tpu.memory_space<hbm>>
      tpu.wait_dma2 semaphore(%run_scoped3A : memref<!tpu.dma_semaphore, #tpu.memory_space<semaphore_mem>>) src(%dma_wait3A_48 : memref<128xi32, #tpu.memory_space<hbm>>) dst(%arg12 : memref<128xi32, #tpu.memory_space<vmem>>)
      tpu.yield
    }) : () -> ()
    %dma_start3A_24 = arith.constant 0 : i32
    %dma_start3A_25 = arith.constant 0 : i32
    %dma_start3A_26 = tpu.memref_slice %arg2[%dma_start3A_24, %dma_start3A_25] : memref<1000x128xf32, #tpu.memory_space<hbm>> -> memref<1000x128xf32, #tpu.memory_space<hbm>>
    tpu.enqueue_indirect_dma source(%dma_start3A_26 : memref<1000x128xf32, #tpu.memory_space<hbm>>) target(%arg13 : memref<128x128xf32, #tpu.memory_space<vmem>>) offsets(%arg11 : memref<128xi32, #tpu.memory_space<vmem>>) semaphore(%arg14 : memref<!tpu.dma_semaphore, #tpu.memory_space<semaphore_mem>>)
    %scan3A_27 = arith.constant 0 : i32
    %scan3A_28 = arith.constant 0 : i32
    %scan3A_29 = arith.constant 2 : i32
    %scan3A_30 = arith.addi %scan3A_28, %scan3A_29 : i32
    %scan3A_31 = arith.constant 1 : i32
    scf.for %scan3A_45 = %scan3A_28 to %scan3A_30 step %scan3A_31  : i32 {
      %mul3A_46 = arith.constant 2 : i32
      %mul3A_47 = arith.muli %scan3A_45, %mul3A_46 : i32
      %add3A_48 = arith.constant 0 : i32
      %add3A_49 = arith.addi %mul3A_47, %add3A_48 : i32
      %dma_wait3A_50 = arith.constant 0 : i32
      %dma_wait3A_51 = arith.constant 0 : i32
      %dma_wait3A_52 = tpu.memref_slice %arg2[%dma_wait3A_50, %dma_wait3A_51] : memref<1000x128xf32, #tpu.memory_space<hbm>> -> memref<128x128xf32, #tpu.memory_space<hbm>>
      %dma_wait3A_53 = arith.constant 0 : i32
      %dma_wait3A_54 = arith.constant 0 : i32
      %dma_wait3A_55 = tpu.memref_slice %arg2[%dma_wait3A_53, %dma_wait3A_54] : memref<1000x128xf32, #tpu.memory_space<hbm>> -> memref<128x128xf32, #tpu.memory_space<hbm>>
      tpu.wait_dma2 semaphore(%arg10 : memref<!tpu.dma_semaphore, #tpu.memory_space<semaphore_mem>>) src(%dma_wait3A_55 : memref<128x128xf32, #tpu.memory_space<hbm>>) dst(%arg9 : memref<128x128xf32, #tpu.memory_space<vmem>>)
      "tpu.region"() ({
        %run_scoped3A = tpu.sem_alloc : memref<!tpu.dma_semaphore, #tpu.memory_space<semaphore_mem>>
        %dma_start3A_84 = arith.constant 0 : i32
        %dma_start3A_85 = arith.constant 0 : i32
        %dma_start3A_86 = tpu.memref_slice %arg6[%dma_start3A_84, %dma_start3A_85] : memref<10240x128xf32, #tpu.memory_space<vmem_shared>> -> memref<10240x128xf32, #tpu.memory_space<vmem_shared>>
        tpu.enqueue_indirect_dma source(%arg9 : memref<128x128xf32, #tpu.memory_space<vmem>>) target(%dma_start3A_86 : memref<10240x128xf32, #tpu.memory_space<vmem_shared>>) offsets(%arg8 : memref<128xi32, #tpu.memory_space<vmem>>) semaphore(%run_scoped3A : memref<!tpu.dma_semaphore, #tpu.memory_space<semaphore_mem>>) {add = true}
        %dma_wait3A_87 = arith.constant 0 : i32
        %dma_wait3A_88 = arith.constant 0 : i32
        %dma_wait3A_89 = tpu.memref_slice %arg6[%dma_wait3A_87, %dma_wait3A_88] : memref<10240x128xf32, #tpu.memory_space<vmem_shared>> -> memref<10240x128xf32, #tpu.memory_space<vmem_shared>>
        tpu.wait_indirect_dma semaphore(%run_scoped3A : memref<!tpu.dma_semaphore, #tpu.memory_space<semaphore_mem>>) src(%arg9 : memref<128x128xf32, #tpu.memory_space<vmem>>) dst(%dma_wait3A_89 : memref<10240x128xf32, #tpu.memory_space<vmem_shared>>)
        tpu.yield
      }) : () -> ()
      %add3A_56 = arith.constant 2 : i32
      %add3A_57 = arith.addi %add3A_49, %add3A_56 : i32
      %mul3A_58 = arith.constant 128 : i32
      %mul3A_59 = arith.muli %add3A_57, %mul3A_58 : i32
      %add3A_60 = arith.addi %mul3A_16, %mul3A_59 : i32
      %multiple_of3A_61 = tpu.assume_multiple %add3A_60, 8 : i32
      "tpu.region"() ({
        %run_scoped3A = tpu.sem_alloc : memref<!tpu.dma_semaphore, #tpu.memory_space<semaphore_mem>>
        %dma_start3A_84 = tpu.memref_slice %arg3[%multiple_of3A_61] : memref<16640xi32, #tpu.memory_space<hbm>> -> memref<128xi32, #tpu.memory_space<hbm>>
        %dma_start3A_85 = tpu.memref_slice %arg3[%multiple_of3A_61] : memref<16640xi32, #tpu.memory_space<hbm>> -> memref<128xi32, #tpu.memory_space<hbm>>
        tpu.enqueue_dma source(%dma_start3A_85 : memref<128xi32, #tpu.memory_space<hbm>>) target(%arg7 : memref<128xi32, #tpu.memory_space<vmem>>) target_semaphore(%run_scoped3A : memref<!tpu.dma_semaphore, #tpu.memory_space<semaphore_mem>>)
        %dma_wait3A_86 = tpu.memref_slice %arg3[%multiple_of3A_61] : memref<16640xi32, #tpu.memory_space<hbm>> -> memref<128xi32, #tpu.memory_space<hbm>>
        %dma_wait3A_87 = tpu.memref_slice %arg3[%multiple_of3A_61] : memref<16640xi32, #tpu.memory_space<hbm>> -> memref<128xi32, #tpu.memory_space<hbm>>
        tpu.wait_dma2 semaphore(%run_scoped3A : memref<!tpu.dma_semaphore, #tpu.memory_space<semaphore_mem>>) src(%dma_wait3A_87 : memref<128xi32, #tpu.memory_space<hbm>>) dst(%arg7 : memref<128xi32, #tpu.memory_space<vmem>>)
        tpu.yield
      }) : () -> ()
      "tpu.region"() ({
        %run_scoped3A = tpu.sem_alloc : memref<!tpu.dma_semaphore, #tpu.memory_space<semaphore_mem>>
        %dma_start3A_84 = tpu.memref_slice %arg4[%multiple_of3A_61] : memref<16640xi32, #tpu.memory_space<hbm>> -> memref<128xi32, #tpu.memory_space<hbm>>
        %dma_start3A_85 = tpu.memref_slice %arg4[%multiple_of3A_61] : memref<16640xi32, #tpu.memory_space<hbm>> -> memref<128xi32, #tpu.memory_space<hbm>>
        tpu.enqueue_dma source(%dma_start3A_85 : memref<128xi32, #tpu.memory_space<hbm>>) target(%arg8 : memref<128xi32, #tpu.memory_space<vmem>>) target_semaphore(%run_scoped3A : memref<!tpu.dma_semaphore, #tpu.memory_space<semaphore_mem>>)
        %dma_wait3A_86 = tpu.memref_slice %arg4[%multiple_of3A_61] : memref<16640xi32, #tpu.memory_space<hbm>> -> memref<128xi32, #tpu.memory_space<hbm>>
        %dma_wait3A_87 = tpu.memref_slice %arg4[%multiple_of3A_61] : memref<16640xi32, #tpu.memory_space<hbm>> -> memref<128xi32, #tpu.memory_space<hbm>>
        tpu.wait_dma2 semaphore(%run_scoped3A : memref<!tpu.dma_semaphore, #tpu.memory_space<semaphore_mem>>) src(%dma_wait3A_87 : memref<128xi32, #tpu.memory_space<hbm>>) dst(%arg8 : memref<128xi32, #tpu.memory_space<vmem>>)
        tpu.yield
      }) : () -> ()
      %dma_start3A_62 = arith.constant 0 : i32
      %dma_start3A_63 = arith.constant 0 : i32
      %dma_start3A_64 = tpu.memref_slice %arg2[%dma_start3A_62, %dma_start3A_63] : memref<1000x128xf32, #tpu.memory_space<hbm>> -> memref<1000x128xf32, #tpu.memory_space<hbm>>
      tpu.enqueue_indirect_dma source(%dma_start3A_64 : memref<1000x128xf32, #tpu.memory_space<hbm>>) target(%arg9 : memref<128x128xf32, #tpu.memory_space<vmem>>) offsets(%arg7 : memref<128xi32, #tpu.memory_space<vmem>>) semaphore(%arg10 : memref<!tpu.dma_semaphore, #tpu.memory_space<semaphore_mem>>)
      %mul3A_65 = arith.constant 2 : i32
      %mul3A_66 = arith.muli %scan3A_45, %mul3A_65 : i32
      %add3A_67 = arith.constant 1 : i32
      %add3A_68 = arith.addi %mul3A_66, %add3A_67 : i32
      %dma_wait3A_69 = arith.constant 0 : i32
      %dma_wait3A_70 = arith.constant 0 : i32
      %dma_wait3A_71 = tpu.memref_slice %arg2[%dma_wait3A_69, %dma_wait3A_70] : memref<1000x128xf32, #tpu.memory_space<hbm>> -> memref<128x128xf32, #tpu.memory_space<hbm>>
      %dma_wait3A_72 = arith.constant 0 : i32
      %dma_wait3A_73 = arith.constant 0 : i32
      %dma_wait3A_74 = tpu.memref_slice %arg2[%dma_wait3A_72, %dma_wait3A_73] : memref<1000x128xf32, #tpu.memory_space<hbm>> -> memref<128x128xf32, #tpu.memory_space<hbm>>
      tpu.wait_dma2 semaphore(%arg14 : memref<!tpu.dma_semaphore, #tpu.memory_space<semaphore_mem>>) src(%dma_wait3A_74 : memref<128x128xf32, #tpu.memory_space<hbm>>) dst(%arg13 : memref<128x128xf32, #tpu.memory_space<vmem>>)
      "tpu.region"() ({
        %run_scoped3A = tpu.sem_alloc : memref<!tpu.dma_semaphore, #tpu.memory_space<semaphore_mem>>
        %dma_start3A_84 = arith.constant 0 : i32
        %dma_start3A_85 = arith.constant 0 : i32
        %dma_start3A_86 = tpu.memref_slice %arg6[%dma_start3A_84, %dma_start3A_85] : memref<10240x128xf32, #tpu.memory_space<vmem_shared>> -> memref<10240x128xf32, #tpu.memory_space<vmem_shared>>
        tpu.enqueue_indirect_dma source(%arg13 : memref<128x128xf32, #tpu.memory_space<vmem>>) target(%dma_start3A_86 : memref<10240x128xf32, #tpu.memory_space<vmem_shared>>) offsets(%arg12 : memref<128xi32, #tpu.memory_space<vmem>>) semaphore(%run_scoped3A : memref<!tpu.dma_semaphore, #tpu.memory_space<semaphore_mem>>) {add = true}
        %dma_wait3A_87 = arith.constant 0 : i32
        %dma_wait3A_88 = arith.constant 0 : i32
        %dma_wait3A_89 = tpu.memref_slice %arg6[%dma_wait3A_87, %dma_wait3A_88] : memref<10240x128xf32, #tpu.memory_space<vmem_shared>> -> memref<10240x128xf32, #tpu.memory_space<vmem_shared>>
        tpu.wait_indirect_dma semaphore(%run_scoped3A : memref<!tpu.dma_semaphore, #tpu.memory_space<semaphore_mem>>) src(%arg13 : memref<128x128xf32, #tpu.memory_space<vmem>>) dst(%dma_wait3A_89 : memref<10240x128xf32, #tpu.memory_space<vmem_shared>>)
        tpu.yield
      }) : () -> ()
      %add3A_75 = arith.constant 2 : i32
      %add3A_76 = arith.addi %add3A_68, %add3A_75 : i32
      %mul3A_77 = arith.constant 128 : i32
      %mul3A_78 = arith.muli %add3A_76, %mul3A_77 : i32
      %add3A_79 = arith.addi %mul3A_16, %mul3A_78 : i32
      %multiple_of3A_80 = tpu.assume_multiple %add3A_79, 8 : i32
      "tpu.region"() ({
        %run_scoped3A = tpu.sem_alloc : memref<!tpu.dma_semaphore, #tpu.memory_space<semaphore_mem>>
        %dma_start3A_84 = tpu.memref_slice %arg3[%multiple_of3A_80] : memref<16640xi32, #tpu.memory_space<hbm>> -> memref<128xi32, #tpu.memory_space<hbm>>
        %dma_start3A_85 = tpu.memref_slice %arg3[%multiple_of3A_80] : memref<16640xi32, #tpu.memory_space<hbm>> -> memref<128xi32, #tpu.memory_space<hbm>>
        tpu.enqueue_dma source(%dma_start3A_85 : memref<128xi32, #tpu.memory_space<hbm>>) target(%arg11 : memref<128xi32, #tpu.memory_space<vmem>>) target_semaphore(%run_scoped3A : memref<!tpu.dma_semaphore, #tpu.memory_space<semaphore_mem>>)
        %dma_wait3A_86 = tpu.memref_slice %arg3[%multiple_of3A_80] : memref<16640xi32, #tpu.memory_space<hbm>> -> memref<128xi32, #tpu.memory_space<hbm>>
        %dma_wait3A_87 = tpu.memref_slice %arg3[%multiple_of3A_80] : memref<16640xi32, #tpu.memory_space<hbm>> -> memref<128xi32, #tpu.memory_space<hbm>>
        tpu.wait_dma2 semaphore(%run_scoped3A : memref<!tpu.dma_semaphore, #tpu.memory_space<semaphore_mem>>) src(%dma_wait3A_87 : memref<128xi32, #tpu.memory_space<hbm>>) dst(%arg11 : memref<128xi32, #tpu.memory_space<vmem>>)
        tpu.yield
      }) : () -> ()
      "tpu.region"() ({
        %run_scoped3A = tpu.sem_alloc : memref<!tpu.dma_semaphore, #tpu.memory_space<semaphore_mem>>
        %dma_start3A_84 = tpu.memref_slice %arg4[%multiple_of3A_80] : memref<16640xi32, #tpu.memory_space<hbm>> -> memref<128xi32, #tpu.memory_space<hbm>>
        %dma_start3A_85 = tpu.memref_slice %arg4[%multiple_of3A_80] : memref<16640xi32, #tpu.memory_space<hbm>> -> memref<128xi32, #tpu.memory_space<hbm>>
        tpu.enqueue_dma source(%dma_start3A_85 : memref<128xi32, #tpu.memory_space<hbm>>) target(%arg12 : memref<128xi32, #tpu.memory_space<vmem>>) target_semaphore(%run_scoped3A : memref<!tpu.dma_semaphore, #tpu.memory_space<semaphore_mem>>)
        %dma_wait3A_86 = tpu.memref_slice %arg4[%multiple_of3A_80] : memref<16640xi32, #tpu.memory_space<hbm>> -> memref<128xi32, #tpu.memory_space<hbm>>
        %dma_wait3A_87 = tpu.memref_slice %arg4[%multiple_of3A_80] : memref<16640xi32, #tpu.memory_space<hbm>> -> memref<128xi32, #tpu.memory_space<hbm>>
        tpu.wait_dma2 semaphore(%run_scoped3A : memref<!tpu.dma_semaphore, #tpu.memory_space<semaphore_mem>>) src(%dma_wait3A_87 : memref<128xi32, #tpu.memory_space<hbm>>) dst(%arg12 : memref<128xi32, #tpu.memory_space<vmem>>)
        tpu.yield
      }) : () -> ()
      %dma_start3A_81 = arith.constant 0 : i32
      %dma_start3A_82 = arith.constant 0 : i32
      %dma_start3A_83 = tpu.memref_slice %arg2[%dma_start3A_81, %dma_start3A_82] : memref<1000x128xf32, #tpu.memory_space<hbm>> -> memref<1000x128xf32, #tpu.memory_space<hbm>>
      tpu.enqueue_indirect_dma source(%dma_start3A_83 : memref<1000x128xf32, #tpu.memory_space<hbm>>) target(%arg13 : memref<128x128xf32, #tpu.memory_space<vmem>>) offsets(%arg11 : memref<128xi32, #tpu.memory_space<vmem>>) semaphore(%arg14 : memref<!tpu.dma_semaphore, #tpu.memory_space<semaphore_mem>>)
    }
    %scan3A_32 = arith.constant 2 : i32
    %dma_wait3A = arith.constant 0 : i32
    %dma_wait3A_33 = arith.constant 0 : i32
    %dma_wait3A_34 = tpu.memref_slice %arg2[%dma_wait3A, %dma_wait3A_33] : memref<1000x128xf32, #tpu.memory_space<hbm>> -> memref<128x128xf32, #tpu.memory_space<hbm>>
    %dma_wait3A_35 = arith.constant 0 : i32
    %dma_wait3A_36 = arith.constant 0 : i32
    %dma_wait3A_37 = tpu.memref_slice %arg2[%dma_wait3A_35, %dma_wait3A_36] : memref<1000x128xf32, #tpu.memory_space<hbm>> -> memref<128x128xf32, #tpu.memory_space<hbm>>
    tpu.wait_dma2 semaphore(%arg10 : memref<!tpu.dma_semaphore, #tpu.memory_space<semaphore_mem>>) src(%dma_wait3A_37 : memref<128x128xf32, #tpu.memory_space<hbm>>) dst(%arg9 : memref<128x128xf32, #tpu.memory_space<vmem>>)
    %dma_wait3A_38 = arith.constant 0 : i32
    %dma_wait3A_39 = arith.constant 0 : i32
    %dma_wait3A_40 = tpu.memref_slice %arg2[%dma_wait3A_38, %dma_wait3A_39] : memref<1000x128xf32, #tpu.memory_space<hbm>> -> memref<128x128xf32, #tpu.memory_space<hbm>>
    %dma_wait3A_41 = arith.constant 0 : i32
    %dma_wait3A_42 = arith.constant 0 : i32
    %dma_wait3A_43 = tpu.memref_slice %arg2[%dma_wait3A_41, %dma_wait3A_42] : memref<1000x128xf32, #tpu.memory_space<hbm>> -> memref<128x128xf32, #tpu.memory_space<hbm>>
    tpu.wait_dma2 semaphore(%arg14 : memref<!tpu.dma_semaphore, #tpu.memory_space<semaphore_mem>>) src(%dma_wait3A_43 : memref<128x128xf32, #tpu.memory_space<hbm>>) dst(%arg13 : memref<128x128xf32, #tpu.memory_space<vmem>>)
    %barrier3A_44 = arith.constant 0 : index
    tpu.barrier barrier_id(%barrier3A_44)
    "tpu.region"() ({
      %run_scoped3A = tpu.sem_alloc : memref<!tpu.dma_semaphore, #tpu.memory_space<semaphore_mem>>
      %dma_start3A_45 = arith.constant 0 : i32
      %dma_start3A_46 = tpu.memref_slice %arg5[%arg0, %mul3A_2, %dma_start3A_45] : memref<2x10240x128xf32, #tpu.memory_space<hbm>> -> memref<1x640x128xf32, #tpu.memory_space<hbm>>
      %dma_start3A_47 = tpu.memref_squeeze %dma_start3A_46 : memref<1x640x128xf32, #tpu.memory_space<hbm>> -> memref<640x128xf32, #tpu.memory_space<hbm>>
      %dma_start3A_48 = arith.constant 0 : i32
      %dma_start3A_49 = tpu.memref_slice %arg6[%mul3A_2, %dma_start3A_48] : memref<10240x128xf32, #tpu.memory_space<vmem_shared>> -> memref<640x128xf32, #tpu.memory_space<vmem_shared>>
      tpu.enqueue_dma source(%dma_start3A_49 : memref<640x128xf32, #tpu.memory_space<vmem_shared>>) target(%dma_start3A_47 : memref<640x128xf32, #tpu.memory_space<hbm>>) target_semaphore(%run_scoped3A : memref<!tpu.dma_semaphore, #tpu.memory_space<semaphore_mem>>)
      %dma_wait3A_50 = arith.constant 0 : i32
      %dma_wait3A_51 = tpu.memref_slice %arg5[%arg0, %mul3A_2, %dma_wait3A_50] : memref<2x10240x128xf32, #tpu.memory_space<hbm>> -> memref<1x640x128xf32, #tpu.memory_space<hbm>>
      %dma_wait3A_52 = tpu.memref_squeeze %dma_wait3A_51 : memref<1x640x128xf32, #tpu.memory_space<hbm>> -> memref<640x128xf32, #tpu.memory_space<hbm>>
      %dma_wait3A_53 = arith.constant 0 : i32
      %dma_wait3A_54 = tpu.memref_slice %arg6[%mul3A_2, %dma_wait3A_53] : memref<10240x128xf32, #tpu.memory_space<vmem_shared>> -> memref<640x128xf32, #tpu.memory_space<vmem_shared>>
      tpu.wait_dma2 semaphore(%run_scoped3A : memref<!tpu.dma_semaphore, #tpu.memory_space<semaphore_mem>>) src(%dma_wait3A_54 : memref<640x128xf32, #tpu.memory_space<vmem_shared>>) dst(%dma_wait3A_52 : memref<640x128xf32, #tpu.memory_space<hbm>>)
      tpu.yield
    }) : () -> ()
    return
  }
}

#map = affine_map<(d0, d1) -> (0, 0)>
#map1 = affine_map<(d0, d1) -> (0)>
#map2 = affine_map<(d0, d1) -> (0, 0, 0)>
module attributes {stable_mosaic.version = 14 : i64} {
  func.func @body(%arg0: i32, %arg1: i32, %arg2: memref<10240x128xf32, #tpu.memory_space<hbm>>, %arg3: memref<327936xi32, #tpu.memory_space<hbm>>, %arg4: memref<327936xi32, #tpu.memory_space<hbm>>, %arg5: memref<2x10240x128xf32, #tpu.memory_space<hbm>>, %arg6: memref<10240x128xf32, #tpu.memory_space<vmem_shared>>, %arg7: memref<128xi32, #tpu.memory_space<vmem>>, %arg8: memref<128xi32, #tpu.memory_space<vmem>>, %arg9: memref<128x128xf32, #tpu.memory_space<vmem>>, %arg10: memref<!tpu.dma_semaphore, #tpu.memory_space<semaphore_mem>>, %arg11: memref<128xi32, #tpu.memory_space<vmem>>, %arg12: memref<128xi32, #tpu.memory_space<vmem>>, %arg13: memref<128x128xf32, #tpu.memory_space<vmem>>, %arg14: memref<!tpu.dma_semaphore, #tpu.memory_space<semaphore_mem>>, %arg15: memref<16x128xf32, #tpu.memory_space<vmem>>) attributes {dimension_semantics = [#tpu.dimension_semantics<core_parallel>, #tpu.dimension_semantics<subcore_parallel>], iteration_bounds = array<i64: 2, 16>, scalar_prefetch = 0 : i64, scratch_operands = 10 : i64, tpu.core_type = #tpu.core_type<sc_vector_subcore>, window_params = [{transform_indices = #map}, {transform_indices = #map1}, {transform_indices = #map1}, {transform_indices = #map2}]} {
    %mul3A = arith.constant 2 : i32
    %mul3A_0 = arith.muli %arg1, %mul3A : i32
    %add3A = arith.addi %mul3A_0, %arg0 : i32
    %mul3A_1 = arith.constant 640 : i32
    %mul3A_2 = arith.muli %arg1, %mul3A_1 : i32
    %broadcast_in_dim3A = arith.constant 0.000000e+00 : f32
    %broadcast_in_dim3A_3 = vector.broadcast %broadcast_in_dim3A : f32 to vector<16xf32>
    %scan3A = arith.constant 0 : i32
    %scan3A_4 = arith.constant 0 : i32
    %scan3A_5 = arith.constant 16 : i32
    %scan3A_6 = arith.addi %scan3A_4, %scan3A_5 : i32
    %scan3A_7 = arith.constant 1 : i32
    scf.for %scan3A_45 = %scan3A_4 to %scan3A_6 step %scan3A_7  : i32 {
      %swap3A = arith.index_cast %scan3A_45 : i32 to index
      %swap3A_46 = arith.constant 0 : index
      %swap3A_47 = tpu.vector_load %arg15[%swap3A, %swap3A_46] {strides = array<i32>} : memref<16x128xf32, #tpu.memory_space<vmem>>, vector<1x16xf32>,
      %swap3A_48 = vector.shape_cast %swap3A_47 : vector<1x16xf32> to vector<16xf32>
      %swap3A_49 = vector.shape_cast %broadcast_in_dim3A_3 : vector<16xf32> to vector<1x16xf32>
      tpu.vector_store %arg15[%swap3A, %swap3A_46], %swap3A_49 {strides = array<i32>} : memref<16x128xf32, #tpu.memory_space<vmem>>, vector<1x16xf32>,
      %swap3A_50 = arith.index_cast %scan3A_45 : i32 to index
      %swap3A_51 = arith.constant 16 : index
      %swap3A_52 = tpu.vector_load %arg15[%swap3A_50, %swap3A_51] {strides = array<i32>} : memref<16x128xf32, #tpu.memory_space<vmem>>, vector<1x16xf32>,
      %swap3A_53 = vector.shape_cast %swap3A_52 : vector<1x16xf32> to vector<16xf32>
      %swap3A_54 = vector.shape_cast %broadcast_in_dim3A_3 : vector<16xf32> to vector<1x16xf32>
      tpu.vector_store %arg15[%swap3A_50, %swap3A_51], %swap3A_54 {strides = array<i32>} : memref<16x128xf32, #tpu.memory_space<vmem>>, vector<1x16xf32>,
      %swap3A_55 = arith.index_cast %scan3A_45 : i32 to index
      %swap3A_56 = arith.constant 32 : index
      %swap3A_57 = tpu.vector_load %arg15[%swap3A_55, %swap3A_56] {strides = array<i32>} : memref<16x128xf32, #tpu.memory_space<vmem>>, vector<1x16xf32>,
      %swap3A_58 = vector.shape_cast %swap3A_57 : vector<1x16xf32> to vector<16xf32>
      %swap3A_59 = vector.shape_cast %broadcast_in_dim3A_3 : vector<16xf32> to vector<1x16xf32>
      tpu.vector_store %arg15[%swap3A_55, %swap3A_56], %swap3A_59 {strides = array<i32>} : memref<16x128xf32, #tpu.memory_space<vmem>>, vector<1x16xf32>,
      %swap3A_60 = arith.index_cast %scan3A_45 : i32 to index
      %swap3A_61 = arith.constant 48 : index
      %swap3A_62 = tpu.vector_load %arg15[%swap3A_60, %swap3A_61] {strides = array<i32>} : memref<16x128xf32, #tpu.memory_space<vmem>>, vector<1x16xf32>,
      %swap3A_63 = vector.shape_cast %swap3A_62 : vector<1x16xf32> to vector<16xf32>
      %swap3A_64 = vector.shape_cast %broadcast_in_dim3A_3 : vector<16xf32> to vector<1x16xf32>
      tpu.vector_store %arg15[%swap3A_60, %swap3A_61], %swap3A_64 {strides = array<i32>} : memref<16x128xf32, #tpu.memory_space<vmem>>, vector<1x16xf32>,
      %swap3A_65 = arith.index_cast %scan3A_45 : i32 to index
      %swap3A_66 = arith.constant 64 : index
      %swap3A_67 = tpu.vector_load %arg15[%swap3A_65, %swap3A_66] {strides = array<i32>} : memref<16x128xf32, #tpu.memory_space<vmem>>, vector<1x16xf32>,
      %swap3A_68 = vector.shape_cast %swap3A_67 : vector<1x16xf32> to vector<16xf32>
      %swap3A_69 = vector.shape_cast %broadcast_in_dim3A_3 : vector<16xf32> to vector<1x16xf32>
      tpu.vector_store %arg15[%swap3A_65, %swap3A_66], %swap3A_69 {strides = array<i32>} : memref<16x128xf32, #tpu.memory_space<vmem>>, vector<1x16xf32>,
      %swap3A_70 = arith.index_cast %scan3A_45 : i32 to index
      %swap3A_71 = arith.constant 80 : index
      %swap3A_72 = tpu.vector_load %arg15[%swap3A_70, %swap3A_71] {strides = array<i32>} : memref<16x128xf32, #tpu.memory_space<vmem>>, vector<1x16xf32>,
      %swap3A_73 = vector.shape_cast %swap3A_72 : vector<1x16xf32> to vector<16xf32>
      %swap3A_74 = vector.shape_cast %broadcast_in_dim3A_3 : vector<16xf32> to vector<1x16xf32>
      tpu.vector_store %arg15[%swap3A_70, %swap3A_71], %swap3A_74 {strides = array<i32>} : memref<16x128xf32, #tpu.memory_space<vmem>>, vector<1x16xf32>,
      %swap3A_75 = arith.index_cast %scan3A_45 : i32 to index
      %swap3A_76 = arith.constant 96 : index
      %swap3A_77 = tpu.vector_load %arg15[%swap3A_75, %swap3A_76] {strides = array<i32>} : memref<16x128xf32, #tpu.memory_space<vmem>>, vector<1x16xf32>,
      %swap3A_78 = vector.shape_cast %swap3A_77 : vector<1x16xf32> to vector<16xf32>
      %swap3A_79 = vector.shape_cast %broadcast_in_dim3A_3 : vector<16xf32> to vector<1x16xf32>
      tpu.vector_store %arg15[%swap3A_75, %swap3A_76], %swap3A_79 {strides = array<i32>} : memref<16x128xf32, #tpu.memory_space<vmem>>, vector<1x16xf32>,
      %swap3A_80 = arith.index_cast %scan3A_45 : i32 to index
      %swap3A_81 = arith.constant 112 : index
      %swap3A_82 = tpu.vector_load %arg15[%swap3A_80, %swap3A_81] {strides = array<i32>} : memref<16x128xf32, #tpu.memory_space<vmem>>, vector<1x16xf32>,
      %swap3A_83 = vector.shape_cast %swap3A_82 : vector<1x16xf32> to vector<16xf32>
      %swap3A_84 = vector.shape_cast %broadcast_in_dim3A_3 : vector<16xf32> to vector<1x16xf32>
      tpu.vector_store %arg15[%swap3A_80, %swap3A_81], %swap3A_84 {strides = array<i32>} : memref<16x128xf32, #tpu.memory_space<vmem>>, vector<1x16xf32>,
    }
    %scan3A_8 = arith.constant 16 : i32
    %scan3A_9 = arith.constant 0 : i32
    %scan3A_10 = arith.constant 0 : i32
    %scan3A_11 = arith.constant 40 : i32
    %scan3A_12 = arith.addi %scan3A_10, %scan3A_11 : i32
    %scan3A_13 = arith.constant 1 : i32
    scf.for %scan3A_45 = %scan3A_10 to %scan3A_12 step %scan3A_13  : i32 {
      %mul3A_46 = arith.constant 16 : i32
      %mul3A_47 = arith.muli %scan3A_45, %mul3A_46 : i32
      %add3A_48 = arith.addi %mul3A_2, %mul3A_47 : i32
      "tpu.region"() ({
        %run_scoped3A = tpu.sem_alloc : memref<!tpu.dma_semaphore, #tpu.memory_space<semaphore_mem>>
        %dma_start3A_49 = arith.constant 0 : i32
        %dma_start3A_50 = tpu.memref_slice %arg6[%add3A_48, %dma_start3A_49] : memref<10240x128xf32, #tpu.memory_space<vmem_shared>> -> memref<16x128xf32, #tpu.memory_space<vmem_shared>>
        %dma_start3A_51 = arith.constant 0 : i32
        %dma_start3A_52 = tpu.memref_slice %arg6[%add3A_48, %dma_start3A_51] : memref<10240x128xf32, #tpu.memory_space<vmem_shared>> -> memref<16x128xf32, #tpu.memory_space<vmem_shared>>
        tpu.enqueue_dma source(%arg15 : memref<16x128xf32, #tpu.memory_space<vmem>>) target(%dma_start3A_52 : memref<16x128xf32, #tpu.memory_space<vmem_shared>>) target_semaphore(%run_scoped3A : memref<!tpu.dma_semaphore, #tpu.memory_space<semaphore_mem>>)
        %dma_wait3A_53 = arith.constant 0 : i32
        %dma_wait3A_54 = tpu.memref_slice %arg6[%add3A_48, %dma_wait3A_53] : memref<10240x128xf32, #tpu.memory_space<vmem_shared>> -> memref<16x128xf32, #tpu.memory_space<vmem_shared>>
        %dma_wait3A_55 = arith.constant 0 : i32
        %dma_wait3A_56 = tpu.memref_slice %arg6[%add3A_48, %dma_wait3A_55] : memref<10240x128xf32, #tpu.memory_space<vmem_shared>> -> memref<16x128xf32, #tpu.memory_space<vmem_shared>>
        tpu.wait_dma2 semaphore(%run_scoped3A : memref<!tpu.dma_semaphore, #tpu.memory_space<semaphore_mem>>) src(%arg15 : memref<16x128xf32, #tpu.memory_space<vmem>>) dst(%dma_wait3A_56 : memref<16x128xf32, #tpu.memory_space<vmem_shared>>)
        tpu.yield
      }) : () -> ()
    }
    %scan3A_14 = arith.constant 40 : i32
    %barrier3A = arith.constant 0 : index
    tpu.barrier barrier_id(%barrier3A)
    %mul3A_15 = arith.constant 10240 : i32
    %mul3A_16 = arith.muli %add3A, %mul3A_15 : i32
    %add3A_17 = arith.constant 0 : i32
    %add3A_18 = arith.addi %mul3A_16, %add3A_17 : i32
    %multiple_of3A = tpu.assume_multiple %add3A_18, 8 : i32
    "tpu.region"() ({
      %run_scoped3A = tpu.sem_alloc : memref<!tpu.dma_semaphore, #tpu.memory_space<semaphore_mem>>
      %dma_start3A_45 = tpu.memref_slice %arg3[%multiple_of3A] : memref<327936xi32, #tpu.memory_space<hbm>> -> memref<128xi32, #tpu.memory_space<hbm>>
      %dma_start3A_46 = tpu.memref_slice %arg3[%multiple_of3A] : memref<327936xi32, #tpu.memory_space<hbm>> -> memref<128xi32, #tpu.memory_space<hbm>>
      tpu.enqueue_dma source(%dma_start3A_46 : memref<128xi32, #tpu.memory_space<hbm>>) target(%arg7 : memref<128xi32, #tpu.memory_space<vmem>>) target_semaphore(%run_scoped3A : memref<!tpu.dma_semaphore, #tpu.memory_space<semaphore_mem>>)
      %dma_wait3A_47 = tpu.memref_slice %arg3[%multiple_of3A] : memref<327936xi32, #tpu.memory_space<hbm>> -> memref<128xi32, #tpu.memory_space<hbm>>
      %dma_wait3A_48 = tpu.memref_slice %arg3[%multiple_of3A] : memref<327936xi32, #tpu.memory_space<hbm>> -> memref<128xi32, #tpu.memory_space<hbm>>
      tpu.wait_dma2 semaphore(%run_scoped3A : memref<!tpu.dma_semaphore, #tpu.memory_space<semaphore_mem>>) src(%dma_wait3A_48 : memref<128xi32, #tpu.memory_space<hbm>>) dst(%arg7 : memref<128xi32, #tpu.memory_space<vmem>>)
      tpu.yield
    }) : () -> ()
    "tpu.region"() ({
      %run_scoped3A = tpu.sem_alloc : memref<!tpu.dma_semaphore, #tpu.memory_space<semaphore_mem>>
      %dma_start3A_45 = tpu.memref_slice %arg4[%multiple_of3A] : memref<327936xi32, #tpu.memory_space<hbm>> -> memref<128xi32, #tpu.memory_space<hbm>>
      %dma_start3A_46 = tpu.memref_slice %arg4[%multiple_of3A] : memref<327936xi32, #tpu.memory_space<hbm>> -> memref<128xi32, #tpu.memory_space<hbm>>
      tpu.enqueue_dma source(%dma_start3A_46 : memref<128xi32, #tpu.memory_space<hbm>>) target(%arg8 : memref<128xi32, #tpu.memory_space<vmem>>) target_semaphore(%run_scoped3A : memref<!tpu.dma_semaphore, #tpu.memory_space<semaphore_mem>>)
      %dma_wait3A_47 = tpu.memref_slice %arg4[%multiple_of3A] : memref<327936xi32, #tpu.memory_space<hbm>> -> memref<128xi32, #tpu.memory_space<hbm>>
      %dma_wait3A_48 = tpu.memref_slice %arg4[%multiple_of3A] : memref<327936xi32, #tpu.memory_space<hbm>> -> memref<128xi32, #tpu.memory_space<hbm>>
      tpu.wait_dma2 semaphore(%run_scoped3A : memref<!tpu.dma_semaphore, #tpu.memory_space<semaphore_mem>>) src(%dma_wait3A_48 : memref<128xi32, #tpu.memory_space<hbm>>) dst(%arg8 : memref<128xi32, #tpu.memory_space<vmem>>)
      tpu.yield
    }) : () -> ()
    %dma_start3A = arith.constant 0 : i32
    %dma_start3A_19 = arith.constant 0 : i32
    %dma_start3A_20 = tpu.memref_slice %arg2[%dma_start3A, %dma_start3A_19] : memref<10240x128xf32, #tpu.memory_space<hbm>> -> memref<10240x128xf32, #tpu.memory_space<hbm>>
    tpu.enqueue_indirect_dma source(%dma_start3A_20 : memref<10240x128xf32, #tpu.memory_space<hbm>>) target(%arg9 : memref<128x128xf32, #tpu.memory_space<vmem>>) offsets(%arg7 : memref<128xi32, #tpu.memory_space<vmem>>) semaphore(%arg10 : memref<!tpu.dma_semaphore, #tpu.memory_space<semaphore_mem>>)
    %add3A_21 = arith.constant 128 : i32
    %add3A_22 = arith.addi %mul3A_16, %add3A_21 : i32
    %multiple_of3A_23 = tpu.assume_multiple %add3A_22, 8 : i32
    "tpu.region"() ({
      %run_scoped3A = tpu.sem_alloc : memref<!tpu.dma_semaphore, #tpu.memory_space<semaphore_mem>>
      %dma_start3A_45 = tpu.memref_slice %arg3[%multiple_of3A_23] : memref<327936xi32, #tpu.memory_space<hbm>> -> memref<128xi32, #tpu.memory_space<hbm>>
      %dma_start3A_46 = tpu.memref_slice %arg3[%multiple_of3A_23] : memref<327936xi32, #tpu.memory_space<hbm>> -> memref<128xi32, #tpu.memory_space<hbm>>
      tpu.enqueue_dma source(%dma_start3A_46 : memref<128xi32, #tpu.memory_space<hbm>>) target(%arg11 : memref<128xi32, #tpu.memory_space<vmem>>) target_semaphore(%run_scoped3A : memref<!tpu.dma_semaphore, #tpu.memory_space<semaphore_mem>>)
      %dma_wait3A_47 = tpu.memref_slice %arg3[%multiple_of3A_23] : memref<327936xi32, #tpu.memory_space<hbm>> -> memref<128xi32, #tpu.memory_space<hbm>>
      %dma_wait3A_48 = tpu.memref_slice %arg3[%multiple_of3A_23] : memref<327936xi32, #tpu.memory_space<hbm>> -> memref<128xi32, #tpu.memory_space<hbm>>
      tpu.wait_dma2 semaphore(%run_scoped3A : memref<!tpu.dma_semaphore, #tpu.memory_space<semaphore_mem>>) src(%dma_wait3A_48 : memref<128xi32, #tpu.memory_space<hbm>>) dst(%arg11 : memref<128xi32, #tpu.memory_space<vmem>>)
      tpu.yield
    }) : () -> ()
    "tpu.region"() ({
      %run_scoped3A = tpu.sem_alloc : memref<!tpu.dma_semaphore, #tpu.memory_space<semaphore_mem>>
      %dma_start3A_45 = tpu.memref_slice %arg4[%multiple_of3A_23] : memref<327936xi32, #tpu.memory_space<hbm>> -> memref<128xi32, #tpu.memory_space<hbm>>
      %dma_start3A_46 = tpu.memref_slice %arg4[%multiple_of3A_23] : memref<327936xi32, #tpu.memory_space<hbm>> -> memref<128xi32, #tpu.memory_space<hbm>>
      tpu.enqueue_dma source(%dma_start3A_46 : memref<128xi32, #tpu.memory_space<hbm>>) target(%arg12 : memref<128xi32, #tpu.memory_space<vmem>>) target_semaphore(%run_scoped3A : memref<!tpu.dma_semaphore, #tpu.memory_space<semaphore_mem>>)
      %dma_wait3A_47 = tpu.memref_slice %arg4[%multiple_of3A_23] : memref<327936xi32, #tpu.memory_space<hbm>> -> memref<128xi32, #tpu.memory_space<hbm>>
      %dma_wait3A_48 = tpu.memref_slice %arg4[%multiple_of3A_23] : memref<327936xi32, #tpu.memory_space<hbm>> -> memref<128xi32, #tpu.memory_space<hbm>>
      tpu.wait_dma2 semaphore(%run_scoped3A : memref<!tpu.dma_semaphore, #tpu.memory_space<semaphore_mem>>) src(%dma_wait3A_48 : memref<128xi32, #tpu.memory_space<hbm>>) dst(%arg12 : memref<128xi32, #tpu.memory_space<vmem>>)
      tpu.yield
    }) : () -> ()
    %dma_start3A_24 = arith.constant 0 : i32
    %dma_start3A_25 = arith.constant 0 : i32
    %dma_start3A_26 = tpu.memref_slice %arg2[%dma_start3A_24, %dma_start3A_25] : memref<10240x128xf32, #tpu.memory_space<hbm>> -> memref<10240x128xf32, #tpu.memory_space<hbm>>
    tpu.enqueue_indirect_dma source(%dma_start3A_26 : memref<10240x128xf32, #tpu.memory_space<hbm>>) target(%arg13 : memref<128x128xf32, #tpu.memory_space<vmem>>) offsets(%arg11 : memref<128xi32, #tpu.memory_space<vmem>>) semaphore(%arg14 : memref<!tpu.dma_semaphore, #tpu.memory_space<semaphore_mem>>)
    %scan3A_27 = arith.constant 0 : i32
    %scan3A_28 = arith.constant 0 : i32
    %scan3A_29 = arith.constant 40 : i32
    %scan3A_30 = arith.addi %scan3A_28, %scan3A_29 : i32
    %scan3A_31 = arith.constant 1 : i32
    scf.for %scan3A_45 = %scan3A_28 to %scan3A_30 step %scan3A_31  : i32 {
      %mul3A_46 = arith.constant 2 : i32
      %mul3A_47 = arith.muli %scan3A_45, %mul3A_46 : i32
      %add3A_48 = arith.constant 0 : i32
      %add3A_49 = arith.addi %mul3A_47, %add3A_48 : i32
      %dma_wait3A_50 = arith.constant 0 : i32
      %dma_wait3A_51 = arith.constant 0 : i32
      %dma_wait3A_52 = tpu.memref_slice %arg2[%dma_wait3A_50, %dma_wait3A_51] : memref<10240x128xf32, #tpu.memory_space<hbm>> -> memref<128x128xf32, #tpu.memory_space<hbm>>
      %dma_wait3A_53 = arith.constant 0 : i32
      %dma_wait3A_54 = arith.constant 0 : i32
      %dma_wait3A_55 = tpu.memref_slice %arg2[%dma_wait3A_53, %dma_wait3A_54] : memref<10240x128xf32, #tpu.memory_space<hbm>> -> memref<128x128xf32, #tpu.memory_space<hbm>>
      tpu.wait_dma2 semaphore(%arg10 : memref<!tpu.dma_semaphore, #tpu.memory_space<semaphore_mem>>) src(%dma_wait3A_55 : memref<128x128xf32, #tpu.memory_space<hbm>>) dst(%arg9 : memref<128x128xf32, #tpu.memory_space<vmem>>)
      "tpu.region"() ({
        %run_scoped3A = tpu.sem_alloc : memref<!tpu.dma_semaphore, #tpu.memory_space<semaphore_mem>>
        %dma_start3A_84 = arith.constant 0 : i32
        %dma_start3A_85 = arith.constant 0 : i32
        %dma_start3A_86 = tpu.memref_slice %arg6[%dma_start3A_84, %dma_start3A_85] : memref<10240x128xf32, #tpu.memory_space<vmem_shared>> -> memref<10240x128xf32, #tpu.memory_space<vmem_shared>>
        tpu.enqueue_indirect_dma source(%arg9 : memref<128x128xf32, #tpu.memory_space<vmem>>) target(%dma_start3A_86 : memref<10240x128xf32, #tpu.memory_space<vmem_shared>>) offsets(%arg8 : memref<128xi32, #tpu.memory_space<vmem>>) semaphore(%run_scoped3A : memref<!tpu.dma_semaphore, #tpu.memory_space<semaphore_mem>>) {add = true}
        %dma_wait3A_87 = arith.constant 0 : i32
        %dma_wait3A_88 = arith.constant 0 : i32
        %dma_wait3A_89 = tpu.memref_slice %arg6[%dma_wait3A_87, %dma_wait3A_88] : memref<10240x128xf32, #tpu.memory_space<vmem_shared>> -> memref<10240x128xf32, #tpu.memory_space<vmem_shared>>
        tpu.wait_indirect_dma semaphore(%run_scoped3A : memref<!tpu.dma_semaphore, #tpu.memory_space<semaphore_mem>>) src(%arg9 : memref<128x128xf32, #tpu.memory_space<vmem>>) dst(%dma_wait3A_89 : memref<10240x128xf32, #tpu.memory_space<vmem_shared>>)
        tpu.yield
      }) : () -> ()
      %add3A_56 = arith.constant 2 : i32
      %add3A_57 = arith.addi %add3A_49, %add3A_56 : i32
      %mul3A_58 = arith.constant 128 : i32
      %mul3A_59 = arith.muli %add3A_57, %mul3A_58 : i32
      %add3A_60 = arith.addi %mul3A_16, %mul3A_59 : i32
      %multiple_of3A_61 = tpu.assume_multiple %add3A_60, 8 : i32
      "tpu.region"() ({
        %run_scoped3A = tpu.sem_alloc : memref<!tpu.dma_semaphore, #tpu.memory_space<semaphore_mem>>
        %dma_start3A_84 = tpu.memref_slice %arg3[%multiple_of3A_61] : memref<327936xi32, #tpu.memory_space<hbm>> -> memref<128xi32, #tpu.memory_space<hbm>>
        %dma_start3A_85 = tpu.memref_slice %arg3[%multiple_of3A_61] : memref<327936xi32, #tpu.memory_space<hbm>> -> memref<128xi32, #tpu.memory_space<hbm>>
        tpu.enqueue_dma source(%dma_start3A_85 : memref<128xi32, #tpu.memory_space<hbm>>) target(%arg7 : memref<128xi32, #tpu.memory_space<vmem>>) target_semaphore(%run_scoped3A : memref<!tpu.dma_semaphore, #tpu.memory_space<semaphore_mem>>)
        %dma_wait3A_86 = tpu.memref_slice %arg3[%multiple_of3A_61] : memref<327936xi32, #tpu.memory_space<hbm>> -> memref<128xi32, #tpu.memory_space<hbm>>
        %dma_wait3A_87 = tpu.memref_slice %arg3[%multiple_of3A_61] : memref<327936xi32, #tpu.memory_space<hbm>> -> memref<128xi32, #tpu.memory_space<hbm>>
        tpu.wait_dma2 semaphore(%run_scoped3A : memref<!tpu.dma_semaphore, #tpu.memory_space<semaphore_mem>>) src(%dma_wait3A_87 : memref<128xi32, #tpu.memory_space<hbm>>) dst(%arg7 : memref<128xi32, #tpu.memory_space<vmem>>)
        tpu.yield
      }) : () -> ()
      "tpu.region"() ({
        %run_scoped3A = tpu.sem_alloc : memref<!tpu.dma_semaphore, #tpu.memory_space<semaphore_mem>>
        %dma_start3A_84 = tpu.memref_slice %arg4[%multiple_of3A_61] : memref<327936xi32, #tpu.memory_space<hbm>> -> memref<128xi32, #tpu.memory_space<hbm>>
        %dma_start3A_85 = tpu.memref_slice %arg4[%multiple_of3A_61] : memref<327936xi32, #tpu.memory_space<hbm>> -> memref<128xi32, #tpu.memory_space<hbm>>
        tpu.enqueue_dma source(%dma_start3A_85 : memref<128xi32, #tpu.memory_space<hbm>>) target(%arg8 : memref<128xi32, #tpu.memory_space<vmem>>) target_semaphore(%run_scoped3A : memref<!tpu.dma_semaphore, #tpu.memory_space<semaphore_mem>>)
        %dma_wait3A_86 = tpu.memref_slice %arg4[%multiple_of3A_61] : memref<327936xi32, #tpu.memory_space<hbm>> -> memref<128xi32, #tpu.memory_space<hbm>>
        %dma_wait3A_87 = tpu.memref_slice %arg4[%multiple_of3A_61] : memref<327936xi32, #tpu.memory_space<hbm>> -> memref<128xi32, #tpu.memory_space<hbm>>
        tpu.wait_dma2 semaphore(%run_scoped3A : memref<!tpu.dma_semaphore, #tpu.memory_space<semaphore_mem>>) src(%dma_wait3A_87 : memref<128xi32, #tpu.memory_space<hbm>>) dst(%arg8 : memref<128xi32, #tpu.memory_space<vmem>>)
        tpu.yield
      }) : () -> ()
      %dma_start3A_62 = arith.constant 0 : i32
      %dma_start3A_63 = arith.constant 0 : i32
      %dma_start3A_64 = tpu.memref_slice %arg2[%dma_start3A_62, %dma_start3A_63] : memref<10240x128xf32, #tpu.memory_space<hbm>> -> memref<10240x128xf32, #tpu.memory_space<hbm>>
      tpu.enqueue_indirect_dma source(%dma_start3A_64 : memref<10240x128xf32, #tpu.memory_space<hbm>>) target(%arg9 : memref<128x128xf32, #tpu.memory_space<vmem>>) offsets(%arg7 : memref<128xi32, #tpu.memory_space<vmem>>) semaphore(%arg10 : memref<!tpu.dma_semaphore, #tpu.memory_space<semaphore_mem>>)
      %mul3A_65 = arith.constant 2 : i32
      %mul3A_66 = arith.muli %scan3A_45, %mul3A_65 : i32
      %add3A_67 = arith.constant 1 : i32
      %add3A_68 = arith.addi %mul3A_66, %add3A_67 : i32
      %dma_wait3A_69 = arith.constant 0 : i32
      %dma_wait3A_70 = arith.constant 0 : i32
      %dma_wait3A_71 = tpu.memref_slice %arg2[%dma_wait3A_69, %dma_wait3A_70] : memref<10240x128xf32, #tpu.memory_space<hbm>> -> memref<128x128xf32, #tpu.memory_space<hbm>>
      %dma_wait3A_72 = arith.constant 0 : i32
      %dma_wait3A_73 = arith.constant 0 : i32
      %dma_wait3A_74 = tpu.memref_slice %arg2[%dma_wait3A_72, %dma_wait3A_73] : memref<10240x128xf32, #tpu.memory_space<hbm>> -> memref<128x128xf32, #tpu.memory_space<hbm>>
      tpu.wait_dma2 semaphore(%arg14 : memref<!tpu.dma_semaphore, #tpu.memory_space<semaphore_mem>>) src(%dma_wait3A_74 : memref<128x128xf32, #tpu.memory_space<hbm>>) dst(%arg13 : memref<128x128xf32, #tpu.memory_space<vmem>>)
      "tpu.region"() ({
        %run_scoped3A = tpu.sem_alloc : memref<!tpu.dma_semaphore, #tpu.memory_space<semaphore_mem>>
        %dma_start3A_84 = arith.constant 0 : i32
        %dma_start3A_85 = arith.constant 0 : i32
        %dma_start3A_86 = tpu.memref_slice %arg6[%dma_start3A_84, %dma_start3A_85] : memref<10240x128xf32, #tpu.memory_space<vmem_shared>> -> memref<10240x128xf32, #tpu.memory_space<vmem_shared>>
        tpu.enqueue_indirect_dma source(%arg13 : memref<128x128xf32, #tpu.memory_space<vmem>>) target(%dma_start3A_86 : memref<10240x128xf32, #tpu.memory_space<vmem_shared>>) offsets(%arg12 : memref<128xi32, #tpu.memory_space<vmem>>) semaphore(%run_scoped3A : memref<!tpu.dma_semaphore, #tpu.memory_space<semaphore_mem>>) {add = true}
        %dma_wait3A_87 = arith.constant 0 : i32
        %dma_wait3A_88 = arith.constant 0 : i32
        %dma_wait3A_89 = tpu.memref_slice %arg6[%dma_wait3A_87, %dma_wait3A_88] : memref<10240x128xf32, #tpu.memory_space<vmem_shared>> -> memref<10240x128xf32, #tpu.memory_space<vmem_shared>>
        tpu.wait_indirect_dma semaphore(%run_scoped3A : memref<!tpu.dma_semaphore, #tpu.memory_space<semaphore_mem>>) src(%arg13 : memref<128x128xf32, #tpu.memory_space<vmem>>) dst(%dma_wait3A_89 : memref<10240x128xf32, #tpu.memory_space<vmem_shared>>)
        tpu.yield
      }) : () -> ()
      %add3A_75 = arith.constant 2 : i32
      %add3A_76 = arith.addi %add3A_68, %add3A_75 : i32
      %mul3A_77 = arith.constant 128 : i32
      %mul3A_78 = arith.muli %add3A_76, %mul3A_77 : i32
      %add3A_79 = arith.addi %mul3A_16, %mul3A_78 : i32
      %multiple_of3A_80 = tpu.assume_multiple %add3A_79, 8 : i32
      "tpu.region"() ({
        %run_scoped3A = tpu.sem_alloc : memref<!tpu.dma_semaphore, #tpu.memory_space<semaphore_mem>>
        %dma_start3A_84 = tpu.memref_slice %arg3[%multiple_of3A_80] : memref<327936xi32, #tpu.memory_space<hbm>> -> memref<128xi32, #tpu.memory_space<hbm>>
        %dma_start3A_85 = tpu.memref_slice %arg3[%multiple_of3A_80] : memref<327936xi32, #tpu.memory_space<hbm>> -> memref<128xi32, #tpu.memory_space<hbm>>
        tpu.enqueue_dma source(%dma_start3A_85 : memref<128xi32, #tpu.memory_space<hbm>>) target(%arg11 : memref<128xi32, #tpu.memory_space<vmem>>) target_semaphore(%run_scoped3A : memref<!tpu.dma_semaphore, #tpu.memory_space<semaphore_mem>>)
        %dma_wait3A_86 = tpu.memref_slice %arg3[%multiple_of3A_80] : memref<327936xi32, #tpu.memory_space<hbm>> -> memref<128xi32, #tpu.memory_space<hbm>>
        %dma_wait3A_87 = tpu.memref_slice %arg3[%multiple_of3A_80] : memref<327936xi32, #tpu.memory_space<hbm>> -> memref<128xi32, #tpu.memory_space<hbm>>
        tpu.wait_dma2 semaphore(%run_scoped3A : memref<!tpu.dma_semaphore, #tpu.memory_space<semaphore_mem>>) src(%dma_wait3A_87 : memref<128xi32, #tpu.memory_space<hbm>>) dst(%arg11 : memref<128xi32, #tpu.memory_space<vmem>>)
        tpu.yield
      }) : () -> ()
      "tpu.region"() ({
        %run_scoped3A = tpu.sem_alloc : memref<!tpu.dma_semaphore, #tpu.memory_space<semaphore_mem>>
        %dma_start3A_84 = tpu.memref_slice %arg4[%multiple_of3A_80] : memref<327936xi32, #tpu.memory_space<hbm>> -> memref<128xi32, #tpu.memory_space<hbm>>
        %dma_start3A_85 = tpu.memref_slice %arg4[%multiple_of3A_80] : memref<327936xi32, #tpu.memory_space<hbm>> -> memref<128xi32, #tpu.memory_space<hbm>>
        tpu.enqueue_dma source(%dma_start3A_85 : memref<128xi32, #tpu.memory_space<hbm>>) target(%arg12 : memref<128xi32, #tpu.memory_space<vmem>>) target_semaphore(%run_scoped3A : memref<!tpu.dma_semaphore, #tpu.memory_space<semaphore_mem>>)
        %dma_wait3A_86 = tpu.memref_slice %arg4[%multiple_of3A_80] : memref<327936xi32, #tpu.memory_space<hbm>> -> memref<128xi32, #tpu.memory_space<hbm>>
        %dma_wait3A_87 = tpu.memref_slice %arg4[%multiple_of3A_80] : memref<327936xi32, #tpu.memory_space<hbm>> -> memref<128xi32, #tpu.memory_space<hbm>>
        tpu.wait_dma2 semaphore(%run_scoped3A : memref<!tpu.dma_semaphore, #tpu.memory_space<semaphore_mem>>) src(%dma_wait3A_87 : memref<128xi32, #tpu.memory_space<hbm>>) dst(%arg12 : memref<128xi32, #tpu.memory_space<vmem>>)
        tpu.yield
      }) : () -> ()
      %dma_start3A_81 = arith.constant 0 : i32
      %dma_start3A_82 = arith.constant 0 : i32
      %dma_start3A_83 = tpu.memref_slice %arg2[%dma_start3A_81, %dma_start3A_82] : memref<10240x128xf32, #tpu.memory_space<hbm>> -> memref<10240x128xf32, #tpu.memory_space<hbm>>
      tpu.enqueue_indirect_dma source(%dma_start3A_83 : memref<10240x128xf32, #tpu.memory_space<hbm>>) target(%arg13 : memref<128x128xf32, #tpu.memory_space<vmem>>) offsets(%arg11 : memref<128xi32, #tpu.memory_space<vmem>>) semaphore(%arg14 : memref<!tpu.dma_semaphore, #tpu.memory_space<semaphore_mem>>)
    }
    %scan3A_32 = arith.constant 40 : i32
    %dma_wait3A = arith.constant 0 : i32
    %dma_wait3A_33 = arith.constant 0 : i32
    %dma_wait3A_34 = tpu.memref_slice %arg2[%dma_wait3A, %dma_wait3A_33] : memref<10240x128xf32, #tpu.memory_space<hbm>> -> memref<128x128xf32, #tpu.memory_space<hbm>>
    %dma_wait3A_35 = arith.constant 0 : i32
    %dma_wait3A_36 = arith.constant 0 : i32
    %dma_wait3A_37 = tpu.memref_slice %arg2[%dma_wait3A_35, %dma_wait3A_36] : memref<10240x128xf32, #tpu.memory_space<hbm>> -> memref<128x128xf32, #tpu.memory_space<hbm>>
    tpu.wait_dma2 semaphore(%arg10 : memref<!tpu.dma_semaphore, #tpu.memory_space<semaphore_mem>>) src(%dma_wait3A_37 : memref<128x128xf32, #tpu.memory_space<hbm>>) dst(%arg9 : memref<128x128xf32, #tpu.memory_space<vmem>>)
    %dma_wait3A_38 = arith.constant 0 : i32
    %dma_wait3A_39 = arith.constant 0 : i32
    %dma_wait3A_40 = tpu.memref_slice %arg2[%dma_wait3A_38, %dma_wait3A_39] : memref<10240x128xf32, #tpu.memory_space<hbm>> -> memref<128x128xf32, #tpu.memory_space<hbm>>
    %dma_wait3A_41 = arith.constant 0 : i32
    %dma_wait3A_42 = arith.constant 0 : i32
    %dma_wait3A_43 = tpu.memref_slice %arg2[%dma_wait3A_41, %dma_wait3A_42] : memref<10240x128xf32, #tpu.memory_space<hbm>> -> memref<128x128xf32, #tpu.memory_space<hbm>>
    tpu.wait_dma2 semaphore(%arg14 : memref<!tpu.dma_semaphore, #tpu.memory_space<semaphore_mem>>) src(%dma_wait3A_43 : memref<128x128xf32, #tpu.memory_space<hbm>>) dst(%arg13 : memref<128x128xf32, #tpu.memory_space<vmem>>)
    %barrier3A_44 = arith.constant 0 : index
    tpu.barrier barrier_id(%barrier3A_44)
    "tpu.region"() ({
      %run_scoped3A = tpu.sem_alloc : memref<!tpu.dma_semaphore, #tpu.memory_space<semaphore_mem>>
      %dma_start3A_45 = arith.constant 0 : i32
      %dma_start3A_46 = tpu.memref_slice %arg5[%arg0, %mul3A_2, %dma_start3A_45] : memref<2x10240x128xf32, #tpu.memory_space<hbm>> -> memref<1x640x128xf32, #tpu.memory_space<hbm>>
      %dma_start3A_47 = tpu.memref_squeeze %dma_start3A_46 : memref<1x640x128xf32, #tpu.memory_space<hbm>> -> memref<640x128xf32, #tpu.memory_space<hbm>>
      %dma_start3A_48 = arith.constant 0 : i32
      %dma_start3A_49 = tpu.memref_slice %arg6[%mul3A_2, %dma_start3A_48] : memref<10240x128xf32, #tpu.memory_space<vmem_shared>> -> memref<640x128xf32, #tpu.memory_space<vmem_shared>>
      tpu.enqueue_dma source(%dma_start3A_49 : memref<640x128xf32, #tpu.memory_space<vmem_shared>>) target(%dma_start3A_47 : memref<640x128xf32, #tpu.memory_space<hbm>>) target_semaphore(%run_scoped3A : memref<!tpu.dma_semaphore, #tpu.memory_space<semaphore_mem>>)
      %dma_wait3A_50 = arith.constant 0 : i32
      %dma_wait3A_51 = tpu.memref_slice %arg5[%arg0, %mul3A_2, %dma_wait3A_50] : memref<2x10240x128xf32, #tpu.memory_space<hbm>> -> memref<1x640x128xf32, #tpu.memory_space<hbm>>
      %dma_wait3A_52 = tpu.memref_squeeze %dma_wait3A_51 : memref<1x640x128xf32, #tpu.memory_space<hbm>> -> memref<640x128xf32, #tpu.memory_space<hbm>>
      %dma_wait3A_53 = arith.constant 0 : i32
      %dma_wait3A_54 = tpu.memref_slice %arg6[%mul3A_2, %dma_wait3A_53] : memref<10240x128xf32, #tpu.memory_space<vmem_shared>> -> memref<640x128xf32, #tpu.memory_space<vmem_shared>>
      tpu.wait_dma2 semaphore(%run_scoped3A : memref<!tpu.dma_semaphore, #tpu.memory_space<semaphore_mem>>) src(%dma_wait3A_54 : memref<640x128xf32, #tpu.memory_space<vmem_shared>>) dst(%dma_wait3A_52 : memref<640x128xf32, #tpu.memory_space<hbm>>)
      tpu.yield
    }) : () -> ()
    return
  }
}

#map = affine_map<(d0, d1) -> (0)>
#map1 = affine_map<(d0, d1) -> (0, 0, 0)>
module attributes {stable_mosaic.version = 14 : i64} {
  func.func @body(%arg0: i32, %arg1: i32, %arg2: memref<16640xi32, #tpu.memory_space<hbm>>, %arg3: memref<2x10240x128xf32, #tpu.memory_space<hbm>>, %arg4: memref<10240x128xf32, #tpu.memory_space<vmem_shared>>, %arg5: memref<128xi32, #tpu.memory_space<vmem>>, %arg6: memref<128x128xf32, #tpu.memory_space<vmem>>, %arg7: memref<16x128xf32, #tpu.memory_space<vmem>>, %arg8: memref<!tpu.dma_semaphore, #tpu.memory_space<semaphore_mem>>) attributes {dimension_semantics = [#tpu.dimension_semantics<core_parallel>, #tpu.dimension_semantics<subcore_parallel>], iteration_bounds = array<i64: 2, 16>, scalar_prefetch = 0 : i64, scratch_operands = 5 : i64, tpu.core_type = #tpu.core_type<sc_vector_subcore>, window_params = [{transform_indices = #map}, {transform_indices = #map1}]} {
    %mul3A = arith.constant 2 : i32
    %mul3A_0 = arith.muli %arg1, %mul3A : i32
    %add3A = arith.addi %mul3A_0, %arg0 : i32
    %mul3A_1 = arith.constant 640 : i32
    %mul3A_2 = arith.muli %arg1, %mul3A_1 : i32
    %broadcast_in_dim3A = arith.constant 0.000000e+00 : f32
    %broadcast_in_dim3A_3 = vector.broadcast %broadcast_in_dim3A : f32 to vector<16xf32>
    %broadcast_in_dim3A_4 = arith.constant 1.000000e+00 : f32
    %broadcast_in_dim3A_5 = vector.broadcast %broadcast_in_dim3A_4 : f32 to vector<16xf32>
    %scan3A = arith.constant 0 : i32
    %scan3A_6 = arith.constant 0 : i32
    %scan3A_7 = arith.constant 16 : i32
    %scan3A_8 = arith.addi %scan3A_6, %scan3A_7 : i32
    %scan3A_9 = arith.constant 1 : i32
    scf.for %scan3A_32 = %scan3A_6 to %scan3A_8 step %scan3A_9  : i32 {
      %swap3A = arith.index_cast %scan3A_32 : i32 to index
      %swap3A_33 = arith.constant 0 : index
      %swap3A_34 = tpu.vector_load %arg7[%swap3A, %swap3A_33] {strides = array<i32>} : memref<16x128xf32, #tpu.memory_space<vmem>>, vector<1x16xf32>,
      %swap3A_35 = vector.shape_cast %swap3A_34 : vector<1x16xf32> to vector<16xf32>
      %swap3A_36 = vector.shape_cast %broadcast_in_dim3A_3 : vector<16xf32> to vector<1x16xf32>
      tpu.vector_store %arg7[%swap3A, %swap3A_33], %swap3A_36 {strides = array<i32>} : memref<16x128xf32, #tpu.memory_space<vmem>>, vector<1x16xf32>,
      %swap3A_37 = arith.index_cast %scan3A_32 : i32 to index
      %swap3A_38 = arith.constant 16 : index
      %swap3A_39 = tpu.vector_load %arg7[%swap3A_37, %swap3A_38] {strides = array<i32>} : memref<16x128xf32, #tpu.memory_space<vmem>>, vector<1x16xf32>,
      %swap3A_40 = vector.shape_cast %swap3A_39 : vector<1x16xf32> to vector<16xf32>
      %swap3A_41 = vector.shape_cast %broadcast_in_dim3A_3 : vector<16xf32> to vector<1x16xf32>
      tpu.vector_store %arg7[%swap3A_37, %swap3A_38], %swap3A_41 {strides = array<i32>} : memref<16x128xf32, #tpu.memory_space<vmem>>, vector<1x16xf32>,
      %swap3A_42 = arith.index_cast %scan3A_32 : i32 to index
      %swap3A_43 = arith.constant 32 : index
      %swap3A_44 = tpu.vector_load %arg7[%swap3A_42, %swap3A_43] {strides = array<i32>} : memref<16x128xf32, #tpu.memory_space<vmem>>, vector<1x16xf32>,
      %swap3A_45 = vector.shape_cast %swap3A_44 : vector<1x16xf32> to vector<16xf32>
      %swap3A_46 = vector.shape_cast %broadcast_in_dim3A_3 : vector<16xf32> to vector<1x16xf32>
      tpu.vector_store %arg7[%swap3A_42, %swap3A_43], %swap3A_46 {strides = array<i32>} : memref<16x128xf32, #tpu.memory_space<vmem>>, vector<1x16xf32>,
      %swap3A_47 = arith.index_cast %scan3A_32 : i32 to index
      %swap3A_48 = arith.constant 48 : index
      %swap3A_49 = tpu.vector_load %arg7[%swap3A_47, %swap3A_48] {strides = array<i32>} : memref<16x128xf32, #tpu.memory_space<vmem>>, vector<1x16xf32>,
      %swap3A_50 = vector.shape_cast %swap3A_49 : vector<1x16xf32> to vector<16xf32>
      %swap3A_51 = vector.shape_cast %broadcast_in_dim3A_3 : vector<16xf32> to vector<1x16xf32>
      tpu.vector_store %arg7[%swap3A_47, %swap3A_48], %swap3A_51 {strides = array<i32>} : memref<16x128xf32, #tpu.memory_space<vmem>>, vector<1x16xf32>,
      %swap3A_52 = arith.index_cast %scan3A_32 : i32 to index
      %swap3A_53 = arith.constant 64 : index
      %swap3A_54 = tpu.vector_load %arg7[%swap3A_52, %swap3A_53] {strides = array<i32>} : memref<16x128xf32, #tpu.memory_space<vmem>>, vector<1x16xf32>,
      %swap3A_55 = vector.shape_cast %swap3A_54 : vector<1x16xf32> to vector<16xf32>
      %swap3A_56 = vector.shape_cast %broadcast_in_dim3A_3 : vector<16xf32> to vector<1x16xf32>
      tpu.vector_store %arg7[%swap3A_52, %swap3A_53], %swap3A_56 {strides = array<i32>} : memref<16x128xf32, #tpu.memory_space<vmem>>, vector<1x16xf32>,
      %swap3A_57 = arith.index_cast %scan3A_32 : i32 to index
      %swap3A_58 = arith.constant 80 : index
      %swap3A_59 = tpu.vector_load %arg7[%swap3A_57, %swap3A_58] {strides = array<i32>} : memref<16x128xf32, #tpu.memory_space<vmem>>, vector<1x16xf32>,
      %swap3A_60 = vector.shape_cast %swap3A_59 : vector<1x16xf32> to vector<16xf32>
      %swap3A_61 = vector.shape_cast %broadcast_in_dim3A_3 : vector<16xf32> to vector<1x16xf32>
      tpu.vector_store %arg7[%swap3A_57, %swap3A_58], %swap3A_61 {strides = array<i32>} : memref<16x128xf32, #tpu.memory_space<vmem>>, vector<1x16xf32>,
      %swap3A_62 = arith.index_cast %scan3A_32 : i32 to index
      %swap3A_63 = arith.constant 96 : index
      %swap3A_64 = tpu.vector_load %arg7[%swap3A_62, %swap3A_63] {strides = array<i32>} : memref<16x128xf32, #tpu.memory_space<vmem>>, vector<1x16xf32>,
      %swap3A_65 = vector.shape_cast %swap3A_64 : vector<1x16xf32> to vector<16xf32>
      %swap3A_66 = vector.shape_cast %broadcast_in_dim3A_3 : vector<16xf32> to vector<1x16xf32>
      tpu.vector_store %arg7[%swap3A_62, %swap3A_63], %swap3A_66 {strides = array<i32>} : memref<16x128xf32, #tpu.memory_space<vmem>>, vector<1x16xf32>,
      %swap3A_67 = arith.index_cast %scan3A_32 : i32 to index
      %swap3A_68 = arith.constant 112 : index
      %swap3A_69 = tpu.vector_load %arg7[%swap3A_67, %swap3A_68] {strides = array<i32>} : memref<16x128xf32, #tpu.memory_space<vmem>>, vector<1x16xf32>,
      %swap3A_70 = vector.shape_cast %swap3A_69 : vector<1x16xf32> to vector<16xf32>
      %swap3A_71 = vector.shape_cast %broadcast_in_dim3A_3 : vector<16xf32> to vector<1x16xf32>
      tpu.vector_store %arg7[%swap3A_67, %swap3A_68], %swap3A_71 {strides = array<i32>} : memref<16x128xf32, #tpu.memory_space<vmem>>, vector<1x16xf32>,
    }
    %scan3A_10 = arith.constant 16 : i32
    %scan3A_11 = arith.constant 0 : i32
    %scan3A_12 = arith.constant 0 : i32
    %scan3A_13 = arith.constant 128 : i32
    %scan3A_14 = arith.addi %scan3A_12, %scan3A_13 : i32
    %scan3A_15 = arith.constant 1 : i32
    scf.for %scan3A_32 = %scan3A_12 to %scan3A_14 step %scan3A_15  : i32 {
      %swap3A = arith.index_cast %scan3A_32 : i32 to index
      %swap3A_33 = arith.constant 0 : index
      %swap3A_34 = tpu.vector_load %arg6[%swap3A, %swap3A_33] {strides = array<i32>} : memref<128x128xf32, #tpu.memory_space<vmem>>, vector<1x16xf32>,
      %swap3A_35 = vector.shape_cast %swap3A_34 : vector<1x16xf32> to vector<16xf32>
      %swap3A_36 = vector.shape_cast %broadcast_in_dim3A_5 : vector<16xf32> to vector<1x16xf32>
      tpu.vector_store %arg6[%swap3A, %swap3A_33], %swap3A_36 {strides = array<i32>} : memref<128x128xf32, #tpu.memory_space<vmem>>, vector<1x16xf32>,
      %swap3A_37 = arith.index_cast %scan3A_32 : i32 to index
      %swap3A_38 = arith.constant 16 : index
      %swap3A_39 = tpu.vector_load %arg6[%swap3A_37, %swap3A_38] {strides = array<i32>} : memref<128x128xf32, #tpu.memory_space<vmem>>, vector<1x16xf32>,
      %swap3A_40 = vector.shape_cast %swap3A_39 : vector<1x16xf32> to vector<16xf32>
      %swap3A_41 = vector.shape_cast %broadcast_in_dim3A_5 : vector<16xf32> to vector<1x16xf32>
      tpu.vector_store %arg6[%swap3A_37, %swap3A_38], %swap3A_41 {strides = array<i32>} : memref<128x128xf32, #tpu.memory_space<vmem>>, vector<1x16xf32>,
      %swap3A_42 = arith.index_cast %scan3A_32 : i32 to index
      %swap3A_43 = arith.constant 32 : index
      %swap3A_44 = tpu.vector_load %arg6[%swap3A_42, %swap3A_43] {strides = array<i32>} : memref<128x128xf32, #tpu.memory_space<vmem>>, vector<1x16xf32>,
      %swap3A_45 = vector.shape_cast %swap3A_44 : vector<1x16xf32> to vector<16xf32>
      %swap3A_46 = vector.shape_cast %broadcast_in_dim3A_5 : vector<16xf32> to vector<1x16xf32>
      tpu.vector_store %arg6[%swap3A_42, %swap3A_43], %swap3A_46 {strides = array<i32>} : memref<128x128xf32, #tpu.memory_space<vmem>>, vector<1x16xf32>,
      %swap3A_47 = arith.index_cast %scan3A_32 : i32 to index
      %swap3A_48 = arith.constant 48 : index
      %swap3A_49 = tpu.vector_load %arg6[%swap3A_47, %swap3A_48] {strides = array<i32>} : memref<128x128xf32, #tpu.memory_space<vmem>>, vector<1x16xf32>,
      %swap3A_50 = vector.shape_cast %swap3A_49 : vector<1x16xf32> to vector<16xf32>
      %swap3A_51 = vector.shape_cast %broadcast_in_dim3A_5 : vector<16xf32> to vector<1x16xf32>
      tpu.vector_store %arg6[%swap3A_47, %swap3A_48], %swap3A_51 {strides = array<i32>} : memref<128x128xf32, #tpu.memory_space<vmem>>, vector<1x16xf32>,
      %swap3A_52 = arith.index_cast %scan3A_32 : i32 to index
      %swap3A_53 = arith.constant 64 : index
      %swap3A_54 = tpu.vector_load %arg6[%swap3A_52, %swap3A_53] {strides = array<i32>} : memref<128x128xf32, #tpu.memory_space<vmem>>, vector<1x16xf32>,
      %swap3A_55 = vector.shape_cast %swap3A_54 : vector<1x16xf32> to vector<16xf32>
      %swap3A_56 = vector.shape_cast %broadcast_in_dim3A_5 : vector<16xf32> to vector<1x16xf32>
      tpu.vector_store %arg6[%swap3A_52, %swap3A_53], %swap3A_56 {strides = array<i32>} : memref<128x128xf32, #tpu.memory_space<vmem>>, vector<1x16xf32>,
      %swap3A_57 = arith.index_cast %scan3A_32 : i32 to index
      %swap3A_58 = arith.constant 80 : index
      %swap3A_59 = tpu.vector_load %arg6[%swap3A_57, %swap3A_58] {strides = array<i32>} : memref<128x128xf32, #tpu.memory_space<vmem>>, vector<1x16xf32>,
      %swap3A_60 = vector.shape_cast %swap3A_59 : vector<1x16xf32> to vector<16xf32>
      %swap3A_61 = vector.shape_cast %broadcast_in_dim3A_5 : vector<16xf32> to vector<1x16xf32>
      tpu.vector_store %arg6[%swap3A_57, %swap3A_58], %swap3A_61 {strides = array<i32>} : memref<128x128xf32, #tpu.memory_space<vmem>>, vector<1x16xf32>,
      %swap3A_62 = arith.index_cast %scan3A_32 : i32 to index
      %swap3A_63 = arith.constant 96 : index
      %swap3A_64 = tpu.vector_load %arg6[%swap3A_62, %swap3A_63] {strides = array<i32>} : memref<128x128xf32, #tpu.memory_space<vmem>>, vector<1x16xf32>,
      %swap3A_65 = vector.shape_cast %swap3A_64 : vector<1x16xf32> to vector<16xf32>
      %swap3A_66 = vector.shape_cast %broadcast_in_dim3A_5 : vector<16xf32> to vector<1x16xf32>
      tpu.vector_store %arg6[%swap3A_62, %swap3A_63], %swap3A_66 {strides = array<i32>} : memref<128x128xf32, #tpu.memory_space<vmem>>, vector<1x16xf32>,
      %swap3A_67 = arith.index_cast %scan3A_32 : i32 to index
      %swap3A_68 = arith.constant 112 : index
      %swap3A_69 = tpu.vector_load %arg6[%swap3A_67, %swap3A_68] {strides = array<i32>} : memref<128x128xf32, #tpu.memory_space<vmem>>, vector<1x16xf32>,
      %swap3A_70 = vector.shape_cast %swap3A_69 : vector<1x16xf32> to vector<16xf32>
      %swap3A_71 = vector.shape_cast %broadcast_in_dim3A_5 : vector<16xf32> to vector<1x16xf32>
      tpu.vector_store %arg6[%swap3A_67, %swap3A_68], %swap3A_71 {strides = array<i32>} : memref<128x128xf32, #tpu.memory_space<vmem>>, vector<1x16xf32>,
    }
    %scan3A_16 = arith.constant 128 : i32
    %scan3A_17 = arith.constant 0 : i32
    %scan3A_18 = arith.constant 0 : i32
    %scan3A_19 = arith.constant 40 : i32
    %scan3A_20 = arith.addi %scan3A_18, %scan3A_19 : i32
    %scan3A_21 = arith.constant 1 : i32
    scf.for %scan3A_32 = %scan3A_18 to %scan3A_20 step %scan3A_21  : i32 {
      %mul3A_33 = arith.constant 16 : i32
      %mul3A_34 = arith.muli %scan3A_32, %mul3A_33 : i32
      %add3A_35 = arith.addi %mul3A_2, %mul3A_34 : i32
      "tpu.region"() ({
        %run_scoped3A = tpu.sem_alloc : memref<!tpu.dma_semaphore, #tpu.memory_space<semaphore_mem>>
        %dma_start3A = arith.constant 0 : i32
        %dma_start3A_36 = tpu.memref_slice %arg4[%add3A_35, %dma_start3A] : memref<10240x128xf32, #tpu.memory_space<vmem_shared>> -> memref<16x128xf32, #tpu.memory_space<vmem_shared>>
        %dma_start3A_37 = arith.constant 0 : i32
        %dma_start3A_38 = tpu.memref_slice %arg4[%add3A_35, %dma_start3A_37] : memref<10240x128xf32, #tpu.memory_space<vmem_shared>> -> memref<16x128xf32, #tpu.memory_space<vmem_shared>>
        tpu.enqueue_dma source(%arg7 : memref<16x128xf32, #tpu.memory_space<vmem>>) target(%dma_start3A_38 : memref<16x128xf32, #tpu.memory_space<vmem_shared>>) target_semaphore(%run_scoped3A : memref<!tpu.dma_semaphore, #tpu.memory_space<semaphore_mem>>)
        %dma_wait3A = arith.constant 0 : i32
        %dma_wait3A_39 = tpu.memref_slice %arg4[%add3A_35, %dma_wait3A] : memref<10240x128xf32, #tpu.memory_space<vmem_shared>> -> memref<16x128xf32, #tpu.memory_space<vmem_shared>>
        %dma_wait3A_40 = arith.constant 0 : i32
        %dma_wait3A_41 = tpu.memref_slice %arg4[%add3A_35, %dma_wait3A_40] : memref<10240x128xf32, #tpu.memory_space<vmem_shared>> -> memref<16x128xf32, #tpu.memory_space<vmem_shared>>
        tpu.wait_dma2 semaphore(%run_scoped3A : memref<!tpu.dma_semaphore, #tpu.memory_space<semaphore_mem>>) src(%arg7 : memref<16x128xf32, #tpu.memory_space<vmem>>) dst(%dma_wait3A_41 : memref<16x128xf32, #tpu.memory_space<vmem_shared>>)
        tpu.yield
      }) : () -> ()
    }
    %scan3A_22 = arith.constant 40 : i32
    %barrier3A = arith.constant 0 : index
    tpu.barrier barrier_id(%barrier3A)
    %mul3A_23 = arith.constant 512 : i32
    %mul3A_24 = arith.muli %add3A, %mul3A_23 : i32
    %scan3A_25 = arith.constant 0 : i32
    %scan3A_26 = arith.constant 0 : i32
    %scan3A_27 = arith.constant 4 : i32
    %scan3A_28 = arith.addi %scan3A_26, %scan3A_27 : i32
    %scan3A_29 = arith.constant 1 : i32
    scf.for %scan3A_32 = %scan3A_26 to %scan3A_28 step %scan3A_29  : i32 {
      %mul3A_33 = arith.constant 128 : i32
      %mul3A_34 = arith.muli %scan3A_32, %mul3A_33 : i32
      %add3A_35 = arith.addi %mul3A_24, %mul3A_34 : i32
      %multiple_of3A = tpu.assume_multiple %add3A_35, 8 : i32
      "tpu.region"() ({
        %run_scoped3A = tpu.sem_alloc : memref<!tpu.dma_semaphore, #tpu.memory_space<semaphore_mem>>
        %dma_start3A = tpu.memref_slice %arg2[%multiple_of3A] : memref<16640xi32, #tpu.memory_space<hbm>> -> memref<128xi32, #tpu.memory_space<hbm>>
        %dma_start3A_36 = tpu.memref_slice %arg2[%multiple_of3A] : memref<16640xi32, #tpu.memory_space<hbm>> -> memref<128xi32, #tpu.memory_space<hbm>>
        tpu.enqueue_dma source(%dma_start3A_36 : memref<128xi32, #tpu.memory_space<hbm>>) target(%arg5 : memref<128xi32, #tpu.memory_space<vmem>>) target_semaphore(%run_scoped3A : memref<!tpu.dma_semaphore, #tpu.memory_space<semaphore_mem>>)
        %dma_wait3A = tpu.memref_slice %arg2[%multiple_of3A] : memref<16640xi32, #tpu.memory_space<hbm>> -> memref<128xi32, #tpu.memory_space<hbm>>
        %dma_wait3A_37 = tpu.memref_slice %arg2[%multiple_of3A] : memref<16640xi32, #tpu.memory_space<hbm>> -> memref<128xi32, #tpu.memory_space<hbm>>
        tpu.wait_dma2 semaphore(%run_scoped3A : memref<!tpu.dma_semaphore, #tpu.memory_space<semaphore_mem>>) src(%dma_wait3A_37 : memref<128xi32, #tpu.memory_space<hbm>>) dst(%arg5 : memref<128xi32, #tpu.memory_space<vmem>>)
        tpu.yield
      }) : () -> ()
      "tpu.region"() ({
        %run_scoped3A = tpu.sem_alloc : memref<!tpu.dma_semaphore, #tpu.memory_space<semaphore_mem>>
        %dma_start3A = arith.constant 0 : i32
        %dma_start3A_36 = arith.constant 0 : i32
        %dma_start3A_37 = tpu.memref_slice %arg4[%dma_start3A, %dma_start3A_36] : memref<10240x128xf32, #tpu.memory_space<vmem_shared>> -> memref<10240x128xf32, #tpu.memory_space<vmem_shared>>
        tpu.enqueue_indirect_dma source(%arg6 : memref<128x128xf32, #tpu.memory_space<vmem>>) target(%dma_start3A_37 : memref<10240x128xf32, #tpu.memory_space<vmem_shared>>) offsets(%arg5 : memref<128xi32, #tpu.memory_space<vmem>>) semaphore(%run_scoped3A : memref<!tpu.dma_semaphore, #tpu.memory_space<semaphore_mem>>) {add = true}
        %dma_wait3A = arith.constant 0 : i32
        %dma_wait3A_38 = arith.constant 0 : i32
        %dma_wait3A_39 = tpu.memref_slice %arg4[%dma_wait3A, %dma_wait3A_38] : memref<10240x128xf32, #tpu.memory_space<vmem_shared>> -> memref<10240x128xf32, #tpu.memory_space<vmem_shared>>
        tpu.wait_indirect_dma semaphore(%run_scoped3A : memref<!tpu.dma_semaphore, #tpu.memory_space<semaphore_mem>>) src(%arg6 : memref<128x128xf32, #tpu.memory_space<vmem>>) dst(%dma_wait3A_39 : memref<10240x128xf32, #tpu.memory_space<vmem_shared>>)
        tpu.yield
      }) : () -> ()
    }
    %scan3A_30 = arith.constant 4 : i32
    %barrier3A_31 = arith.constant 0 : index
    tpu.barrier barrier_id(%barrier3A_31)
    "tpu.region"() ({
      %run_scoped3A = tpu.sem_alloc : memref<!tpu.dma_semaphore, #tpu.memory_space<semaphore_mem>>
      %dma_start3A = arith.constant 0 : i32
      %dma_start3A_32 = tpu.memref_slice %arg3[%arg0, %mul3A_2, %dma_start3A] : memref<2x10240x128xf32, #tpu.memory_space<hbm>> -> memref<1x640x128xf32, #tpu.memory_space<hbm>>
      %dma_start3A_33 = tpu.memref_squeeze %dma_start3A_32 : memref<1x640x128xf32, #tpu.memory_space<hbm>> -> memref<640x128xf32, #tpu.memory_space<hbm>>
      %dma_start3A_34 = arith.constant 0 : i32
      %dma_start3A_35 = tpu.memref_slice %arg4[%mul3A_2, %dma_start3A_34] : memref<10240x128xf32, #tpu.memory_space<vmem_shared>> -> memref<640x128xf32, #tpu.memory_space<vmem_shared>>
      tpu.enqueue_dma source(%dma_start3A_35 : memref<640x128xf32, #tpu.memory_space<vmem_shared>>) target(%dma_start3A_33 : memref<640x128xf32, #tpu.memory_space<hbm>>) target_semaphore(%run_scoped3A : memref<!tpu.dma_semaphore, #tpu.memory_space<semaphore_mem>>)
      %dma_wait3A = arith.constant 0 : i32
      %dma_wait3A_36 = tpu.memref_slice %arg3[%arg0, %mul3A_2, %dma_wait3A] : memref<2x10240x128xf32, #tpu.memory_space<hbm>> -> memref<1x640x128xf32, #tpu.memory_space<hbm>>
      %dma_wait3A_37 = tpu.memref_squeeze %dma_wait3A_36 : memref<1x640x128xf32, #tpu.memory_space<hbm>> -> memref<640x128xf32, #tpu.memory_space<hbm>>
      %dma_wait3A_38 = arith.constant 0 : i32
      %dma_wait3A_39 = tpu.memref_slice %arg4[%mul3A_2, %dma_wait3A_38] : memref<10240x128xf32, #tpu.memory_space<vmem_shared>> -> memref<640x128xf32, #tpu.memory_space<vmem_shared>>
      tpu.wait_dma2 semaphore(%run_scoped3A : memref<!tpu.dma_semaphore, #tpu.memory_space<semaphore_mem>>) src(%dma_wait3A_39 : memref<640x128xf32, #tpu.memory_space<vmem_shared>>) dst(%dma_wait3A_37 : memref<640x128xf32, #tpu.memory_space<hbm>>)
      tpu.yield
    }) : () -> ()
    return
  }
}

module attributes {stable_mosaic.version = 14 : i64} {
  func.func @_tc_body(%arg0: i32, %arg1: memref<2x1024x128xf32, #tpu.memory_space<vmem>>, %arg2: memref<2x1024x128xf32, #tpu.memory_space<vmem>>, %arg3: memref<2x1024x128xf32, #tpu.memory_space<vmem>>, %arg4: memref<2x1024x128xf32, #tpu.memory_space<vmem>>, %arg5: memref<1024x128xf32, #tpu.memory_space<vmem>>, %arg6: memref<128x128xf32, #tpu.memory_space<vmem>>, %arg7: memref<128x128xf32, #tpu.memory_space<vmem>>, %arg8: memref<128x128xf32, #tpu.memory_space<vmem>>, %arg9: memref<128x128xf32, #tpu.memory_space<vmem>>, %arg10: memref<128x128xf32, #tpu.memory_space<vmem>>, %arg11: memref<128x128xf32, #tpu.memory_space<vmem>>, %arg12: memref<1x128xf32, #tpu.memory_space<vmem>>, %arg13: memref<1x128xf32, #tpu.memory_space<vmem>>, %arg14: memref<1x128xf32, #tpu.memory_space<vmem>>, %arg15: memref<1024x128xf32, #tpu.memory_space<vmem>>) attributes {dimension_semantics = [#tpu.dimension_semantics<arbitrary>], iteration_bounds = array<i64: 10>, scalar_prefetch = 0 : i64, scratch_operands = 0 : i64, tpu.core_type = #tpu.core_type<tc>, window_params = [{transform_indices = @transform_0, window_bounds = array<i64: 2, 1024, 128>}, {transform_indices = @transform_1, window_bounds = array<i64: 2, 1024, 128>}, {transform_indices = @transform_2, window_bounds = array<i64: 2, 1024, 128>}, {transform_indices = @transform_3, window_bounds = array<i64: 2, 1024, 128>}, {transform_indices = @transform_4, window_bounds = array<i64: 1024, 128>}, {pipeline_mode = #tpu.pipeline_mode<synchronous>, transform_indices = @transform_5, window_bounds = array<i64: 128, 128>}, {pipeline_mode = #tpu.pipeline_mode<synchronous>, transform_indices = @transform_6, window_bounds = array<i64: 128, 128>}, {pipeline_mode = #tpu.pipeline_mode<synchronous>, transform_indices = @transform_7, window_bounds = array<i64: 128, 128>}, {pipeline_mode = #tpu.pipeline_mode<synchronous>, transform_indices = @transform_8, window_bounds = array<i64: 128, 128>}, {pipeline_mode = #tpu.pipeline_mode<synchronous>, transform_indices = @transform_9, window_bounds = array<i64: 128, 128>}, {pipeline_mode = #tpu.pipeline_mode<synchronous>, transform_indices = @transform_10, window_bounds = array<i64: 128, 128>}, {pipeline_mode = #tpu.pipeline_mode<synchronous>, transform_indices = @transform_11, window_bounds = array<i64: 1, 128>}, {pipeline_mode = #tpu.pipeline_mode<synchronous>, transform_indices = @transform_12, window_bounds = array<i64: 1, 128>}, {pipeline_mode = #tpu.pipeline_mode<synchronous>, transform_indices = @transform_13, window_bounds = array<i64: 1, 128>}, {transform_indices = @transform_14, window_bounds = array<i64: 1024, 128>}]} {
    %get3A = arith.constant 0 : index
    %get3A_0 = arith.constant 0 : index
    %get3A_1 = arith.constant 0 : index
    %get3A_2 = vector.load %arg1[%get3A, %get3A_0, %get3A_1] : memref<2x1024x128xf32, #tpu.memory_space<vmem>>, vector<1x1024x128xf32>
    %get3A_3 = vector.shape_cast %get3A_2 : vector<1x1024x128xf32> to vector<1024x128xf32>
    %get3A_4 = arith.constant 1 : index
    %get3A_5 = arith.constant 0 : index
    %get3A_6 = arith.constant 0 : index
    %get3A_7 = vector.load %arg1[%get3A_4, %get3A_5, %get3A_6] : memref<2x1024x128xf32, #tpu.memory_space<vmem>>, vector<1x1024x128xf32>
    %get3A_8 = vector.shape_cast %get3A_7 : vector<1x1024x128xf32> to vector<1024x128xf32>
    %add3A = arith.addf %get3A_3, %get3A_8 : vector<1024x128xf32>
    %get3A_9 = arith.constant 0 : index
    %get3A_10 = arith.constant 0 : index
    %get3A_11 = arith.constant 0 : index
    %get3A_12 = vector.load %arg2[%get3A_9, %get3A_10, %get3A_11] : memref<2x1024x128xf32, #tpu.memory_space<vmem>>, vector<1x1024x128xf32>
    %get3A_13 = vector.shape_cast %get3A_12 : vector<1x1024x128xf32> to vector<1024x128xf32>
    %slice3A = vector.extract_strided_slice %get3A_13 {offsets = [0, 0], sizes = [1024, 1], strides = [1, 1]} : vector<1024x128xf32> to vector<1024x1xf32>
    %get3A_14 = arith.constant 1 : index
    %get3A_15 = arith.constant 0 : index
    %get3A_16 = arith.constant 0 : index
    %get3A_17 = vector.load %arg2[%get3A_14, %get3A_15, %get3A_16] : memref<2x1024x128xf32, #tpu.memory_space<vmem>>, vector<1x1024x128xf32>
    %get3A_18 = vector.shape_cast %get3A_17 : vector<1x1024x128xf32> to vector<1024x128xf32>
    %slice3A_19 = vector.extract_strided_slice %get3A_18 {offsets = [0, 0], sizes = [1024, 1], strides = [1, 1]} : vector<1024x128xf32> to vector<1024x1xf32>
    %add3A_20 = arith.addf %slice3A, %slice3A_19 : vector<1024x1xf32>
    %max3A = arith.constant 1.000000e+00 : f32
    %max3A_21 = vector.broadcast %max3A : f32 to vector<1024x1xf32>
    %max3A_22 = arith.maximumf %add3A_20, %max3A_21 : vector<1024x1xf32>
    %div3A = vector.broadcast %max3A_22 : vector<1024x1xf32> to vector<1024x128xf32>
    %div3A_23 = arith.divf %add3A, %div3A : vector<1024x128xf32>
    %get3A_24 = arith.constant 0 : index
    %get3A_25 = arith.constant 0 : index
    %get3A_26 = arith.constant 0 : index
    %get3A_27 = vector.load %arg3[%get3A_24, %get3A_25, %get3A_26] : memref<2x1024x128xf32, #tpu.memory_space<vmem>>, vector<1x1024x128xf32>
    %get3A_28 = vector.shape_cast %get3A_27 : vector<1x1024x128xf32> to vector<1024x128xf32>
    %get3A_29 = arith.constant 1 : index
    %get3A_30 = arith.constant 0 : index
    %get3A_31 = arith.constant 0 : index
    %get3A_32 = vector.load %arg3[%get3A_29, %get3A_30, %get3A_31] : memref<2x1024x128xf32, #tpu.memory_space<vmem>>, vector<1x1024x128xf32>
    %get3A_33 = vector.shape_cast %get3A_32 : vector<1x1024x128xf32> to vector<1024x128xf32>
    %add3A_34 = arith.addf %get3A_28, %get3A_33 : vector<1024x128xf32>
    %get3A_35 = arith.constant 0 : index
    %get3A_36 = arith.constant 0 : index
    %get3A_37 = arith.constant 0 : index
    %get3A_38 = vector.load %arg4[%get3A_35, %get3A_36, %get3A_37] : memref<2x1024x128xf32, #tpu.memory_space<vmem>>, vector<1x1024x128xf32>
    %get3A_39 = vector.shape_cast %get3A_38 : vector<1x1024x128xf32> to vector<1024x128xf32>
    %slice3A_40 = vector.extract_strided_slice %get3A_39 {offsets = [0, 0], sizes = [1024, 1], strides = [1, 1]} : vector<1024x128xf32> to vector<1024x1xf32>
    %get3A_41 = arith.constant 1 : index
    %get3A_42 = arith.constant 0 : index
    %get3A_43 = arith.constant 0 : index
    %get3A_44 = vector.load %arg4[%get3A_41, %get3A_42, %get3A_43] : memref<2x1024x128xf32, #tpu.memory_space<vmem>>, vector<1x1024x128xf32>
    %get3A_45 = vector.shape_cast %get3A_44 : vector<1x1024x128xf32> to vector<1024x128xf32>
    %slice3A_46 = vector.extract_strided_slice %get3A_45 {offsets = [0, 0], sizes = [1024, 1], strides = [1, 1]} : vector<1024x128xf32> to vector<1024x1xf32>
    %add3A_47 = arith.addf %slice3A_40, %slice3A_46 : vector<1024x1xf32>
    %max3A_48 = arith.constant 1.000000e+00 : f32
    %max3A_49 = vector.broadcast %max3A_48 : f32 to vector<1024x1xf32>
    %max3A_50 = arith.maximumf %add3A_47, %max3A_49 : vector<1024x1xf32>
    %div3A_51 = vector.broadcast %max3A_50 : vector<1024x1xf32> to vector<1024x128xf32>
    %div3A_52 = arith.divf %add3A_34, %div3A_51 : vector<1024x128xf32>
    %get3A_53 = arith.constant 0 : index
    %get3A_54 = arith.constant 0 : index
    %get3A_55 = vector.load %arg5[%get3A_53, %get3A_54] : memref<1024x128xf32, #tpu.memory_space<vmem>>, vector<1024x128xf32>
    %get3A_56 = arith.constant 0 : index
    %get3A_57 = arith.constant 0 : index
    %get3A_58 = vector.load %arg6[%get3A_56, %get3A_57] : memref<128x128xf32, #tpu.memory_space<vmem>>, vector<128x128xf32>
    %dot_general3A = arith.constant dense<0.000000e+00> : vector<1024x128xf32>
    %dot_general3A_59 = tpu.matmul %div3A_52, %get3A_58, %dot_general3A {dimension_numbers = #tpu.dot_dimension_numbers<[1], [0], [0], [1], [0, 0, 1, 1], [], []>, transpose_lhs_hint = false} : vector<1024x128xf32>, vector<128x128xf32>, vector<1024x128xf32> -> vector<1024x128xf32>
    %get3A_60 = arith.constant 0 : index
    %get3A_61 = arith.constant 0 : index
    %get3A_62 = vector.load %arg12[%get3A_60, %get3A_61] : memref<1x128xf32, #tpu.memory_space<vmem>>, vector<1x128xf32>
    %add3A_63 = vector.broadcast %get3A_62 : vector<1x128xf32> to vector<1024x128xf32>
    %add3A_64 = arith.addf %dot_general3A_59, %add3A_63 : vector<1024x128xf32>
    %get3A_65 = arith.constant 0 : index
    %get3A_66 = arith.constant 0 : index
    %get3A_67 = vector.load %arg7[%get3A_65, %get3A_66] : memref<128x128xf32, #tpu.memory_space<vmem>>, vector<128x128xf32>
    %dot_general3A_68 = arith.constant dense<0.000000e+00> : vector<1024x128xf32>
    %dot_general3A_69 = tpu.matmul %get3A_55, %get3A_67, %dot_general3A_68 {dimension_numbers = #tpu.dot_dimension_numbers<[1], [0], [0], [1], [0, 0, 1, 1], [], []>, transpose_lhs_hint = false} : vector<1024x128xf32>, vector<128x128xf32>, vector<1024x128xf32> -> vector<1024x128xf32>
    %add3A_70 = arith.addf %add3A_64, %dot_general3A_69 : vector<1024x128xf32>
    %max3A_71 = arith.constant 0.000000e+00 : f32
    %max3A_72 = vector.broadcast %max3A_71 : f32 to vector<1024x128xf32>
    %max3A_73 = arith.maximumf %add3A_70, %max3A_72 : vector<1024x128xf32>
    %get3A_74 = arith.constant 0 : index
    %get3A_75 = arith.constant 0 : index
    %get3A_76 = vector.load %arg8[%get3A_74, %get3A_75] : memref<128x128xf32, #tpu.memory_space<vmem>>, vector<128x128xf32>
    %dot_general3A_77 = arith.constant dense<0.000000e+00> : vector<1024x128xf32>
    %dot_general3A_78 = tpu.matmul %div3A_23, %get3A_76, %dot_general3A_77 {dimension_numbers = #tpu.dot_dimension_numbers<[1], [0], [0], [1], [0, 0, 1, 1], [], []>, transpose_lhs_hint = false} : vector<1024x128xf32>, vector<128x128xf32>, vector<1024x128xf32> -> vector<1024x128xf32>
    %get3A_79 = arith.constant 0 : index
    %get3A_80 = arith.constant 0 : index
    %get3A_81 = vector.load %arg13[%get3A_79, %get3A_80] : memref<1x128xf32, #tpu.memory_space<vmem>>, vector<1x128xf32>
    %add3A_82 = vector.broadcast %get3A_81 : vector<1x128xf32> to vector<1024x128xf32>
    %add3A_83 = arith.addf %dot_general3A_78, %add3A_82 : vector<1024x128xf32>
    %get3A_84 = arith.constant 0 : index
    %get3A_85 = arith.constant 0 : index
    %get3A_86 = vector.load %arg9[%get3A_84, %get3A_85] : memref<128x128xf32, #tpu.memory_space<vmem>>, vector<128x128xf32>
    %dot_general3A_87 = arith.constant dense<0.000000e+00> : vector<1024x128xf32>
    %dot_general3A_88 = tpu.matmul %get3A_55, %get3A_86, %dot_general3A_87 {dimension_numbers = #tpu.dot_dimension_numbers<[1], [0], [0], [1], [0, 0, 1, 1], [], []>, transpose_lhs_hint = false} : vector<1024x128xf32>, vector<128x128xf32>, vector<1024x128xf32> -> vector<1024x128xf32>
    %add3A_89 = arith.addf %add3A_83, %dot_general3A_88 : vector<1024x128xf32>
    %max3A_90 = arith.constant 0.000000e+00 : f32
    %max3A_91 = vector.broadcast %max3A_90 : f32 to vector<1024x128xf32>
    %max3A_92 = arith.maximumf %add3A_89, %max3A_91 : vector<1024x128xf32>
    %get3A_93 = arith.constant 0 : index
    %get3A_94 = arith.constant 0 : index
    %get3A_95 = vector.load %arg10[%get3A_93, %get3A_94] : memref<128x128xf32, #tpu.memory_space<vmem>>, vector<128x128xf32>
    %dot_general3A_96 = arith.constant dense<0.000000e+00> : vector<1024x128xf32>
    %dot_general3A_97 = tpu.matmul %div3A_52, %get3A_95, %dot_general3A_96 {dimension_numbers = #tpu.dot_dimension_numbers<[1], [0], [0], [1], [0, 0, 1, 1], [], []>, transpose_lhs_hint = false} : vector<1024x128xf32>, vector<128x128xf32>, vector<1024x128xf32> -> vector<1024x128xf32>
    %get3A_98 = arith.constant 0 : index
    %get3A_99 = arith.constant 0 : index
    %get3A_100 = vector.load %arg14[%get3A_98, %get3A_99] : memref<1x128xf32, #tpu.memory_space<vmem>>, vector<1x128xf32>
    %add3A_101 = vector.broadcast %get3A_100 : vector<1x128xf32> to vector<1024x128xf32>
    %add3A_102 = arith.addf %dot_general3A_97, %add3A_101 : vector<1024x128xf32>
    %add3A_103 = arith.addf %max3A_73, %max3A_92 : vector<1024x128xf32>
    %get3A_104 = arith.constant 0 : index
    %get3A_105 = arith.constant 0 : index
    %get3A_106 = vector.load %arg11[%get3A_104, %get3A_105] : memref<128x128xf32, #tpu.memory_space<vmem>>, vector<128x128xf32>
    %dot_general3A_107 = arith.constant dense<0.000000e+00> : vector<1024x128xf32>
    %dot_general3A_108 = tpu.matmul %add3A_103, %get3A_106, %dot_general3A_107 {dimension_numbers = #tpu.dot_dimension_numbers<[1], [0], [0], [1], [0, 0, 1, 1], [], []>, transpose_lhs_hint = false} : vector<1024x128xf32>, vector<128x128xf32>, vector<1024x128xf32> -> vector<1024x128xf32>
    %add3A_109 = arith.addf %add3A_102, %dot_general3A_108 : vector<1024x128xf32>
    %swap3A = arith.constant 0 : index
    %swap3A_110 = arith.constant 0 : index
    %swap3A_111 = vector.load %arg15[%swap3A, %swap3A_110] : memref<1024x128xf32, #tpu.memory_space<vmem>>, vector<1024x128xf32>
    tpu.vector_store %arg15[%swap3A, %swap3A_110], %add3A_109 {strides = array<i32>} : memref<1024x128xf32, #tpu.memory_space<vmem>>, vector<1024x128xf32>,
    return
  }
  func.func @transform_0(%arg0: i32) -> (i32, i32, i32) {
    %c0_i32 = arith.constant 0 : i32
    %c0_i32_0 = arith.constant 0 : i32
    %c0_i32_1 = arith.constant 0 : i32
    return %c0_i32, %arg0, %c0_i32_0 : i32, i32, i32
  }
  func.func @transform_1(%arg0: i32) -> (i32, i32, i32) {
    %c0_i32 = arith.constant 0 : i32
    %c0_i32_0 = arith.constant 0 : i32
    %c0_i32_1 = arith.constant 0 : i32
    return %c0_i32, %arg0, %c0_i32_0 : i32, i32, i32
  }
  func.func @transform_2(%arg0: i32) -> (i32, i32, i32) {
    %c0_i32 = arith.constant 0 : i32
    %c0_i32_0 = arith.constant 0 : i32
    %c0_i32_1 = arith.constant 0 : i32
    return %c0_i32, %arg0, %c0_i32_0 : i32, i32, i32
  }
  func.func @transform_3(%arg0: i32) -> (i32, i32, i32) {
    %c0_i32 = arith.constant 0 : i32
    %c0_i32_0 = arith.constant 0 : i32
    %c0_i32_1 = arith.constant 0 : i32
    return %c0_i32, %arg0, %c0_i32_0 : i32, i32, i32
  }
  func.func @transform_4(%arg0: i32) -> (i32, i32) {
    %c0_i32 = arith.constant 0 : i32
    %c0_i32_0 = arith.constant 0 : i32
    return %arg0, %c0_i32 : i32, i32
  }
  func.func @transform_5(%arg0: i32) -> (i32, i32) {
    %c0_i32 = arith.constant 0 : i32
    %c0_i32_0 = arith.constant 0 : i32
    %c0_i32_1 = arith.constant 0 : i32
    return %c0_i32, %c0_i32_0 : i32, i32
  }
  func.func @transform_6(%arg0: i32) -> (i32, i32) {
    %c0_i32 = arith.constant 0 : i32
    %c0_i32_0 = arith.constant 0 : i32
    %c0_i32_1 = arith.constant 0 : i32
    return %c0_i32, %c0_i32_0 : i32, i32
  }
  func.func @transform_7(%arg0: i32) -> (i32, i32) {
    %c0_i32 = arith.constant 0 : i32
    %c0_i32_0 = arith.constant 0 : i32
    %c0_i32_1 = arith.constant 0 : i32
    return %c0_i32, %c0_i32_0 : i32, i32
  }
  func.func @transform_8(%arg0: i32) -> (i32, i32) {
    %c0_i32 = arith.constant 0 : i32
    %c0_i32_0 = arith.constant 0 : i32
    %c0_i32_1 = arith.constant 0 : i32
    return %c0_i32, %c0_i32_0 : i32, i32
  }
  func.func @transform_9(%arg0: i32) -> (i32, i32) {
    %c0_i32 = arith.constant 0 : i32
    %c0_i32_0 = arith.constant 0 : i32
    %c0_i32_1 = arith.constant 0 : i32
    return %c0_i32, %c0_i32_0 : i32, i32
  }
  func.func @transform_10(%arg0: i32) -> (i32, i32) {
    %c0_i32 = arith.constant 0 : i32
    %c0_i32_0 = arith.constant 0 : i32
    %c0_i32_1 = arith.constant 0 : i32
    return %c0_i32, %c0_i32_0 : i32, i32
  }
  func.func @transform_11(%arg0: i32) -> (i32, i32) {
    %c0_i32 = arith.constant 0 : i32
    %c0_i32_0 = arith.constant 0 : i32
    %c0_i32_1 = arith.constant 0 : i32
    return %c0_i32, %c0_i32_0 : i32, i32
  }
  func.func @transform_12(%arg0: i32) -> (i32, i32) {
    %c0_i32 = arith.constant 0 : i32
    %c0_i32_0 = arith.constant 0 : i32
    %c0_i32_1 = arith.constant 0 : i32
    return %c0_i32, %c0_i32_0 : i32, i32
  }
  func.func @transform_13(%arg0: i32) -> (i32, i32) {
    %c0_i32 = arith.constant 0 : i32
    %c0_i32_0 = arith.constant 0 : i32
    %c0_i32_1 = arith.constant 0 : i32
    return %c0_i32, %c0_i32_0 : i32, i32
  }
  func.func @transform_14(%arg0: i32) -> (i32, i32) {
    %c0_i32 = arith.constant 0 : i32
    %c0_i32_0 = arith.constant 0 : i32
    return %arg0, %c0_i32 : i32, i32
  }
}

</mosaic_0001>

<sc_bundles>
// kernel: kernel.10.cloned.1.call-start
scs
__scs_entry_jumppad:
0x0: {  	(pc) =	sbr.rel $0x88, $3  }
0x1: {  	(tag) =	ssettag $0x0;
	lr =	simm.s32 $0x1  }
0x2: {  	[smem:$0x3F94] =	sst lr;
	_ =	strace $0xD0000000  }
0x3: {  	_ = 	snop  }
0x4: {  	_ = 	snop  }
0x5: {  	_ = 	snop  }
0x6: {  	_ = 	snop  }
0x7: {  	_ = 	snop  }
__scs_overlays_trampoline_lowered:
0x8: {  	[smem:$0x3FA3] =	sst s0  }
0x9: {  	[smem:$0x3FA4] =	sst s1  }
0xa: {  	[smem:$0x3FA5] =	sst s2  }
0xb: {  	[smem:$0x3FA6] =	sst s3  }
0xc: {  	[smem:$0x3FA7] =	sst s4  }
0xd: {  	[smem:$0x3FA8] =	sst s5  }
0xe: {  	[smem:$0x3FA9] =	sst s6  }
0xf: {  	[smem:$0x3FAA] =	sst s7  }
0x10: {  	[smem:$0x3FAB] =	sst s8  }
0x11: {  	[smem:$0x3FAC] =	sst s9;
	s0 =	simm.s32 @!p0 $0x0  }
0x12: {  	s1 =	sld [smem:$0x3F92];
	s0 =	simm.s32 @p0 $0x1  }
0x13: {  	[smem:$0x3FAD] =	sst s0;
	s0 =	simm.s32 @!p1 $0x0  }
0x14: {  	s2 =	sld [smem:$0x3F91];
	s0 =	simm.s32 @p1 $0x1  }
0x15: {  	[smem:$0x3FAE] =	sst s0;
	s0 =	simm.s32 @!p2 $0x0  }
0x16: {  	s3 =	sld [smem:$0x3FDB];
	s0 =	simm.s32 @p2 $0x1  }
0x17: {  	s4 =	simm.s32 $0x1BF5;
	[smem:$0x3FB0] =	sst s0  }
0x18: {  	s0 =	sld [smem:$0x3F93];
	_ =	swait.ge [sflag:s4], $0x0  }
0x19: {  	s7 =	sld [smem:$0x3F94]  }
0x1a: {  	s8 =	sadd.s32 $0xFFFFE003, lr  }
0x1b: {  	s9 =	sadd.s32 $0xFFFFFEF7, lr;
	s5 =	simm.s32 $0xFFFFFFFF;
	p2 =	slt.u32 s8, $0xFFFFF086  }
0x1c: {  	p1 =	slt.u32 s9, $0xF7A;
	s5 =	simm.s32 @!p2 $0x0  }
0x1d: {  	s5 =	simm.s32 @p1 $0x1;
	p0 =	seq.s32 s7, s2  }
0x1e: {  	s7 =	smul.u32 @!p0 $0xF7A, s2;
	p2 =	seq.s32 @!p0 s5, $0x0  }
0x1f: {  	s9 =	smul.u32 $0xF7A, s1;
	s8 =	simm.s32 @!p0 $0x1BF5;
	p2 =	por !p2, p0  }
0x20: {  	[sflag:s8] =	ssyncset.s32 @!p0 $0xFFFFF086;
	s6 =	sadd.s32 @!p0 s3, s7;
	s7 =	simm.s32 @!p0 $0x108  }
0x21: {  	s3 =	sadd.s32 s3, s9;
	s6 =	sadd.s32 @!p0 $0x88, s6;
	s7 =	simm.s32 @p2 $0x1082  }
0x22: {  	[simem:s7], [sflag:s8] =	dma.local @!p0 [hbm:s6], $0xF7A  }
0x23: {  	s9 =	sor.u32 $0xD0000000, s2;
	s6 =	simm.s32 $0x108;
	_ =	swait.ge @!p0 [sflag:s8], $0x0  }
0x24: {  	s3 =	sadd.s32 $0x88, s3;
	s6 =	simm.s32 @!p1 $0x1082;
	[sflag:s4] =	ssyncset.s32 $0xFFFFF086  }
0x25: {  	[simem:s6], [sflag:s4] =	dma.local [hbm:s3], $0xF7A  }
0x26: {  	[smem:$0x3F94] =	sst s1;
	(tag) =	ssettag s2;
	_ =	strace s9  }
0x27: {  	s1 =	sld [smem:$0x3FA4]  }
0x28: {  	s2 =	sld [smem:$0x3FA5]  }
0x29: {  	s4 =	sld [smem:$0x3FA7]  }
0x2a: {  	p0 =	seq.s32 s5, $0x0;
	s5 =	sld [smem:$0x3FA8]  }
0x2b: {  	s6 =	sld [smem:$0x3FA9]  }
0x2c: {  	s7 =	sld [smem:$0x3FAA]  }
0x2d: {  	s3 =	simm.s32 $0x108;
	s8 =	sld [smem:$0x3FAB]  }
0x2e: {  	s3 =	simm.s32 @!p0 $0x1082;
	s9 =	sld [smem:$0x3FAC]  }
0x2f: {  	lr =	sadd.s32 s0, s3;
	s0 =	sld [smem:$0x3FA3]  }
0x30: {  	s3 =	sld [smem:$0x3FA6]  }
0x31: {  	[smem:$0x3FAF] =	sst s10  }
0x32: {  	s10 =	sld [smem:$0x3FAD];
	_ =	sdelay $0x3  }
0x33: {  	p0 =	seq.s32 s10, $0x1;
	s10 =	sld [smem:$0x3FAF];
	_ =	sdelay $0x3  }
0x34: {  	[smem:$0x3FAF] =	sst s10  }
0x35: {  	s10 =	sld [smem:$0x3FAE];
	_ =	sdelay $0x3  }
0x36: {  	p1 =	seq.s32 s10, $0x1;
	s10 =	sld [smem:$0x3FAF];
	_ =	sdelay $0x3  }
0x37: {  	[smem:$0x3FAF] =	sst s10  }
0x38: {  	s10 =	sld [smem:$0x3FB0]  }
0x39: {  	_ = 	snop;
	(pc) =	sbr.ind lr, $3  }
0x3a: {  	_ = 	snop  }
0x3b: {  	_ = 	snop  }
0x3c: {  	p2 =	seq.s32 s10, $0x1;
	s10 =	sld [smem:$0x3FAF]  }
0x3d: {  	_ =	shalt  }
0x3e: {  	_ =	shalt  }
0x3f: {  	_ =	shalt  }
0x40: {  	_ =	shalt  }
0x41: {  	_ =	shalt  }
0x42: {  	_ =	shalt  }
0x43: {  	_ =	shalt  }
0x44: {  	_ =	shalt  }
0x45: {  	_ =	shalt  }
0x46: {  	_ =	shalt  }
0x47: {  	_ =	shalt  }
0x48: {  	_ =	shalt  }
0x49: {  	_ =	shalt  }
0x4a: {  	_ =	shalt  }
0x4b: {  	_ =	shalt  }
0x4c: {  	_ =	shalt  }
0x4d: {  	_ =	shalt  }
0x4e: {  	_ =	shalt  }
0x4f: {  	_ =	shalt  }
0x50: {  	_ =	shalt  }
0x51: {  	_ =	shalt  }
0x52: {  	_ =	shalt  }
0x53: {  	_ =	shalt  }
0x54: {  	_ =	shalt  }
0x55: {  	_ =	shalt  }
0x56: {  	_ =	shalt  }
0x57: {  	_ =	shalt  }
0x58: {  	_ =	shalt  }
0x59: {  	_ =	shalt  }
0x5a: {  	_ =	shalt  }
0x5b: {  	_ =	shalt  }
0x5c: {  	_ =	shalt  }
0x5d: {  	_ =	shalt  }
0x5e: {  	_ =	shalt  }
0x5f: {  	_ =	shalt  }
0x60: {  	_ =	shalt  }
0x61: {  	_ =	shalt  }
0x62: {  	_ =	shalt  }
0x63: {  	_ =	shalt  }
0x64: {  	_ =	shalt  }
0x65: {  	_ =	shalt  }
0x66: {  	_ =	shalt  }
0x67: {  	_ =	shalt  }
0x68: {  	_ =	shalt  }
0x69: {  	_ =	shalt  }
0x6a: {  	_ =	shalt  }
0x6b: {  	_ =	shalt  }
0x6c: {  	_ =	shalt  }
0x6d: {  	_ =	shalt  }
0x6e: {  	_ =	shalt  }
0x6f: {  	_ =	shalt  }
0x70: {  	_ =	shalt  }
0x71: {  	_ =	shalt  }
0x72: {  	_ =	shalt  }
0x73: {  	_ =	shalt  }
0x74: {  	_ =	shalt  }
0x75: {  	_ =	shalt  }
0x76: {  	_ =	shalt  }
0x77: {  	_ =	shalt  }
0x78: {  	_ =	shalt  }
0x79: {  	_ =	shalt  }
0x7a: {  	_ =	shalt  }
0x7b: {  	_ =	shalt  }
0x7c: {  	_ =	shalt  }
0x7d: {  	_ =	shalt  }
0x7e: {  	_ =	shalt  }
0x7f: {  	_ =	shalt  }
0x80: {  	_ =	shalt  }
0x81: {  	_ =	shalt  }
0x82: {  	_ =	shalt  }
0x83: {  	_ =	shalt  }
0x84: {  	_ =	shalt  }
0x85: {  	_ =	shalt  }
0x86: {  	_ =	shalt  }
0x87: {  	_ =	shalt  }
.Lfunc_end0:
.L_simem_size_0:
called_computation.1_lowered:
.L_overlay_start_0:
0x88: {  	s2 =	sld [smem:$0x3FD9]  }
0x89: {  	s3 =	sld [smem:$0x3FFE];
	_ =	sdelay $0x1  }
0x8a: {  	s1 =	srdreg.scid  }
0x8b: {  	s0 =	sand.u32 $0x1, s1  }
0x8c: {  	s17 =	sshll.u32 s0, $0xA;
	s2 =	sadd.s32 s3, s2  }
0x8d: {  	s2 =	sadd.s32 s2, s17  }
0x8e: {  	[smem:$0x3FBB] =	sst s2  }
0x8f: {  	_ = 	snop  }
0x90: {  	s18 =	sld [smem:$0x3FC8];
	(tm) =	ssettm $0x1  }
0x91: {  	s19 =	sld [smem:$0x3FFB];
	_ =	sdelay $0x3  }
0x92: {  	_ =	strace s19  }
0x93: {  	s2 =	sld [smem:$0x3FFC];
	_ =	sdelay $0x3  }
0x94: {  	_ =	strace s2  }
0x95: {  	s2 =	sld [smem:$0x3FFD];
	_ =	sdelay $0x3  }
0x96: {  	_ =	strace s2  }
0x97: {  	_ =	strace $0x8FFFFFFF  }
0x98: {  	s20 =	sld [smem:$0x3FDB];
	_ =	sdelay $0x1  }
0x99: {  	s4 =	simm.s32 $_scs_section_size  }
0x9a: {  	s5 =	simm.s32 $_size__tile_overlayer_lowered;
	s6 =	simm.s32 $_tile_overlayer_lowered  }
0x9b: {  	s7 =	simm.s32 $0x1BFF;
	s21 =	sshll.u32 s6, $0x1;
	s4 =	sadd.s32 s4, s20  }
0x9c: {  	s22 =	simm.s32 $0x0;
	s5 =	sshll.u32 s5, $0x1;
	s6 =	sadd.s32 s21, s4  }
0x9d: {  	[timem:s22], [sflag:s7] =	dma.local [hbm:s6], s5  }
0x9e: {  	_ =	swait.ge [sflag:s7], s5  }
0x9f: {  	s5 =	ssub.s32 $0x0, s5;
	[sflag:s7] =	ssyncset.done $0x0  }
0xa0: {  	[sflag:s7] =	ssyncadd.s32 s5;
	_ =	sdelay $0x1  }
0xa1: {  	s23 =	simm.s32 $0x1B8B  }
0xa2: {  	_ =	swait.ge [sflag:s23], $0x1  }
0xa3: {  	[sflag:s23] =	ssyncset.done $0x0  }
0xa4: {  	[sflag:s23] =	ssyncadd.s32 $0xFFFFFFFF  }
0xa5: {  	s5 =	sld [smem:$0x0]  }
0xa6: {  	s6 =	sand.u32 $0xFFFFFFFE, s1  }
0xa7: {  	p0 =	sne.s32 s1, s6  }
0xa8: {  	s6 =	sshll.u32 @p0 s6, $0xE  }
0xa9: {  	s6 =	sadd.s32 @p0 $0x11B8D, s6;
	s7 =	sshll.u32 @p0 s5, $0x11  }
0xaa: {  	s6 =	sor.u32 @p0 s7, s6  }
0xab: {  	[sflag:s6] =	ssyncadd.remote.s32 @p0 $0x1;
	_ =	sdelay $0x1  }
0xac: {  	s6 =	simm.s32 @p0 $0x1B8D  }
0xad: {  	_ =	swait.eq @p0 [sflag:s6], $0x1  }
0xae: {  	[sflag:s6] =	ssyncadd.s32 @p0 $0xFFFFFFFF  }
0xaf: {  	s7 =	sshll.u32 @!p0 s1, $0xE  }
0xb0: {  	s7 =	sor.u32 @!p0 $0x4000, s7;
	s6 =	simm.s32 @!p0 $0x1B8D  }
0xb1: {  	s5 =	sshll.u32 @!p0 s5, $0x11;
	s7 =	sadd.s32 @!p0 $0x11B8D, s7;
	_ =	swait.eq @!p0 [sflag:s6], $0x1  }
0xb2: {  	s5 =	sor.u32 @!p0 s5, s7;
	[sflag:s6] =	ssyncadd.s32 @!p0 $0xFFFFFFFF  }
0xb3: {  	s25 =	simm.s32 $0x1B8E;
	s24 =	sld [smem:$0x3FFE];
	[sflag:s5] =	ssyncadd.remote.s32 @!p0 $0x1  }
0xb4: {  	s26 =	simm.s32 $execute0_lowered;
	[smem:$0x3FD2] =	sst s25  }
0xb5: {  	s6 =	sshll.u32 s26, $0x1;
	_ =	strace $0x8000004C;
	[dreg:$0x1] =	wrdreg $0xFFFFFFFF  }
0xb6: {  	s28 =	simm.s32 $_size_execute0_lowered;
	s4 =	sadd.s32 s4, s6;
	[dreg:$0x0] =	wrdreg $0x0  }
0xb7: {  	s6 =	sshll.u32 s28, $0x1;
	[dreg:$0x2] =	wrdreg s4  }
0xb8: {  	[dreg:$0x3] =	wrdreg s6  }
0xb9: {  	[dreg:$0x4] =	wrdreg $0xC0  }
0xba: {  	_ =	task [dreg:s22], $0x5FFFF  }
0xbb: {  	[dreg:$0x1] =	wrdreg $0xFFFFFFFF  }
0xbc: {  	[dreg:$0x0] =	wrdreg $0x60  }
0xbd: {  	[dreg:$0x2] =	wrdreg s18  }
0xbe: {  	[dreg:$0x3] =	wrdreg s24  }
0xbf: {  	[dreg:$0x4] =	wrdreg $0x0  }
0xc0: {  	[dreg:$0x5] =	wrdreg $0xA  }
0xc1: {  	_ =	task.clear_ibuf [dreg:s22], $0x6FFFF;
	_ =	strace $0x9000004C  }
0xc2: {  	s29 =	simm.s32 $0xA;
	_ =	strace $0x8000004E  }
0xc3: {  	_ =	swait.ge [sflag:s29], $0x1  }
0xc4: {  	[sflag:s29] =	ssyncadd.s32 $0xFFFFFFFF  }
0xc5: {  	_ =	strace $0x9000004E  }
0xc6: {  	_ =	sfence  }
0xc7: {  	s30 =	sld [smem:$0x0];
	_ =	sdelay $0x2  }
0xc8: {  	s31 =	sshll.u32 s1, $0xD;
	s1 =	sshrl.u32 s1, $0x2  }
0xc9: {  	s4 =	sand.u32 $0x4000, s31;
	s1 =	sadd.s32 s1, s30  }
0xca: {  	s0 =	sor.u32 s4, s0;
	s1 =	sshll.u32 s1, $0x11  }
0xcb: {  	s0 =	sor.u32 s1, s0  }
0xcc: {  	s0 =	sadd.s32 $0x8F2B, s0  }
0xcd: {  	[sflag:s0] =	ssyncadd.remote.s32 $0x1  }
0xce: {  	_ =	sfence.sel $0xFFFF  }
0xcf: {  	[dreg:$0x0] =	wrdreg $0xFFFFFFFF;
	(pc) =	sbr.abs _section_cstart, $3  }
0xd0: {  	[dreg:$0x1] =	wrdreg $0xFFFFFFFF  }
0xd1: {  	_ =	task.clear_ibuf [dreg:s22], $0x2FFFF;
	_ =	strace $0x9FFFFFFF  }
0xd2: {  	(tm) =	ssettm $0x7FFFFFFF  }
0xd3: {  	_ =	shalt  }
tec
execute0_lowered:
.L_overlay_start_1:
0x0: {  	(tag) =	ssettag $0x1  }
0x1: {  	s0 =	rddreg [dreg:$0x0]  }
0x2: {  	s1 =	rddreg [dreg:$0x1]  }
0x3: {  	s2 =	srdreg.scid;
	s3 =	rddreg [dreg:$0x2]  }
0x4: {  	s8 =	stileid.u32;
	s4 =	simm.s32 $0x0;
	s28 =	simm.s32 $0x18180  }
0x5: {  	s29 =	simm.s32 $0x18200;
	s30 =	simm.s32 $0x1;
	s31 =	simm.s32 $0x2  }
0x6: {  	s2 =	sand.u32 $0x1, s2;
	s6 =	smul.u32 $0x14000, s8;
	[smem:$0x7FF] =	sst s4  }
0x7: {  	s19 =	sadd.s32 $0xD4000, s1;
	s7 =	smul.u32 $0x50000, s8;
	s8 =	sshll.u32 s8, $0xA  }
0x8: {  	s5 =	smul.u32 $0x140000, s2;
	s9 =	sshll.u32 s2, $0x9;
	s2 =	ssub.s32 $0x2, s2  }
0x9: {  	_ =	strace $0x8000004D;
	s18 =	sor.u32 s9, s8;
	s20 =	sshrl.u32 s2, $0x1  }
0xa: {  	s7 =	sshrl.u32 s7, $0x2;
	s5 =	sadd.s32 s6, s5;
	s6 =	sadd.s32 $0xD4A00, s1  }
0xb: {  	s17 =	sshrl.u32 s18, $0x3;
	s2 =	ssub.s32 s2, s20;
	s20 =	simm.s32 $0x1C200  }
0xc: {  	s5 =	sshrl.u32 s5, $0x3;
	s21 =	sor.u32 $0x10, s17;
	s22 =	sadd.s32 s6, s17  }
0xd: {  	s23 =	sor.u32 $0x20, s17;
	s11 =	smax.u32 s2, $0x1;
	s24 =	sor.u32 $0x30, s17  }
0xe: {  	s25 =	sadd.s32 $0x40, s17;
	s26 =	sadd.s32 $0x50, s17;
	s1 =	sadd.s32 s5, s1  }
0xf: {  	s5 =	sadd.s32 s7, s3;
	[dreg:$0x4] =	wrdreg s22;
	s7 =	sadd.s32 s19, s17  }
0x10: {  	s8 =	sadd.s32 s6, s21;
	s9 =	sadd.s32 s19, s21;
	s12 =	sadd.s32 s6, s23  }
0x11: {  	s13 =	sadd.s32 s19, s23;
	s14 =	sadd.s32 s6, s24;
	s15 =	sadd.s32 s19, s24  }
0x12: {  	s16 =	sadd.s32 s6, s25;
	s17 =	sadd.s32 s19, s25;
	s18 =	sadd.s32 s6, s26  }
0x13: {  	s19 =	sadd.s32 s19, s26;
	s21 =	simm.s32 $0x3;
	s22 =	simm.s32 $0x14000  }
0x14: {  	s23 =	simm.s32 $0x14080;
	s24 =	simm.s32 $0x80;
	s25 =	simm.s32 $0x14100  }
0x15: {  	v0 =	vimm.f32 $0.0e+00;
	s26 =	simm.s32 $0x18100;
	s10 =	sadd.s32 $0xD5400, s1;
	s1 =	simm.s32 $0x0  }
.LBB2_1:
0x16: {  	s2 =	simm.s32 $0x0;
	s6 =	simm.s32 $0x200  }
.LBB2_2:
0x17: {  	p0 =	sne.s32 s6, $0x1E00;
	[tilespmem:s2+$0x1C270] =	vst v0  }
0x18: {  	[tilespmem:s2+$0x1C200] =	vst v0  }
0x19: {  	[tilespmem:s2+$0x1C210] =	vst v0  }
.Ltmp0:
0x1a: {  	[tilespmem:s2+$0x1C220] =	vst v0;
	(pc) =	sbr.rel @p0 .LBB2_2-.Ltmp0, $4  }
0x1b: {  	[tilespmem:s2+$0x1C230] =	vst v0  }
0x1c: {  	[tilespmem:s2+$0x1C240] =	vst v0  }
0x1d: {  	[tilespmem:s2+$0x1C250] =	vst v0  }
0x1e: {  	[tilespmem:s2+$0x1C260] =	vst v0;
	s2 =	sshra.s32 s6, $0x2;
	s6 =	sadd.s32 $0x200, s6  }
0x1f: {  	[tilespmem:s2+$0x1C270] =	vst v0  }
0x20: {  	[tilespmem:s2+$0x1C200] =	vst v0  }
0x21: {  	[tilespmem:s2+$0x1C210] =	vst v0  }
0x22: {  	[tilespmem:s2+$0x1C220] =	vst v0  }
0x23: {  	[tilespmem:s2+$0x1C230] =	vst v0  }
0x24: {  	[tilespmem:s2+$0x1C240] =	vst v0  }
0x25: {  	[tilespmem:s2+$0x1C250] =	vst v0  }
0x26: {  	[tilespmem:s2+$0x1C260] =	vst v0;
	s6 =	sadd.s32 $0x0, s5  }
0x27: {  	[spmem:s6] =	stream.linear.scatter [tilespmem:s20], [sflag:$0x3], $0x800, $0x38;
	[tilespmem:$0x1CA00] =	vst v63  }
0x28: {  	s2 =	simm.s32 $0x2000;
	_ =	swait.ge [sflag:s21], $0x800  }
.LBB2_4:
0x29: {  	s6 =	sshra.s32 s2, $0x2;
	[sflag:s21] =	ssyncset.done $0x0;
	p0 =	sne.s32 s2, $0x4E000  }
.Ltmp1:
0x2a: {  	s6 =	sadd.s32 s6, s5;
	[sflag:s21] =	ssyncadd.s32 $0xFFFFF800;
	(pc) =	sbr.rel @p0 .LBB2_4-.Ltmp1, $3  }
0x2b: {  	[spmem:s6] =	stream.linear.scatter [tilespmem:s20], [sflag:$0x3], $0x800, $0x38;
	[tilespmem:$0x1CA00] =	vst v63  }
0x2c: {  	s2 =	sadd.s32 $0x2000, s2;
	_ =	sdelay $0x1  }
0x2d: {  	_ =	swait.ge [sflag:s21], $0x800  }
0x2e: {  	[sflag:s21] =	ssyncset.done $0x0  }
0x2f: {  	[sflag:s21] =	ssyncadd.s32 $0xFFFFF800  }
0x30: {  	[bflag:$0x0] =	sbarrier.arrive $0xFFFF  }
0x31: {  	s2 =	rddreg [dreg:$0x4]  }
0x32: {  	[tilespmem:s22], [sflag:$0x3] =	stream.linear.gather [hbm4b:s2+s4], $0x80, $0x38;
	[tilespmem:$0x1CA00] =	vst v63  }
0x33: {  	_ =	swait.ge [sflag:s21], $0x80  }
0x34: {  	[sflag:s21] =	ssyncset.done $0x0  }
0x35: {  	[sflag:s21] =	ssyncadd.s32 $0xFFFFFF80  }
0x36: {  	[tilespmem:s23], [sflag:$0x3] =	stream.linear.gather [hbm4b:s7+s4], $0x80, $0x38;
	[tilespmem:$0x1CA00] =	vst v63  }
0x37: {  	_ =	swait.ge [sflag:s21], $0x80  }
0x38: {  	[sflag:s21] =	ssyncset.done $0x0  }
0x39: {  	[sflag:s21] =	ssyncadd.s32 $0xFFFFFF80  }
0x3a: {  	[tilespmem:s25], [sflag:$0x1] =	stream.indirect.gather [hbm4b:s0+s24], $0x80, s22, s24, $0xb8;
	[tilespmem:$0x1CA00] =	vst v63  }
0x3b: {  	_ = 	snop  }
0x3c: {  	[tilespmem:s26], [sflag:$0x3] =	stream.linear.gather [hbm4b:s8+s4], $0x80, $0x38;
	[tilespmem:$0x1CA00] =	vst v63  }
0x3d: {  	_ =	swait.ge [sflag:s21], $0x80  }
0x3e: {  	[sflag:s21] =	ssyncset.done $0x0  }
0x3f: {  	[sflag:s21] =	ssyncadd.s32 $0xFFFFFF80  }
0x40: {  	[tilespmem:s28], [sflag:$0x3] =	stream.linear.gather [hbm4b:s9+s4], $0x80, $0x38;
	[tilespmem:$0x1CA00] =	vst v63  }
0x41: {  	_ =	swait.ge [sflag:s21], $0x80  }
0x42: {  	[sflag:s21] =	ssyncset.done $0x0  }
0x43: {  	[sflag:s21] =	ssyncadd.s32 $0xFFFFFF80  }
0x44: {  	[tilespmem:s29], [sflag:$0x2] =	stream.indirect.gather [hbm4b:s0+s24], $0x80, s26, s24, $0xb8;
	[tilespmem:$0x1CA00] =	vst v63  }
0x45: {  	_ =	swait.ge [sflag:s30], $0x4000  }
0x46: {  	[sflag:s30] =	ssyncset.done $0x0  }
0x47: {  	[sflag:s30] =	ssyncadd.s32 $0xFFFFC000  }
0x48: {  	[spmem:s3] =	stream.indirect.scatter.add.f32 [tilespmem:s25], [sflag:$0x3], $0x80, s23, s24, $0xb8;
	[tilespmem:$0x1CA00] =	vst v63  }
0x49: {  	_ =	swait.ge [sflag:s21], $0x4000  }
0x4a: {  	[sflag:s21] =	ssyncset.done $0x0  }
0x4b: {  	[sflag:s21] =	ssyncadd.s32 $0xFFFFC000  }
0x4c: {  	[tilespmem:s22], [sflag:$0x3] =	stream.linear.gather [hbm4b:s12+s4], $0x80, $0x38;
	[tilespmem:$0x1CA00] =	vst v63  }
0x4d: {  	_ =	swait.ge [sflag:s21], $0x80  }
0x4e: {  	[sflag:s21] =	ssyncset.done $0x0  }
0x4f: {  	[sflag:s21] =	ssyncadd.s32 $0xFFFFFF80  }
0x50: {  	[tilespmem:s23], [sflag:$0x3] =	stream.linear.gather [hbm4b:s13+s4], $0x80, $0x38;
	[tilespmem:$0x1CA00] =	vst v63  }
0x51: {  	_ =	swait.ge [sflag:s21], $0x80  }
0x52: {  	[sflag:s21] =	ssyncset.done $0x0  }
0x53: {  	[sflag:s21] =	ssyncadd.s32 $0xFFFFFF80  }
0x54: {  	[tilespmem:s25], [sflag:$0x1] =	stream.indirect.gather [hbm4b:s0+s24], $0x80, s22, s24, $0xb8;
	[tilespmem:$0x1CA00] =	vst v63  }
0x55: {  	_ =	swait.ge [sflag:s31], $0x4000  }
0x56: {  	[sflag:s31] =	ssyncset.done $0x0  }
0x57: {  	[sflag:s31] =	ssyncadd.s32 $0xFFFFC000  }
0x58: {  	[spmem:s3] =	stream.indirect.scatter.add.f32 [tilespmem:s29], [sflag:$0x3], $0x80, s28, s24, $0xb8;
	[tilespmem:$0x1CA00] =	vst v63  }
0x59: {  	_ =	swait.ge [sflag:s21], $0x4000  }
0x5a: {  	[sflag:s21] =	ssyncset.done $0x0  }
0x5b: {  	[sflag:s21] =	ssyncadd.s32 $0xFFFFC000  }
0x5c: {  	[tilespmem:s26], [sflag:$0x3] =	stream.linear.gather [hbm4b:s14+s4], $0x80, $0x38;
	[tilespmem:$0x1CA00] =	vst v63  }
0x5d: {  	_ =	swait.ge [sflag:s21], $0x80  }
0x5e: {  	[sflag:s21] =	ssyncset.done $0x0  }
0x5f: {  	[sflag:s21] =	ssyncadd.s32 $0xFFFFFF80  }
0x60: {  	[tilespmem:s28], [sflag:$0x3] =	stream.linear.gather [hbm4b:s15+s4], $0x80, $0x38;
	[tilespmem:$0x1CA00] =	vst v63  }
0x61: {  	_ =	swait.ge [sflag:s21], $0x80  }
0x62: {  	[sflag:s21] =	ssyncset.done $0x0  }
0x63: {  	[sflag:s21] =	ssyncadd.s32 $0xFFFFFF80  }
0x64: {  	[tilespmem:s29], [sflag:$0x2] =	stream.indirect.gather [hbm4b:s0+s24], $0x80, s26, s24, $0xb8;
	[tilespmem:$0x1CA00] =	vst v63  }
0x65: {  	_ =	swait.ge [sflag:s30], $0x4000  }
0x66: {  	[sflag:s30] =	ssyncset.done $0x0  }
0x67: {  	[sflag:s30] =	ssyncadd.s32 $0xFFFFC000  }
0x68: {  	[spmem:s3] =	stream.indirect.scatter.add.f32 [tilespmem:s25], [sflag:$0x3], $0x80, s23, s24, $0xb8;
	[tilespmem:$0x1CA00] =	vst v63  }
0x69: {  	_ =	swait.ge [sflag:s21], $0x4000  }
0x6a: {  	[sflag:s21] =	ssyncset.done $0x0  }
0x6b: {  	[sflag:s21] =	ssyncadd.s32 $0xFFFFC000  }
0x6c: {  	[tilespmem:s22], [sflag:$0x3] =	stream.linear.gather [hbm4b:s16+s4], $0x80, $0x38;
	[tilespmem:$0x1CA00] =	vst v63  }
0x6d: {  	_ =	swait.ge [sflag:s21], $0x80  }
0x6e: {  	[sflag:s21] =	ssyncset.done $0x0  }
0x6f: {  	[sflag:s21] =	ssyncadd.s32 $0xFFFFFF80  }
0x70: {  	[tilespmem:s23], [sflag:$0x3] =	stream.linear.gather [hbm4b:s17+s4], $0x80, $0x38;
	[tilespmem:$0x1CA00] =	vst v63  }
0x71: {  	_ =	swait.ge [sflag:s21], $0x80  }
0x72: {  	[sflag:s21] =	ssyncset.done $0x0  }
0x73: {  	[sflag:s21] =	ssyncadd.s32 $0xFFFFFF80  }
0x74: {  	[tilespmem:s25], [sflag:$0x1] =	stream.indirect.gather [hbm4b:s0+s24], $0x80, s22, s24, $0xb8;
	[tilespmem:$0x1CA00] =	vst v63  }
0x75: {  	_ =	swait.ge [sflag:s31], $0x4000  }
0x76: {  	[sflag:s31] =	ssyncset.done $0x0  }
0x77: {  	[sflag:s31] =	ssyncadd.s32 $0xFFFFC000  }
0x78: {  	[spmem:s3] =	stream.indirect.scatter.add.f32 [tilespmem:s29], [sflag:$0x3], $0x80, s28, s24, $0xb8;
	[tilespmem:$0x1CA00] =	vst v63  }
0x79: {  	_ =	swait.ge [sflag:s21], $0x4000  }
0x7a: {  	[sflag:s21] =	ssyncset.done $0x0  }
0x7b: {  	[sflag:s21] =	ssyncadd.s32 $0xFFFFC000  }
0x7c: {  	[tilespmem:s26], [sflag:$0x3] =	stream.linear.gather [hbm4b:s18+s4], $0x80, $0x38;
	[tilespmem:$0x1CA00] =	vst v63  }
0x7d: {  	_ =	swait.ge [sflag:s21], $0x80  }
0x7e: {  	[sflag:s21] =	ssyncset.done $0x0  }
0x7f: {  	[sflag:s21] =	ssyncadd.s32 $0xFFFFFF80  }
0x80: {  	[tilespmem:s28], [sflag:$0x3] =	stream.linear.gather [hbm4b:s19+s4], $0x80, $0x38;
	[tilespmem:$0x1CA00] =	vst v63  }
0x81: {  	_ =	swait.ge [sflag:s21], $0x80  }
0x82: {  	[sflag:s21] =	ssyncset.done $0x0  }
0x83: {  	[sflag:s21] =	ssyncadd.s32 $0xFFFFFF80  }
0x84: {  	[tilespmem:s29], [sflag:$0x2] =	stream.indirect.gather [hbm4b:s0+s24], $0x80, s26, s24, $0xb8;
	[tilespmem:$0x1CA00] =	vst v63  }
0x85: {  	_ =	swait.ge [sflag:s30], $0x4000  }
0x86: {  	[sflag:s30] =	ssyncset.done $0x0  }
0x87: {  	[sflag:s30] =	ssyncadd.s32 $0xFFFFC000  }
0x88: {  	s1 =	sadd.s32 $0x1, s1;
	_ =	swait.ge [sflag:s31], $0x4000  }
0x89: {  	s6 =	stileid.u32;
	p0 =	sne.s32 s1, s11;
	[sflag:s31] =	ssyncset.done $0x0  }
0x8a: {  	s2 =	sshll.u32 s6, $0x6;
	s6 =	sshrl.u32 s5, $0x3;
	[sflag:s31] =	ssyncadd.s32 $0xFFFFC000  }
.Ltmp2:
0x8b: {  	s2 =	sor.u32 $0x1C03, s2;
	[bflag:$0x0] =	sbarrier.arrive $0xFFFF;
	(pc) =	sbr.rel @p0 .LBB2_1-.Ltmp2, $4  }
0x8c: {  	[hbm:s10], [sflag:s2] =	dma.local [spmem:s6], $0x2800  }
0x8d: {  	_ =	swait.ge [sflag:s21], $0x2800  }
0x8e: {  	[sflag:s21] =	ssyncset.done $0x0  }
0x8f: {  	[sflag:s21] =	ssyncadd.s32 $0xFFFFD800  }
0x90: {  	_ =	sfence.sel $0x180000  }
0x91: {  	[bflag:$0x0] =	sbarrier.arrive $0xFFFF  }
0x92: {  	_ =	strace $0x9000004D  }
0x93: {  	s0 =	stileid.u32;
	[bflag:$0x2] =	sbarrier.arrive $0xFFFF  }
0x94: {  	p0 =	sne.s32 s0, $0x0;
	s0 =	rddreg [dreg:$0x3]  }
0x95: {  	s0 =	sadd.s32 @!p0 $0x100000, s0  }
0x96: {  	[sflag:s0] =	ssyncadd.tile.s32 @!p0 $0x1;
	_ =	shalt  }
.Lfunc_end2:
_tile_overlayer_lowered:
.L_overlay_start_2:
0x97: {  	(tag) =	ssettag $0x2  }
0x98: {  	s0 =	rddreg [dreg:$0x0];
	s2 =	stileid.u32  }
0x99: {  	s1 =	rddreg [dreg:$0x1];
	p0 =	sne.s32 s2, $0x0  }
0x9a: {  	s3 =	rddreg [dreg:$0x2];
	[bflag:$0x3] =	sbarrier.arrive $0xFFFF;
	s2 =	simm.s32 @!p0 $0x1C03  }
0x9b: {  	[timem:s3], [sflag:s2] =	dma.local @!p0 [hbm:s0], s1  }
0x9c: {  	s0 =	simm.s32 @!p0 $0x3  }
0x9d: {  	_ =	swait.ge @!p0 [sflag:s0], s1  }
0x9e: {  	s1 =	ssub.s32 @!p0 $0x0, s1;
	[sflag:s0] =	ssyncset.done @!p0 $0x0  }
0x9f: {  	[sflag:s0] =	ssyncadd.s32 @!p0 s1  }
0xa0: {  	[bflag:$0x3] =	sbarrier.arrive $0xFFFF  }
0xa1: {  	_ =	shalt  }

// kernel: kernel.13.cloned.1.call-start
scs
__scs_entry_jumppad:
0x0: {  	(pc) =	sbr.rel $0x88, $3  }
0x1: {  	(tag) =	ssettag $0x0;
	lr =	simm.s32 $0x1  }
0x2: {  	[smem:$0x3F94] =	sst lr;
	_ =	strace $0xD0000000  }
0x3: {  	_ = 	snop  }
0x4: {  	_ = 	snop  }
0x5: {  	_ = 	snop  }
0x6: {  	_ = 	snop  }
0x7: {  	_ = 	snop  }
__scs_overlays_trampoline_lowered:
0x8: {  	[smem:$0x3FA3] =	sst s0  }
0x9: {  	[smem:$0x3FA4] =	sst s1  }
0xa: {  	[smem:$0x3FA5] =	sst s2  }
0xb: {  	[smem:$0x3FA6] =	sst s3  }
0xc: {  	[smem:$0x3FA7] =	sst s4  }
0xd: {  	[smem:$0x3FA8] =	sst s5  }
0xe: {  	[smem:$0x3FA9] =	sst s6  }
0xf: {  	[smem:$0x3FAA] =	sst s7  }
0x10: {  	[smem:$0x3FAB] =	sst s8  }
0x11: {  	[smem:$0x3FAC] =	sst s9;
	s0 =	simm.s32 @!p0 $0x0  }
0x12: {  	s1 =	sld [smem:$0x3F92];
	s0 =	simm.s32 @p0 $0x1  }
0x13: {  	[smem:$0x3FAD] =	sst s0;
	s0 =	simm.s32 @!p1 $0x0  }
0x14: {  	s2 =	sld [smem:$0x3F91];
	s0 =	simm.s32 @p1 $0x1  }
0x15: {  	[smem:$0x3FAE] =	sst s0;
	s0 =	simm.s32 @!p2 $0x0  }
0x16: {  	s3 =	sld [smem:$0x3FDB];
	s0 =	simm.s32 @p2 $0x1  }
0x17: {  	s4 =	simm.s32 $0x1BF5;
	[smem:$0x3FB0] =	sst s0  }
0x18: {  	s0 =	sld [smem:$0x3F93];
	_ =	swait.ge [sflag:s4], $0x0  }
0x19: {  	s7 =	sld [smem:$0x3F94]  }
0x1a: {  	s8 =	sadd.s32 $0xFFFFE003, lr  }
0x1b: {  	s9 =	sadd.s32 $0xFFFFFEF7, lr;
	s5 =	simm.s32 $0xFFFFFFFF;
	p2 =	slt.u32 s8, $0xFFFFF086  }
0x1c: {  	p1 =	slt.u32 s9, $0xF7A;
	s5 =	simm.s32 @!p2 $0x0  }
0x1d: {  	s5 =	simm.s32 @p1 $0x1;
	p0 =	seq.s32 s7, s2  }
0x1e: {  	s7 =	smul.u32 @!p0 $0xF7A, s2;
	p2 =	seq.s32 @!p0 s5, $0x0  }
0x1f: {  	s9 =	smul.u32 $0xF7A, s1;
	s8 =	simm.s32 @!p0 $0x1BF5;
	p2 =	por !p2, p0  }
0x20: {  	[sflag:s8] =	ssyncset.s32 @!p0 $0xFFFFF086;
	s6 =	sadd.s32 @!p0 s3, s7;
	s7 =	simm.s32 @!p0 $0x108  }
0x21: {  	s3 =	sadd.s32 s3, s9;
	s6 =	sadd.s32 @!p0 $0x88, s6;
	s7 =	simm.s32 @p2 $0x1082  }
0x22: {  	[simem:s7], [sflag:s8] =	dma.local @!p0 [hbm:s6], $0xF7A  }
0x23: {  	s9 =	sor.u32 $0xD0000000, s2;
	s6 =	simm.s32 $0x108;
	_ =	swait.ge @!p0 [sflag:s8], $0x0  }
0x24: {  	s3 =	sadd.s32 $0x88, s3;
	s6 =	simm.s32 @!p1 $0x1082;
	[sflag:s4] =	ssyncset.s32 $0xFFFFF086  }
0x25: {  	[simem:s6], [sflag:s4] =	dma.local [hbm:s3], $0xF7A  }
0x26: {  	[smem:$0x3F94] =	sst s1;
	(tag) =	ssettag s2;
	_ =	strace s9  }
0x27: {  	s1 =	sld [smem:$0x3FA4]  }
0x28: {  	s2 =	sld [smem:$0x3FA5]  }
0x29: {  	s4 =	sld [smem:$0x3FA7]  }
0x2a: {  	p0 =	seq.s32 s5, $0x0;
	s5 =	sld [smem:$0x3FA8]  }
0x2b: {  	s6 =	sld [smem:$0x3FA9]  }
0x2c: {  	s7 =	sld [smem:$0x3FAA]  }
0x2d: {  	s3 =	simm.s32 $0x108;
	s8 =	sld [smem:$0x3FAB]  }
0x2e: {  	s3 =	simm.s32 @!p0 $0x1082;
	s9 =	sld [smem:$0x3FAC]  }
0x2f: {  	lr =	sadd.s32 s0, s3;
	s0 =	sld [smem:$0x3FA3]  }
0x30: {  	s3 =	sld [smem:$0x3FA6]  }
0x31: {  	[smem:$0x3FAF] =	sst s10  }
0x32: {  	s10 =	sld [smem:$0x3FAD];
	_ =	sdelay $0x3  }
0x33: {  	p0 =	seq.s32 s10, $0x1;
	s10 =	sld [smem:$0x3FAF];
	_ =	sdelay $0x3  }
0x34: {  	[smem:$0x3FAF] =	sst s10  }
0x35: {  	s10 =	sld [smem:$0x3FAE];
	_ =	sdelay $0x3  }
0x36: {  	p1 =	seq.s32 s10, $0x1;
	s10 =	sld [smem:$0x3FAF];
	_ =	sdelay $0x3  }
0x37: {  	[smem:$0x3FAF] =	sst s10  }
0x38: {  	s10 =	sld [smem:$0x3FB0]  }
0x39: {  	_ = 	snop;
	(pc) =	sbr.ind lr, $3  }
0x3a: {  	_ = 	snop  }
0x3b: {  	_ = 	snop  }
0x3c: {  	p2 =	seq.s32 s10, $0x1;
	s10 =	sld [smem:$0x3FAF]  }
0x3d: {  	_ =	shalt  }
0x3e: {  	_ =	shalt  }
0x3f: {  	_ =	shalt  }
0x40: {  	_ =	shalt  }
0x41: {  	_ =	shalt  }
0x42: {  	_ =	shalt  }
0x43: {  	_ =	shalt  }
0x44: {  	_ =	shalt  }
0x45: {  	_ =	shalt  }
0x46: {  	_ =	shalt  }
0x47: {  	_ =	shalt  }
0x48: {  	_ =	shalt  }
0x49: {  	_ =	shalt  }
0x4a: {  	_ =	shalt  }
0x4b: {  	_ =	shalt  }
0x4c: {  	_ =	shalt  }
0x4d: {  	_ =	shalt  }
0x4e: {  	_ =	shalt  }
0x4f: {  	_ =	shalt  }
0x50: {  	_ =	shalt  }
0x51: {  	_ =	shalt  }
0x52: {  	_ =	shalt  }
0x53: {  	_ =	shalt  }
0x54: {  	_ =	shalt  }
0x55: {  	_ =	shalt  }
0x56: {  	_ =	shalt  }
0x57: {  	_ =	shalt  }
0x58: {  	_ =	shalt  }
0x59: {  	_ =	shalt  }
0x5a: {  	_ =	shalt  }
0x5b: {  	_ =	shalt  }
0x5c: {  	_ =	shalt  }
0x5d: {  	_ =	shalt  }
0x5e: {  	_ =	shalt  }
0x5f: {  	_ =	shalt  }
0x60: {  	_ =	shalt  }
0x61: {  	_ =	shalt  }
0x62: {  	_ =	shalt  }
0x63: {  	_ =	shalt  }
0x64: {  	_ =	shalt  }
0x65: {  	_ =	shalt  }
0x66: {  	_ =	shalt  }
0x67: {  	_ =	shalt  }
0x68: {  	_ =	shalt  }
0x69: {  	_ =	shalt  }
0x6a: {  	_ =	shalt  }
0x6b: {  	_ =	shalt  }
0x6c: {  	_ =	shalt  }
0x6d: {  	_ =	shalt  }
0x6e: {  	_ =	shalt  }
0x6f: {  	_ =	shalt  }
0x70: {  	_ =	shalt  }
0x71: {  	_ =	shalt  }
0x72: {  	_ =	shalt  }
0x73: {  	_ =	shalt  }
0x74: {  	_ =	shalt  }
0x75: {  	_ =	shalt  }
0x76: {  	_ =	shalt  }
0x77: {  	_ =	shalt  }
0x78: {  	_ =	shalt  }
0x79: {  	_ =	shalt  }
0x7a: {  	_ =	shalt  }
0x7b: {  	_ =	shalt  }
0x7c: {  	_ =	shalt  }
0x7d: {  	_ =	shalt  }
0x7e: {  	_ =	shalt  }
0x7f: {  	_ =	shalt  }
0x80: {  	_ =	shalt  }
0x81: {  	_ =	shalt  }
0x82: {  	_ =	shalt  }
0x83: {  	_ =	shalt  }
0x84: {  	_ =	shalt  }
0x85: {  	_ =	shalt  }
0x86: {  	_ =	shalt  }
0x87: {  	_ =	shalt  }
.Lfunc_end0:
.L_simem_size_0:
called_computation.2_lowered:
.L_overlay_start_0:
0x88: {  	s2 =	sld [smem:$0x3FD9]  }
0x89: {  	s3 =	sld [smem:$0x3FFE];
	_ =	sdelay $0x1  }
0x8a: {  	s1 =	srdreg.scid  }
0x8b: {  	s0 =	sand.u32 $0x1, s1  }
0x8c: {  	s17 =	sshll.u32 s0, $0xA;
	s2 =	sadd.s32 s3, s2  }
0x8d: {  	s2 =	sadd.s32 s2, s17  }
0x8e: {  	[smem:$0x3FBB] =	sst s2  }
0x8f: {  	_ = 	snop  }
0x90: {  	(tm) =	ssettm $0x1  }
0x91: {  	s18 =	sld [smem:$0x3FFB];
	_ =	sdelay $0x3  }
0x92: {  	_ =	strace s18  }
0x93: {  	s2 =	sld [smem:$0x3FFC];
	_ =	sdelay $0x3  }
0x94: {  	_ =	strace s2  }
0x95: {  	s2 =	sld [smem:$0x3FFD];
	_ =	sdelay $0x3  }
0x96: {  	_ =	strace s2  }
0x97: {  	_ =	strace $0x8FFFFFFF  }
0x98: {  	s19 =	sld [smem:$0x3FDB];
	_ =	sdelay $0x1  }
0x99: {  	s20 =	simm.s32 $_scs_section_size  }
0x9a: {  	s4 =	simm.s32 $_size__tile_overlayer_lowered;
	s5 =	simm.s32 $_tile_overlayer_lowered  }
0x9b: {  	s6 =	simm.s32 $0x1BFF;
	s21 =	sshll.u32 s5, $0x1;
	s3 =	sadd.s32 s20, s19  }
0x9c: {  	s22 =	simm.s32 $0x0;
	s4 =	sshll.u32 s4, $0x1;
	s5 =	sadd.s32 s21, s3  }
0x9d: {  	[timem:s22], [sflag:s6] =	dma.local [hbm:s5], s4  }
0x9e: {  	_ =	swait.ge [sflag:s6], s4  }
0x9f: {  	s4 =	ssub.s32 $0x0, s4;
	[sflag:s6] =	ssyncset.done $0x0  }
0xa0: {  	[sflag:s6] =	ssyncadd.s32 s4;
	_ =	sdelay $0x1  }
0xa1: {  	s23 =	simm.s32 $0x1B8B  }
0xa2: {  	_ =	swait.ge [sflag:s23], $0x1  }
0xa3: {  	[sflag:s23] =	ssyncset.done $0x0  }
0xa4: {  	[sflag:s23] =	ssyncadd.s32 $0xFFFFFFFF  }
0xa5: {  	s4 =	sld [smem:$0x0]  }
0xa6: {  	s5 =	sand.u32 $0xFFFFFFFE, s1  }
0xa7: {  	p0 =	sne.s32 s1, s5  }
0xa8: {  	s5 =	sshll.u32 @p0 s5, $0xE  }
0xa9: {  	s5 =	sadd.s32 @p0 $0x11B8D, s5;
	s6 =	sshll.u32 @p0 s4, $0x11  }
0xaa: {  	s5 =	sor.u32 @p0 s6, s5  }
0xab: {  	[sflag:s5] =	ssyncadd.remote.s32 @p0 $0x1;
	_ =	sdelay $0x1  }
0xac: {  	s5 =	simm.s32 @p0 $0x1B8D  }
0xad: {  	_ =	swait.eq @p0 [sflag:s5], $0x1  }
0xae: {  	[sflag:s5] =	ssyncadd.s32 @p0 $0xFFFFFFFF  }
0xaf: {  	s6 =	sshll.u32 @!p0 s1, $0xE  }
0xb0: {  	s6 =	sor.u32 @!p0 $0x4000, s6;
	s5 =	simm.s32 @!p0 $0x1B8D  }
0xb1: {  	s4 =	sshll.u32 @!p0 s4, $0x11;
	s6 =	sadd.s32 @!p0 $0x11B8D, s6;
	_ =	swait.eq @!p0 [sflag:s5], $0x1  }
0xb2: {  	s4 =	sor.u32 @!p0 s4, s6;
	[sflag:s5] =	ssyncadd.s32 @!p0 $0xFFFFFFFF  }
0xb3: {  	s25 =	simm.s32 $0x1B8E;
	s24 =	sld [smem:$0x3FFE];
	[sflag:s4] =	ssyncadd.remote.s32 @!p0 $0x1  }
0xb4: {  	s26 =	simm.s32 $execute0_lowered;
	[smem:$0x3FD2] =	sst s25  }
0xb5: {  	s5 =	sshll.u32 s26, $0x1;
	_ =	strace $0x80000049;
	[dreg:$0x1] =	wrdreg $0xFFFFFFFF  }
0xb6: {  	s28 =	simm.s32 $_size_execute0_lowered;
	s3 =	sadd.s32 s3, s5;
	[dreg:$0x0] =	wrdreg $0x0  }
0xb7: {  	s5 =	sshll.u32 s28, $0x1;
	[dreg:$0x2] =	wrdreg s3  }
0xb8: {  	[dreg:$0x3] =	wrdreg s5  }
0xb9: {  	[dreg:$0x4] =	wrdreg $0xC0  }
0xba: {  	_ =	task [dreg:s22], $0x5FFFF  }
0xbb: {  	[dreg:$0x1] =	wrdreg $0xFFFFFFFF  }
0xbc: {  	[dreg:$0x0] =	wrdreg $0x60  }
0xbd: {  	[dreg:$0x2] =	wrdreg s24  }
0xbe: {  	[dreg:$0x3] =	wrdreg $0x0  }
0xbf: {  	[dreg:$0x4] =	wrdreg $0xB  }
0xc0: {  	_ =	task.clear_ibuf [dreg:s22], $0x5FFFF;
	_ =	strace $0x90000049  }
0xc1: {  	s29 =	simm.s32 $0xB;
	_ =	strace $0x8000004B  }
0xc2: {  	_ =	swait.ge [sflag:s29], $0x1  }
0xc3: {  	[sflag:s29] =	ssyncadd.s32 $0xFFFFFFFF  }
0xc4: {  	_ =	strace $0x9000004B  }
0xc5: {  	_ =	sfence  }
0xc6: {  	s30 =	sld [smem:$0x0];
	_ =	sdelay $0x2  }
0xc7: {  	s31 =	sshll.u32 s1, $0xD;
	s1 =	sshrl.u32 s1, $0x2  }
0xc8: {  	s4 =	sand.u32 $0x4000, s31;
	s1 =	sadd.s32 s1, s30  }
0xc9: {  	s0 =	sor.u32 s4, s0;
	s1 =	sshll.u32 s1, $0x11  }
0xca: {  	s0 =	sor.u32 s1, s0  }
0xcb: {  	s0 =	sadd.s32 $0x8F2B, s0  }
0xcc: {  	[sflag:s0] =	ssyncadd.remote.s32 $0x1  }
0xcd: {  	_ =	sfence.sel $0xFFFF  }
0xce: {  	[dreg:$0x0] =	wrdreg $0xFFFFFFFF;
	(pc) =	sbr.abs _section_cstart, $3  }
0xcf: {  	[dreg:$0x1] =	wrdreg $0xFFFFFFFF  }
0xd0: {  	_ =	task.clear_ibuf [dreg:s22], $0x2FFFF;
	_ =	strace $0x9FFFFFFF  }
0xd1: {  	(tm) =	ssettm $0x7FFFFFFF  }
tec
execute0_lowered:
.L_overlay_start_1:
0x0: {  	(tag) =	ssettag $0x1  }
0x1: {  	s4 =	rddreg [dreg:$0x0]  }
0x2: {  	s0 =	stileid.u32;
	s1 =	srdreg.scid  }
0x3: {  	s2 =	rddreg [dreg:$0x1];
	s3 =	simm.s32 $0x0;
	s10 =	simm.s32 $0x14000  }
0x4: {  	s11 =	simm.s32 $0x80;
	s12 =	simm.s32 $0x14080;
	s5 =	smul.u32 $0xA00, s0  }
0x5: {  	s6 =	sand.u32 $0x1, s1;
	s1 =	rddreg [dreg:$0x2];
	s8 =	smul.u32 $0x14000, s0  }
0x6: {  	s15 =	simm.s32 $0x0;
	[smem:$0x7FF] =	sst s3;
	s29 =	smul.u32 $0x50000, s0  }
0x7: {  	s13 =	sshll.u32 s0, $0x6;
	s7 =	smul.u32 $0x140000, s6;
	_ =	strace $0x8000004A  }
0x8: {  	s9 =	ssub.s32 $0x2, s6;
	s6 =	smul.u32 $0x500, s6;
	s13 =	sor.u32 $0x1C01, s13  }
0x9: {  	s5 =	sadd.s32 s5, s4;
	s30 =	sshrl.u32 s9, $0x1;
	s7 =	sadd.s32 s8, s7  }
0xa: {  	s8 =	sshrl.u32 s29, $0x2;
	s9 =	ssub.s32 s9, s30;
	s31 =	sadd.s32 s6, s5  }
0xb: {  	s7 =	sshrl.u32 s7, $0x3;
	s6 =	smax.u32 s9, $0x1;
	s9 =	simm.s32 $0x1  }
0xc: {  	s7 =	sadd.s32 s7, s4;
	s4 =	sadd.s32 s8, s2;
	s8 =	simm.s32 $0x18080  }
0xd: {  	v0 =	vimm.f32 $0.0e+00;
	v1 =	vimm.f32 $1.000000000e+00;
	s5 =	sadd.s32 $0x84000, s7;
	s7 =	sadd.s32 $0x1E00, s31;
	s14 =	sshrl.u32 s4, $0x3  }
.LBB2_1:
0xe: {  	s16 =	simm.s32 $0x0;
	s17 =	simm.s32 $0x200  }
.LBB2_2:
0xf: {  	p0 =	sne.s32 s17, $0x1E00;
	[tilespmem:s16+$0x180F0] =	vst v0  }
0x10: {  	[tilespmem:s16+$0x18080] =	vst v0  }
0x11: {  	[tilespmem:s16+$0x18090] =	vst v0  }
.Ltmp0:
0x12: {  	[tilespmem:s16+$0x180A0] =	vst v0;
	(pc) =	sbr.rel @p0 .LBB2_2-.Ltmp0, $4  }
0x13: {  	[tilespmem:s16+$0x180B0] =	vst v0  }
0x14: {  	[tilespmem:s16+$0x180C0] =	vst v0  }
0x15: {  	[tilespmem:s16+$0x180D0] =	vst v0  }
0x16: {  	[tilespmem:s16+$0x180E0] =	vst v0;
	s16 =	sshra.s32 s17, $0x2;
	s17 =	sadd.s32 $0x200, s17  }
0x17: {  	[tilespmem:s16+$0x180F0] =	vst v0  }
0x18: {  	[tilespmem:s16+$0x18080] =	vst v0  }
0x19: {  	[tilespmem:s16+$0x18090] =	vst v0  }
0x1a: {  	[tilespmem:s16+$0x180A0] =	vst v0  }
0x1b: {  	[tilespmem:s16+$0x180B0] =	vst v0  }
0x1c: {  	[tilespmem:s16+$0x180C0] =	vst v0  }
0x1d: {  	[tilespmem:s16+$0x180D0] =	vst v0  }
0x1e: {  	[tilespmem:s16+$0x180E0] =	vst v0;
	s16 =	simm.s32 $0x0;
	s17 =	simm.s32 $0x200  }
.LBB2_4:
0x1f: {  	p0 =	sne.s32 s17, $0xFE00;
	[tilespmem:s16+$0x140F0] =	vst v1  }
0x20: {  	[tilespmem:s16+$0x14080] =	vst v1  }
0x21: {  	[tilespmem:s16+$0x14090] =	vst v1  }
.Ltmp1:
0x22: {  	[tilespmem:s16+$0x140A0] =	vst v1;
	(pc) =	sbr.rel @p0 .LBB2_4-.Ltmp1, $4  }
0x23: {  	[tilespmem:s16+$0x140B0] =	vst v1  }
0x24: {  	[tilespmem:s16+$0x140C0] =	vst v1  }
0x25: {  	[tilespmem:s16+$0x140D0] =	vst v1  }
0x26: {  	[tilespmem:s16+$0x140E0] =	vst v1;
	s16 =	sshra.s32 s17, $0x2;
	s17 =	sadd.s32 $0x200, s17  }
0x27: {  	[tilespmem:s16+$0x140F0] =	vst v1  }
0x28: {  	[tilespmem:s16+$0x14080] =	vst v1  }
0x29: {  	[tilespmem:s16+$0x14090] =	vst v1  }
0x2a: {  	[tilespmem:s16+$0x140A0] =	vst v1  }
0x2b: {  	[tilespmem:s16+$0x140B0] =	vst v1  }
0x2c: {  	[tilespmem:s16+$0x140C0] =	vst v1  }
0x2d: {  	[tilespmem:s16+$0x140D0] =	vst v1  }
0x2e: {  	[tilespmem:s16+$0x140E0] =	vst v1;
	s31 =	sadd.s32 $0x0, s4  }
0x2f: {  	[spmem:s31] =	stream.linear.scatter [tilespmem:s8], [sflag:$0x1], $0x800, $0x38;
	[tilespmem:$0x18880] =	vst v63  }
0x30: {  	s16 =	simm.s32 $0x2000;
	_ =	swait.ge [sflag:s9], $0x800  }
.LBB2_6:
0x31: {  	s17 =	sshra.s32 s16, $0x2;
	[sflag:s9] =	ssyncset.done $0x0;
	p0 =	sne.s32 s16, $0x4E000  }
.Ltmp2:
0x32: {  	s17 =	sadd.s32 s17, s4;
	[sflag:s9] =	ssyncadd.s32 $0xFFFFF800;
	(pc) =	sbr.rel @p0 .LBB2_6-.Ltmp2, $3  }
0x33: {  	[spmem:s17] =	stream.linear.scatter [tilespmem:s8], [sflag:$0x1], $0x800, $0x38;
	[tilespmem:$0x18880] =	vst v63  }
0x34: {  	s16 =	sadd.s32 $0x2000, s16;
	_ =	sdelay $0x1  }
0x35: {  	_ =	swait.ge [sflag:s9], $0x800  }
0x36: {  	[sflag:s9] =	ssyncset.done $0x0  }
0x37: {  	[sflag:s9] =	ssyncadd.s32 $0xFFFFF800  }
0x38: {  	s16 =	sadd.s32 $0x0, s7;
	[bflag:$0x0] =	sbarrier.arrive $0xFFFF  }
0x39: {  	[tilespmem:s10], [sflag:$0x1] =	stream.linear.gather [hbm4b:s16+s3], $0x80, $0x38;
	[tilespmem:$0x18880] =	vst v63  }
0x3a: {  	_ =	swait.ge [sflag:s9], $0x80  }
0x3b: {  	[sflag:s9] =	ssyncset.done $0x0  }
0x3c: {  	[sflag:s9] =	ssyncadd.s32 $0xFFFFFF80  }
0x3d: {  	[spmem:s2] =	stream.indirect.scatter.add.f32 [tilespmem:s12], [sflag:$0x1], $0x80, s10, s11, $0xb8;
	[tilespmem:$0x18880] =	vst v63  }
0x3e: {  	_ =	swait.ge [sflag:s9], $0x4000  }
0x3f: {  	s17 =	simm.s32 $0x20;
	s16 =	simm.s32 $0x10;
	[sflag:s9] =	ssyncset.done $0x0  }
.LBB2_8:
0x40: {  	s18 =	sadd.s32 s16, s7  }
0x41: {  	[sflag:s9] =	ssyncadd.s32 $0xFFFFC000;
	s16 =	smov.u32 s17;
	s19 =	sadd.s32 $0x10, s17  }
0x42: {  	[tilespmem:s10], [sflag:$0x1] =	stream.linear.gather [hbm4b:s18+s3], $0x80, $0x38;
	[tilespmem:$0x18880] =	vst v63  }
0x43: {  	p0 =	sne.s32 s17, $0x4F0;
	_ =	swait.ge [sflag:s9], $0x80  }
.Ltmp3:
0x44: {  	[sflag:s9] =	ssyncset.done $0x0;
	(pc) =	sbr.rel @p0 .LBB2_8-.Ltmp3, $4  }
0x45: {  	[sflag:s9] =	ssyncadd.s32 $0xFFFFFF80  }
0x46: {  	[spmem:s2] =	stream.indirect.scatter.add.f32 [tilespmem:s12], [sflag:$0x1], $0x80, s10, s11, $0xb8;
	[tilespmem:$0x18880] =	vst v63  }
0x47: {  	_ =	swait.ge [sflag:s9], $0x4000  }
0x48: {  	s17 =	smov.u32 s19;
	[sflag:s9] =	ssyncset.done $0x0  }
0x49: {  	s16 =	sadd.s32 s16, s7;
	[sflag:s9] =	ssyncadd.s32 $0xFFFFC000  }
0x4a: {  	[tilespmem:s10], [sflag:$0x1] =	stream.linear.gather [hbm4b:s16+s3], $0x80, $0x38;
	[tilespmem:$0x18880] =	vst v63  }
0x4b: {  	_ =	swait.ge [sflag:s9], $0x80  }
0x4c: {  	[sflag:s9] =	ssyncset.done $0x0  }
0x4d: {  	[sflag:s9] =	ssyncadd.s32 $0xFFFFFF80  }
0x4e: {  	[spmem:s2] =	stream.indirect.scatter.add.f32 [tilespmem:s12], [sflag:$0x1], $0x80, s10, s11, $0xb8;
	[tilespmem:$0x18880] =	vst v63  }
0x4f: {  	_ =	swait.ge [sflag:s9], $0x4000  }
0x50: {  	s15 =	sadd.s32 $0x1, s15;
	[sflag:s9] =	ssyncset.done $0x0  }
0x51: {  	p0 =	sne.s32 s15, s6;
	[sflag:s9] =	ssyncadd.s32 $0xFFFFC000  }
.Ltmp4:
0x52: {  	[bflag:$0x0] =	sbarrier.arrive $0xFFFF;
	(pc) =	sbr.rel @p0 .LBB2_1-.Ltmp4, $4  }
0x53: {  	[hbm:s5], [sflag:s13] =	dma.local [spmem:s14], $0x2800  }
0x54: {  	_ =	swait.ge [sflag:s9], $0x2800  }
0x55: {  	[sflag:s9] =	ssyncset.done $0x0  }
0x56: {  	[sflag:s9] =	ssyncadd.s32 $0xFFFFD800  }
0x57: {  	_ =	sfence.sel $0x180000  }
0x58: {  	[bflag:$0x0] =	sbarrier.arrive $0xFFFF  }
0x59: {  	p0 =	sne.s32 s0, $0x0;
	_ =	strace $0x9000004A  }
0x5a: {  	s0 =	sadd.s32 @!p0 $0x100000, s1;
	[bflag:$0x2] =	sbarrier.arrive $0xFFFF  }
0x5b: {  	[sflag:s0] =	ssyncadd.tile.s32 @!p0 $0x1;
	_ =	shalt  }
.Lfunc_end2:
_tile_overlayer_lowered:
.L_overlay_start_2:
0x5c: {  	(tag) =	ssettag $0x2  }
0x5d: {  	s0 =	rddreg [dreg:$0x0];
	s2 =	stileid.u32  }
0x5e: {  	s1 =	rddreg [dreg:$0x1];
	p0 =	sne.s32 s2, $0x0  }
0x5f: {  	s3 =	rddreg [dreg:$0x2];
	[bflag:$0x3] =	sbarrier.arrive $0xFFFF;
	s2 =	simm.s32 @!p0 $0x1C01  }
0x60: {  	[timem:s3], [sflag:s2] =	dma.local @!p0 [hbm:s0], s1  }
0x61: {  	s0 =	simm.s32 @!p0 $0x1  }
0x62: {  	_ =	swait.ge @!p0 [sflag:s0], s1  }
0x63: {  	s1 =	ssub.s32 @!p0 $0x0, s1;
	[sflag:s0] =	ssyncset.done @!p0 $0x0  }
0x64: {  	[sflag:s0] =	ssyncadd.s32 @!p0 s1  }
0x65: {  	[bflag:$0x3] =	sbarrier.arrive $0xFFFF  }
0x66: {  	_ =	shalt  }

// kernel: kernel.16.cloned.1.call-start
scs
__scs_entry_jumppad:
0x0: {  	(pc) =	sbr.rel $0x88, $3  }
0x1: {  	(tag) =	ssettag $0x0;
	lr =	simm.s32 $0x1  }
0x2: {  	[smem:$0x3F94] =	sst lr;
	_ =	strace $0xD0000000  }
0x3: {  	_ = 	snop  }
0x4: {  	_ = 	snop  }
0x5: {  	_ = 	snop  }
0x6: {  	_ = 	snop  }
0x7: {  	_ = 	snop  }
__scs_overlays_trampoline_lowered:
0x8: {  	[smem:$0x3FA3] =	sst s0  }
0x9: {  	[smem:$0x3FA4] =	sst s1  }
0xa: {  	[smem:$0x3FA5] =	sst s2  }
0xb: {  	[smem:$0x3FA6] =	sst s3  }
0xc: {  	[smem:$0x3FA7] =	sst s4  }
0xd: {  	[smem:$0x3FA8] =	sst s5  }
0xe: {  	[smem:$0x3FA9] =	sst s6  }
0xf: {  	[smem:$0x3FAA] =	sst s7  }
0x10: {  	[smem:$0x3FAB] =	sst s8  }
0x11: {  	[smem:$0x3FAC] =	sst s9;
	s0 =	simm.s32 @!p0 $0x0  }
0x12: {  	s1 =	sld [smem:$0x3F92];
	s0 =	simm.s32 @p0 $0x1  }
0x13: {  	[smem:$0x3FAD] =	sst s0;
	s0 =	simm.s32 @!p1 $0x0  }
0x14: {  	s2 =	sld [smem:$0x3F91];
	s0 =	simm.s32 @p1 $0x1  }
0x15: {  	[smem:$0x3FAE] =	sst s0;
	s0 =	simm.s32 @!p2 $0x0  }
0x16: {  	s3 =	sld [smem:$0x3FDB];
	s0 =	simm.s32 @p2 $0x1  }
0x17: {  	s4 =	simm.s32 $0x1BF5;
	[smem:$0x3FB0] =	sst s0  }
0x18: {  	s0 =	sld [smem:$0x3F93];
	_ =	swait.ge [sflag:s4], $0x0  }
0x19: {  	s7 =	sld [smem:$0x3F94]  }
0x1a: {  	s8 =	sadd.s32 $0xFFFFE003, lr  }
0x1b: {  	s9 =	sadd.s32 $0xFFFFFEF7, lr;
	s5 =	simm.s32 $0xFFFFFFFF;
	p2 =	slt.u32 s8, $0xFFFFF086  }
0x1c: {  	p1 =	slt.u32 s9, $0xF7A;
	s5 =	simm.s32 @!p2 $0x0  }
0x1d: {  	s5 =	simm.s32 @p1 $0x1;
	p0 =	seq.s32 s7, s2  }
0x1e: {  	s7 =	smul.u32 @!p0 $0xF7A, s2;
	p2 =	seq.s32 @!p0 s5, $0x0  }
0x1f: {  	s9 =	smul.u32 $0xF7A, s1;
	s8 =	simm.s32 @!p0 $0x1BF5;
	p2 =	por !p2, p0  }
0x20: {  	[sflag:s8] =	ssyncset.s32 @!p0 $0xFFFFF086;
	s6 =	sadd.s32 @!p0 s3, s7;
	s7 =	simm.s32 @!p0 $0x108  }
0x21: {  	s3 =	sadd.s32 s3, s9;
	s6 =	sadd.s32 @!p0 $0x88, s6;
	s7 =	simm.s32 @p2 $0x1082  }
0x22: {  	[simem:s7], [sflag:s8] =	dma.local @!p0 [hbm:s6], $0xF7A  }
0x23: {  	s9 =	sor.u32 $0xD0000000, s2;
	s6 =	simm.s32 $0x108;
	_ =	swait.ge @!p0 [sflag:s8], $0x0  }
0x24: {  	s3 =	sadd.s32 $0x88, s3;
	s6 =	simm.s32 @!p1 $0x1082;
	[sflag:s4] =	ssyncset.s32 $0xFFFFF086  }
0x25: {  	[simem:s6], [sflag:s4] =	dma.local [hbm:s3], $0xF7A  }
0x26: {  	[smem:$0x3F94] =	sst s1;
	(tag) =	ssettag s2;
	_ =	strace s9  }
0x27: {  	s1 =	sld [smem:$0x3FA4]  }
0x28: {  	s2 =	sld [smem:$0x3FA5]  }
0x29: {  	s4 =	sld [smem:$0x3FA7]  }
0x2a: {  	p0 =	seq.s32 s5, $0x0;
	s5 =	sld [smem:$0x3FA8]  }
0x2b: {  	s6 =	sld [smem:$0x3FA9]  }
0x2c: {  	s7 =	sld [smem:$0x3FAA]  }
0x2d: {  	s3 =	simm.s32 $0x108;
	s8 =	sld [smem:$0x3FAB]  }
0x2e: {  	s3 =	simm.s32 @!p0 $0x1082;
	s9 =	sld [smem:$0x3FAC]  }
0x2f: {  	lr =	sadd.s32 s0, s3;
	s0 =	sld [smem:$0x3FA3]  }
0x30: {  	s3 =	sld [smem:$0x3FA6]  }
0x31: {  	[smem:$0x3FAF] =	sst s10  }
0x32: {  	s10 =	sld [smem:$0x3FAD];
	_ =	sdelay $0x3  }
0x33: {  	p0 =	seq.s32 s10, $0x1;
	s10 =	sld [smem:$0x3FAF];
	_ =	sdelay $0x3  }
0x34: {  	[smem:$0x3FAF] =	sst s10  }
0x35: {  	s10 =	sld [smem:$0x3FAE];
	_ =	sdelay $0x3  }
0x36: {  	p1 =	seq.s32 s10, $0x1;
	s10 =	sld [smem:$0x3FAF];
	_ =	sdelay $0x3  }
0x37: {  	[smem:$0x3FAF] =	sst s10  }
0x38: {  	s10 =	sld [smem:$0x3FB0]  }
0x39: {  	_ = 	snop;
	(pc) =	sbr.ind lr, $3  }
0x3a: {  	_ = 	snop  }
0x3b: {  	_ = 	snop  }
0x3c: {  	p2 =	seq.s32 s10, $0x1;
	s10 =	sld [smem:$0x3FAF]  }
0x3d: {  	_ =	shalt  }
0x3e: {  	_ =	shalt  }
0x3f: {  	_ =	shalt  }
0x40: {  	_ =	shalt  }
0x41: {  	_ =	shalt  }
0x42: {  	_ =	shalt  }
0x43: {  	_ =	shalt  }
0x44: {  	_ =	shalt  }
0x45: {  	_ =	shalt  }
0x46: {  	_ =	shalt  }
0x47: {  	_ =	shalt  }
0x48: {  	_ =	shalt  }
0x49: {  	_ =	shalt  }
0x4a: {  	_ =	shalt  }
0x4b: {  	_ =	shalt  }
0x4c: {  	_ =	shalt  }
0x4d: {  	_ =	shalt  }
0x4e: {  	_ =	shalt  }
0x4f: {  	_ =	shalt  }
0x50: {  	_ =	shalt  }
0x51: {  	_ =	shalt  }
0x52: {  	_ =	shalt  }
0x53: {  	_ =	shalt  }
0x54: {  	_ =	shalt  }
0x55: {  	_ =	shalt  }
0x56: {  	_ =	shalt  }
0x57: {  	_ =	shalt  }
0x58: {  	_ =	shalt  }
0x59: {  	_ =	shalt  }
0x5a: {  	_ =	shalt  }
0x5b: {  	_ =	shalt  }
0x5c: {  	_ =	shalt  }
0x5d: {  	_ =	shalt  }
0x5e: {  	_ =	shalt  }
0x5f: {  	_ =	shalt  }
0x60: {  	_ =	shalt  }
0x61: {  	_ =	shalt  }
0x62: {  	_ =	shalt  }
0x63: {  	_ =	shalt  }
0x64: {  	_ =	shalt  }
0x65: {  	_ =	shalt  }
0x66: {  	_ =	shalt  }
0x67: {  	_ =	shalt  }
0x68: {  	_ =	shalt  }
0x69: {  	_ =	shalt  }
0x6a: {  	_ =	shalt  }
0x6b: {  	_ =	shalt  }
0x6c: {  	_ =	shalt  }
0x6d: {  	_ =	shalt  }
0x6e: {  	_ =	shalt  }
0x6f: {  	_ =	shalt  }
0x70: {  	_ =	shalt  }
0x71: {  	_ =	shalt  }
0x72: {  	_ =	shalt  }
0x73: {  	_ =	shalt  }
0x74: {  	_ =	shalt  }
0x75: {  	_ =	shalt  }
0x76: {  	_ =	shalt  }
0x77: {  	_ =	shalt  }
0x78: {  	_ =	shalt  }
0x79: {  	_ =	shalt  }
0x7a: {  	_ =	shalt  }
0x7b: {  	_ =	shalt  }
0x7c: {  	_ =	shalt  }
0x7d: {  	_ =	shalt  }
0x7e: {  	_ =	shalt  }
0x7f: {  	_ =	shalt  }
0x80: {  	_ =	shalt  }
0x81: {  	_ =	shalt  }
0x82: {  	_ =	shalt  }
0x83: {  	_ =	shalt  }
0x84: {  	_ =	shalt  }
0x85: {  	_ =	shalt  }
0x86: {  	_ =	shalt  }
0x87: {  	_ =	shalt  }
.Lfunc_end0:
.L_simem_size_0:
called_computation.3_lowered:
.L_overlay_start_0:
0x88: {  	s2 =	sld [smem:$0x3FD9]  }
0x89: {  	s3 =	sld [smem:$0x3FFE];
	_ =	sdelay $0x1  }
0x8a: {  	s1 =	srdreg.scid  }
0x8b: {  	s0 =	sand.u32 $0x1, s1  }
0x8c: {  	s17 =	sshll.u32 s0, $0xA;
	s2 =	sadd.s32 s3, s2  }
0x8d: {  	s2 =	sadd.s32 s2, s17  }
0x8e: {  	[smem:$0x3FBB] =	sst s2  }
0x8f: {  	_ = 	snop  }
0x90: {  	(tm) =	ssettm $0x1  }
0x91: {  	s18 =	sld [smem:$0x3FFB];
	_ =	sdelay $0x3  }
0x92: {  	_ =	strace s18  }
0x93: {  	s2 =	sld [smem:$0x3FFC];
	_ =	sdelay $0x3  }
0x94: {  	_ =	strace s2  }
0x95: {  	s2 =	sld [smem:$0x3FFD];
	_ =	sdelay $0x3  }
0x96: {  	_ =	strace s2  }
0x97: {  	_ =	strace $0x8FFFFFFF  }
0x98: {  	s19 =	sld [smem:$0x3FDB];
	_ =	sdelay $0x1  }
0x99: {  	s20 =	simm.s32 $_scs_section_size  }
0x9a: {  	s4 =	simm.s32 $_size__tile_overlayer_lowered;
	s5 =	simm.s32 $_tile_overlayer_lowered  }
0x9b: {  	s6 =	simm.s32 $0x1BFF;
	s21 =	sshll.u32 s5, $0x1;
	s3 =	sadd.s32 s20, s19  }
0x9c: {  	s22 =	simm.s32 $0x0;
	s4 =	sshll.u32 s4, $0x1;
	s5 =	sadd.s32 s21, s3  }
0x9d: {  	[timem:s22], [sflag:s6] =	dma.local [hbm:s5], s4  }
0x9e: {  	_ =	swait.ge [sflag:s6], s4  }
0x9f: {  	s4 =	ssub.s32 $0x0, s4;
	[sflag:s6] =	ssyncset.done $0x0  }
0xa0: {  	[sflag:s6] =	ssyncadd.s32 s4;
	_ =	sdelay $0x1  }
0xa1: {  	s23 =	simm.s32 $0x1B8B  }
0xa2: {  	_ =	swait.ge [sflag:s23], $0x1  }
0xa3: {  	[sflag:s23] =	ssyncset.done $0x0  }
0xa4: {  	[sflag:s23] =	ssyncadd.s32 $0xFFFFFFFF  }
0xa5: {  	s4 =	sld [smem:$0x0]  }
0xa6: {  	s5 =	sand.u32 $0xFFFFFFFE, s1  }
0xa7: {  	p0 =	sne.s32 s1, s5  }
0xa8: {  	s5 =	sshll.u32 @p0 s5, $0xE  }
0xa9: {  	s5 =	sadd.s32 @p0 $0x11B8D, s5;
	s6 =	sshll.u32 @p0 s4, $0x11  }
0xaa: {  	s5 =	sor.u32 @p0 s6, s5  }
0xab: {  	[sflag:s5] =	ssyncadd.remote.s32 @p0 $0x1;
	_ =	sdelay $0x1  }
0xac: {  	s5 =	simm.s32 @p0 $0x1B8D  }
0xad: {  	_ =	swait.eq @p0 [sflag:s5], $0x1  }
0xae: {  	[sflag:s5] =	ssyncadd.s32 @p0 $0xFFFFFFFF  }
0xaf: {  	s6 =	sshll.u32 @!p0 s1, $0xE  }
0xb0: {  	s6 =	sor.u32 @!p0 $0x4000, s6;
	s5 =	simm.s32 @!p0 $0x1B8D  }
0xb1: {  	s4 =	sshll.u32 @!p0 s4, $0x11;
	s6 =	sadd.s32 @!p0 $0x11B8D, s6;
	_ =	swait.eq @!p0 [sflag:s5], $0x1  }
0xb2: {  	s4 =	sor.u32 @!p0 s4, s6;
	[sflag:s5] =	ssyncadd.s32 @!p0 $0xFFFFFFFF  }
0xb3: {  	s25 =	simm.s32 $0x1B8E;
	s24 =	sld [smem:$0x3FFE];
	[sflag:s4] =	ssyncadd.remote.s32 @!p0 $0x1  }
0xb4: {  	s26 =	simm.s32 $execute0_lowered;
	[smem:$0x3FD2] =	sst s25  }
0xb5: {  	s5 =	sshll.u32 s26, $0x1;
	_ =	strace $0x8000004F;
	[dreg:$0x1] =	wrdreg $0xFFFFFFFF  }
0xb6: {  	s28 =	simm.s32 $_size_execute0_lowered;
	s3 =	sadd.s32 s3, s5;
	[dreg:$0x0] =	wrdreg $0x0  }
0xb7: {  	s5 =	sshll.u32 s28, $0x1;
	[dreg:$0x2] =	wrdreg s3  }
0xb8: {  	[dreg:$0x3] =	wrdreg s5  }
0xb9: {  	[dreg:$0x4] =	wrdreg $0xC0  }
0xba: {  	_ =	task [dreg:s22], $0x5FFFF  }
0xbb: {  	[dreg:$0x1] =	wrdreg $0xFFFFFFFF  }
0xbc: {  	[dreg:$0x0] =	wrdreg $0x60  }
0xbd: {  	[dreg:$0x2] =	wrdreg s24  }
0xbe: {  	[dreg:$0x3] =	wrdreg $0x0  }
0xbf: {  	[dreg:$0x4] =	wrdreg $0xC  }
0xc0: {  	_ =	task.clear_ibuf [dreg:s22], $0x5FFFF;
	_ =	strace $0x9000004F  }
0xc1: {  	s29 =	simm.s32 $0xC;
	_ =	strace $0x80000051  }
0xc2: {  	_ =	swait.ge [sflag:s29], $0x1  }
0xc3: {  	[sflag:s29] =	ssyncadd.s32 $0xFFFFFFFF  }
0xc4: {  	_ =	strace $0x90000051  }
0xc5: {  	_ =	sfence  }
0xc6: {  	s30 =	sld [smem:$0x0];
	_ =	sdelay $0x2  }
0xc7: {  	s31 =	sshll.u32 s1, $0xD;
	s1 =	sshrl.u32 s1, $0x2  }
0xc8: {  	s4 =	sand.u32 $0x4000, s31;
	s1 =	sadd.s32 s1, s30  }
0xc9: {  	s0 =	sor.u32 s4, s0;
	s1 =	sshll.u32 s1, $0x11  }
0xca: {  	s0 =	sor.u32 s1, s0  }
0xcb: {  	s0 =	sadd.s32 $0x8F2B, s0  }
0xcc: {  	[sflag:s0] =	ssyncadd.remote.s32 $0x1  }
0xcd: {  	_ =	sfence.sel $0xFFFF  }
0xce: {  	[dreg:$0x0] =	wrdreg $0xFFFFFFFF;
	(pc) =	sbr.abs _section_cstart, $3  }
0xcf: {  	[dreg:$0x1] =	wrdreg $0xFFFFFFFF  }
0xd0: {  	_ =	task.clear_ibuf [dreg:s22], $0x2FFFF;
	_ =	strace $0x9FFFFFFF  }
0xd1: {  	(tm) =	ssettm $0x7FFFFFFF  }
tec
execute0_lowered:
.L_overlay_start_1:
0x0: {  	(tag) =	ssettag $0x1  }
0x1: {  	s4 =	rddreg [dreg:$0x0]  }
0x2: {  	s0 =	srdreg.scid;
	s2 =	rddreg [dreg:$0x1]  }
0x3: {  	s1 =	stileid.u32;
	s3 =	simm.s32 $0x0;
	s12 =	simm.s32 $0x1  }
0x4: {  	s13 =	simm.s32 $0x14000;
	s14 =	simm.s32 $0x80;
	s15 =	simm.s32 $0x14080  }
0x5: {  	s5 =	sand.u32 $0x1, s0;
	s0 =	rddreg [dreg:$0x2];
	s7 =	smul.u32 $0x14000, s1  }
0x6: {  	s16 =	simm.s32 $0x0;
	[smem:$0x7FF] =	sst s3;
	s8 =	smul.u32 $0x50000, s1  }
0x7: {  	s9 =	sshll.u32 s1, $0x7;
	s6 =	smul.u32 $0x140000, s5;
	s31 =	ssub.s32 $0x2, s5  }
0x8: {  	_ =	strace $0x80000050;
	s30 =	sshll.u32 s5, $0x6;
	s5 =	sshrl.u32 s31, $0x1  }
0x9: {  	s8 =	sshrl.u32 s8, $0x2;
	s6 =	sadd.s32 s7, s6;
	s7 =	sadd.s32 s30, s4  }
0xa: {  	s10 =	ssub.s32 s31, s5;
	s6 =	sshrl.u32 s6, $0x3;
	s11 =	sadd.s32 s9, s7  }
0xb: {  	s7 =	smax.u32 s10, $0x1;
	s6 =	sadd.s32 s6, s4;
	s4 =	sadd.s32 s8, s2  }
0xc: {  	s5 =	sadd.s32 $0xD4000, s11;
	s8 =	sadd.s32 $0xD4010, s11;
	s9 =	sadd.s32 $0xD4020, s11  }
0xd: {  	v0 =	vimm.f32 $0.0e+00;
	v1 =	vimm.f32 $1.000000000e+00;
	s10 =	sadd.s32 $0xD4030, s11;
	s11 =	simm.s32 $0x18080;
	s6 =	sadd.s32 $0x125400, s6  }
.LBB2_1:
0xe: {  	s17 =	simm.s32 $0x0;
	s18 =	simm.s32 $0x200  }
.LBB2_2:
0xf: {  	p0 =	sne.s32 s18, $0x1E00;
	[tilespmem:s17+$0x180F0] =	vst v0  }
0x10: {  	[tilespmem:s17+$0x18080] =	vst v0  }
0x11: {  	[tilespmem:s17+$0x18090] =	vst v0  }
.Ltmp0:
0x12: {  	[tilespmem:s17+$0x180A0] =	vst v0;
	(pc) =	sbr.rel @p0 .LBB2_2-.Ltmp0, $4  }
0x13: {  	[tilespmem:s17+$0x180B0] =	vst v0  }
0x14: {  	[tilespmem:s17+$0x180C0] =	vst v0  }
0x15: {  	[tilespmem:s17+$0x180D0] =	vst v0  }
0x16: {  	[tilespmem:s17+$0x180E0] =	vst v0;
	s17 =	sshra.s32 s18, $0x2;
	s18 =	sadd.s32 $0x200, s18  }
0x17: {  	[tilespmem:s17+$0x180F0] =	vst v0  }
0x18: {  	[tilespmem:s17+$0x18080] =	vst v0  }
0x19: {  	[tilespmem:s17+$0x18090] =	vst v0  }
0x1a: {  	[tilespmem:s17+$0x180A0] =	vst v0  }
0x1b: {  	[tilespmem:s17+$0x180B0] =	vst v0  }
0x1c: {  	[tilespmem:s17+$0x180C0] =	vst v0  }
0x1d: {  	[tilespmem:s17+$0x180D0] =	vst v0  }
0x1e: {  	[tilespmem:s17+$0x180E0] =	vst v0;
	s17 =	simm.s32 $0x0;
	s18 =	simm.s32 $0x200  }
.LBB2_4:
0x1f: {  	p0 =	sne.s32 s18, $0xFE00;
	[tilespmem:s17+$0x140F0] =	vst v1  }
0x20: {  	[tilespmem:s17+$0x14080] =	vst v1  }
0x21: {  	[tilespmem:s17+$0x14090] =	vst v1  }
.Ltmp1:
0x22: {  	[tilespmem:s17+$0x140A0] =	vst v1;
	(pc) =	sbr.rel @p0 .LBB2_4-.Ltmp1, $4  }
0x23: {  	[tilespmem:s17+$0x140B0] =	vst v1  }
0x24: {  	[tilespmem:s17+$0x140C0] =	vst v1  }
0x25: {  	[tilespmem:s17+$0x140D0] =	vst v1  }
0x26: {  	[tilespmem:s17+$0x140E0] =	vst v1;
	s17 =	sshra.s32 s18, $0x2;
	s18 =	sadd.s32 $0x200, s18  }
0x27: {  	[tilespmem:s17+$0x140F0] =	vst v1  }
0x28: {  	[tilespmem:s17+$0x14080] =	vst v1  }
0x29: {  	[tilespmem:s17+$0x14090] =	vst v1  }
0x2a: {  	[tilespmem:s17+$0x140A0] =	vst v1  }
0x2b: {  	[tilespmem:s17+$0x140B0] =	vst v1  }
0x2c: {  	[tilespmem:s17+$0x140C0] =	vst v1  }
0x2d: {  	[tilespmem:s17+$0x140D0] =	vst v1  }
0x2e: {  	[tilespmem:s17+$0x140E0] =	vst v1;
	s31 =	sadd.s32 $0x0, s4  }
0x2f: {  	[spmem:s31] =	stream.linear.scatter [tilespmem:s11], [sflag:$0x1], $0x800, $0x38;
	[tilespmem:$0x18880] =	vst v63  }
0x30: {  	s17 =	simm.s32 $0x2000;
	_ =	swait.ge [sflag:s12], $0x800  }
.LBB2_6:
0x31: {  	s18 =	sshra.s32 s17, $0x2;
	[sflag:s12] =	ssyncset.done $0x0;
	p0 =	sne.s32 s17, $0x4E000  }
.Ltmp2:
0x32: {  	s18 =	sadd.s32 s18, s4;
	[sflag:s12] =	ssyncadd.s32 $0xFFFFF800;
	(pc) =	sbr.rel @p0 .LBB2_6-.Ltmp2, $3  }
0x33: {  	[spmem:s18] =	stream.linear.scatter [tilespmem:s11], [sflag:$0x1], $0x800, $0x38;
	[tilespmem:$0x18880] =	vst v63  }
0x34: {  	s17 =	sadd.s32 $0x2000, s17;
	_ =	sdelay $0x1  }
0x35: {  	_ =	swait.ge [sflag:s12], $0x800  }
0x36: {  	[sflag:s12] =	ssyncset.done $0x0  }
0x37: {  	[sflag:s12] =	ssyncadd.s32 $0xFFFFF800  }
0x38: {  	[bflag:$0x0] =	sbarrier.arrive $0xFFFF  }
0x39: {  	[tilespmem:s13], [sflag:$0x1] =	stream.linear.gather [hbm4b:s5+s3], $0x80, $0x38;
	[tilespmem:$0x18880] =	vst v63  }
0x3a: {  	_ =	swait.ge [sflag:s12], $0x80  }
0x3b: {  	[sflag:s12] =	ssyncset.done $0x0  }
0x3c: {  	[sflag:s12] =	ssyncadd.s32 $0xFFFFFF80  }
0x3d: {  	[spmem:s2] =	stream.indirect.scatter.add.f32 [tilespmem:s15], [sflag:$0x1], $0x80, s13, s14, $0xb8;
	[tilespmem:$0x18880] =	vst v63  }
0x3e: {  	_ =	swait.ge [sflag:s12], $0x4000  }
0x3f: {  	[sflag:s12] =	ssyncset.done $0x0  }
0x40: {  	[sflag:s12] =	ssyncadd.s32 $0xFFFFC000  }
0x41: {  	[tilespmem:s13], [sflag:$0x1] =	stream.linear.gather [hbm4b:s8+s3], $0x80, $0x38;
	[tilespmem:$0x18880] =	vst v63  }
0x42: {  	_ =	swait.ge [sflag:s12], $0x80  }
0x43: {  	[sflag:s12] =	ssyncset.done $0x0  }
0x44: {  	[sflag:s12] =	ssyncadd.s32 $0xFFFFFF80  }
0x45: {  	[spmem:s2] =	stream.indirect.scatter.add.f32 [tilespmem:s15], [sflag:$0x1], $0x80, s13, s14, $0xb8;
	[tilespmem:$0x18880] =	vst v63  }
0x46: {  	_ =	swait.ge [sflag:s12], $0x4000  }
0x47: {  	[sflag:s12] =	ssyncset.done $0x0  }
0x48: {  	[sflag:s12] =	ssyncadd.s32 $0xFFFFC000  }
0x49: {  	[tilespmem:s13], [sflag:$0x1] =	stream.linear.gather [hbm4b:s9+s3], $0x80, $0x38;
	[tilespmem:$0x18880] =	vst v63  }
0x4a: {  	_ =	swait.ge [sflag:s12], $0x80  }
0x4b: {  	[sflag:s12] =	ssyncset.done $0x0  }
0x4c: {  	[sflag:s12] =	ssyncadd.s32 $0xFFFFFF80  }
0x4d: {  	[spmem:s2] =	stream.indirect.scatter.add.f32 [tilespmem:s15], [sflag:$0x1], $0x80, s13, s14, $0xb8;
	[tilespmem:$0x18880] =	vst v63  }
0x4e: {  	_ =	swait.ge [sflag:s12], $0x4000  }
0x4f: {  	[sflag:s12] =	ssyncset.done $0x0  }
0x50: {  	[sflag:s12] =	ssyncadd.s32 $0xFFFFC000  }
0x51: {  	[tilespmem:s13], [sflag:$0x1] =	stream.linear.gather [hbm4b:s10+s3], $0x80, $0x38;
	[tilespmem:$0x18880] =	vst v63  }
0x52: {  	_ =	swait.ge [sflag:s12], $0x80  }
0x53: {  	[sflag:s12] =	ssyncset.done $0x0  }
0x54: {  	[sflag:s12] =	ssyncadd.s32 $0xFFFFFF80  }
0x55: {  	[spmem:s2] =	stream.indirect.scatter.add.f32 [tilespmem:s15], [sflag:$0x1], $0x80, s13, s14, $0xb8;
	[tilespmem:$0x18880] =	vst v63  }
0x56: {  	_ =	swait.ge [sflag:s12], $0x4000  }
0x57: {  	s17 =	sshll.u32 s1, $0x6;
	s16 =	sadd.s32 $0x1, s16;
	[sflag:s12] =	ssyncset.done $0x0  }
0x58: {  	s18 =	sshrl.u32 s4, $0x3;
	p0 =	sne.s32 s16, s7;
	[sflag:s12] =	ssyncadd.s32 $0xFFFFC000  }
.Ltmp3:
0x59: {  	s17 =	sor.u32 $0x1C01, s17;
	[bflag:$0x0] =	sbarrier.arrive $0xFFFF;
	(pc) =	sbr.rel @p0 .LBB2_1-.Ltmp3, $4  }
0x5a: {  	[hbm:s6], [sflag:s17] =	dma.local [spmem:s18], $0x2800  }
0x5b: {  	_ =	swait.ge [sflag:s12], $0x2800  }
0x5c: {  	[sflag:s12] =	ssyncset.done $0x0  }
0x5d: {  	[sflag:s12] =	ssyncadd.s32 $0xFFFFD800  }
0x5e: {  	_ =	sfence.sel $0x180000  }
0x5f: {  	[bflag:$0x0] =	sbarrier.arrive $0xFFFF  }
0x60: {  	p0 =	sne.s32 s1, $0x0;
	_ =	strace $0x90000050  }
0x61: {  	s0 =	sadd.s32 @!p0 $0x100000, s0;
	[bflag:$0x2] =	sbarrier.arrive $0xFFFF  }
0x62: {  	[sflag:s0] =	ssyncadd.tile.s32 @!p0 $0x1;
	_ =	shalt  }
.Lfunc_end2:
_tile_overlayer_lowered:
.L_overlay_start_2:
0x63: {  	(tag) =	ssettag $0x2  }
0x64: {  	s0 =	rddreg [dreg:$0x0];
	s2 =	stileid.u32  }
0x65: {  	s1 =	rddreg [dreg:$0x1];
	p0 =	sne.s32 s2, $0x0  }
0x66: {  	s3 =	rddreg [dreg:$0x2];
	[bflag:$0x3] =	sbarrier.arrive $0xFFFF;
	s2 =	simm.s32 @!p0 $0x1C01  }
0x67: {  	[timem:s3], [sflag:s2] =	dma.local @!p0 [hbm:s0], s1  }
0x68: {  	s0 =	simm.s32 @!p0 $0x1  }
0x69: {  	_ =	swait.ge @!p0 [sflag:s0], s1  }
0x6a: {  	s1 =	ssub.s32 @!p0 $0x0, s1;
	[sflag:s0] =	ssyncset.done @!p0 $0x0  }
0x6b: {  	[sflag:s0] =	ssyncadd.s32 @!p0 s1  }
0x6c: {  	[bflag:$0x3] =	sbarrier.arrive $0xFFFF  }
0x6d: {  	_ =	shalt  }

// kernel: kernel.7.cloned.1.call-start
scs
__scs_entry_jumppad:
0x0: {  	(pc) =	sbr.rel $0x88, $3  }
0x1: {  	(tag) =	ssettag $0x0;
	lr =	simm.s32 $0x1  }
0x2: {  	[smem:$0x3F94] =	sst lr;
	_ =	strace $0xD0000000  }
0x3: {  	_ = 	snop  }
0x4: {  	_ = 	snop  }
0x5: {  	_ = 	snop  }
0x6: {  	_ = 	snop  }
0x7: {  	_ = 	snop  }
__scs_overlays_trampoline_lowered:
0x8: {  	[smem:$0x3FA3] =	sst s0  }
0x9: {  	[smem:$0x3FA4] =	sst s1  }
0xa: {  	[smem:$0x3FA5] =	sst s2  }
0xb: {  	[smem:$0x3FA6] =	sst s3  }
0xc: {  	[smem:$0x3FA7] =	sst s4  }
0xd: {  	[smem:$0x3FA8] =	sst s5  }
0xe: {  	[smem:$0x3FA9] =	sst s6  }
0xf: {  	[smem:$0x3FAA] =	sst s7  }
0x10: {  	[smem:$0x3FAB] =	sst s8  }
0x11: {  	[smem:$0x3FAC] =	sst s9;
	s0 =	simm.s32 @!p0 $0x0  }
0x12: {  	s1 =	sld [smem:$0x3F92];
	s0 =	simm.s32 @p0 $0x1  }
0x13: {  	[smem:$0x3FAD] =	sst s0;
	s0 =	simm.s32 @!p1 $0x0  }
0x14: {  	s2 =	sld [smem:$0x3F91];
	s0 =	simm.s32 @p1 $0x1  }
0x15: {  	[smem:$0x3FAE] =	sst s0;
	s0 =	simm.s32 @!p2 $0x0  }
0x16: {  	s3 =	sld [smem:$0x3FDB];
	s0 =	simm.s32 @p2 $0x1  }
0x17: {  	s4 =	simm.s32 $0x1BF5;
	[smem:$0x3FB0] =	sst s0  }
0x18: {  	s0 =	sld [smem:$0x3F93];
	_ =	swait.ge [sflag:s4], $0x0  }
0x19: {  	s7 =	sld [smem:$0x3F94]  }
0x1a: {  	s8 =	sadd.s32 $0xFFFFE003, lr  }
0x1b: {  	s9 =	sadd.s32 $0xFFFFFEF7, lr;
	s5 =	simm.s32 $0xFFFFFFFF;
	p2 =	slt.u32 s8, $0xFFFFF086  }
0x1c: {  	p1 =	slt.u32 s9, $0xF7A;
	s5 =	simm.s32 @!p2 $0x0  }
0x1d: {  	s5 =	simm.s32 @p1 $0x1;
	p0 =	seq.s32 s7, s2  }
0x1e: {  	s7 =	smul.u32 @!p0 $0xF7A, s2;
	p2 =	seq.s32 @!p0 s5, $0x0  }
0x1f: {  	s9 =	smul.u32 $0xF7A, s1;
	s8 =	simm.s32 @!p0 $0x1BF5;
	p2 =	por !p2, p0  }
0x20: {  	[sflag:s8] =	ssyncset.s32 @!p0 $0xFFFFF086;
	s6 =	sadd.s32 @!p0 s3, s7;
	s7 =	simm.s32 @!p0 $0x108  }
0x21: {  	s3 =	sadd.s32 s3, s9;
	s6 =	sadd.s32 @!p0 $0x88, s6;
	s7 =	simm.s32 @p2 $0x1082  }
0x22: {  	[simem:s7], [sflag:s8] =	dma.local @!p0 [hbm:s6], $0xF7A  }
0x23: {  	s9 =	sor.u32 $0xD0000000, s2;
	s6 =	simm.s32 $0x108;
	_ =	swait.ge @!p0 [sflag:s8], $0x0  }
0x24: {  	s3 =	sadd.s32 $0x88, s3;
	s6 =	simm.s32 @!p1 $0x1082;
	[sflag:s4] =	ssyncset.s32 $0xFFFFF086  }
0x25: {  	[simem:s6], [sflag:s4] =	dma.local [hbm:s3], $0xF7A  }
0x26: {  	[smem:$0x3F94] =	sst s1;
	(tag) =	ssettag s2;
	_ =	strace s9  }
0x27: {  	s1 =	sld [smem:$0x3FA4]  }
0x28: {  	s2 =	sld [smem:$0x3FA5]  }
0x29: {  	s4 =	sld [smem:$0x3FA7]  }
0x2a: {  	p0 =	seq.s32 s5, $0x0;
	s5 =	sld [smem:$0x3FA8]  }
0x2b: {  	s6 =	sld [smem:$0x3FA9]  }
0x2c: {  	s7 =	sld [smem:$0x3FAA]  }
0x2d: {  	s3 =	simm.s32 $0x108;
	s8 =	sld [smem:$0x3FAB]  }
0x2e: {  	s3 =	simm.s32 @!p0 $0x1082;
	s9 =	sld [smem:$0x3FAC]  }
0x2f: {  	lr =	sadd.s32 s0, s3;
	s0 =	sld [smem:$0x3FA3]  }
0x30: {  	s3 =	sld [smem:$0x3FA6]  }
0x31: {  	[smem:$0x3FAF] =	sst s10  }
0x32: {  	s10 =	sld [smem:$0x3FAD];
	_ =	sdelay $0x3  }
0x33: {  	p0 =	seq.s32 s10, $0x1;
	s10 =	sld [smem:$0x3FAF];
	_ =	sdelay $0x3  }
0x34: {  	[smem:$0x3FAF] =	sst s10  }
0x35: {  	s10 =	sld [smem:$0x3FAE];
	_ =	sdelay $0x3  }
0x36: {  	p1 =	seq.s32 s10, $0x1;
	s10 =	sld [smem:$0x3FAF];
	_ =	sdelay $0x3  }
0x37: {  	[smem:$0x3FAF] =	sst s10  }
0x38: {  	s10 =	sld [smem:$0x3FB0]  }
0x39: {  	_ = 	snop;
	(pc) =	sbr.ind lr, $3  }
0x3a: {  	_ = 	snop  }
0x3b: {  	_ = 	snop  }
0x3c: {  	p2 =	seq.s32 s10, $0x1;
	s10 =	sld [smem:$0x3FAF]  }
0x3d: {  	_ =	shalt  }
0x3e: {  	_ =	shalt  }
0x3f: {  	_ =	shalt  }
0x40: {  	_ =	shalt  }
0x41: {  	_ =	shalt  }
0x42: {  	_ =	shalt  }
0x43: {  	_ =	shalt  }
0x44: {  	_ =	shalt  }
0x45: {  	_ =	shalt  }
0x46: {  	_ =	shalt  }
0x47: {  	_ =	shalt  }
0x48: {  	_ =	shalt  }
0x49: {  	_ =	shalt  }
0x4a: {  	_ =	shalt  }
0x4b: {  	_ =	shalt  }
0x4c: {  	_ =	shalt  }
0x4d: {  	_ =	shalt  }
0x4e: {  	_ =	shalt  }
0x4f: {  	_ =	shalt  }
0x50: {  	_ =	shalt  }
0x51: {  	_ =	shalt  }
0x52: {  	_ =	shalt  }
0x53: {  	_ =	shalt  }
0x54: {  	_ =	shalt  }
0x55: {  	_ =	shalt  }
0x56: {  	_ =	shalt  }
0x57: {  	_ =	shalt  }
0x58: {  	_ =	shalt  }
0x59: {  	_ =	shalt  }
0x5a: {  	_ =	shalt  }
0x5b: {  	_ =	shalt  }
0x5c: {  	_ =	shalt  }
0x5d: {  	_ =	shalt  }
0x5e: {  	_ =	shalt  }
0x5f: {  	_ =	shalt  }
0x60: {  	_ =	shalt  }
0x61: {  	_ =	shalt  }
0x62: {  	_ =	shalt  }
0x63: {  	_ =	shalt  }
0x64: {  	_ =	shalt  }
0x65: {  	_ =	shalt  }
0x66: {  	_ =	shalt  }
0x67: {  	_ =	shalt  }
0x68: {  	_ =	shalt  }
0x69: {  	_ =	shalt  }
0x6a: {  	_ =	shalt  }
0x6b: {  	_ =	shalt  }
0x6c: {  	_ =	shalt  }
0x6d: {  	_ =	shalt  }
0x6e: {  	_ =	shalt  }
0x6f: {  	_ =	shalt  }
0x70: {  	_ =	shalt  }
0x71: {  	_ =	shalt  }
0x72: {  	_ =	shalt  }
0x73: {  	_ =	shalt  }
0x74: {  	_ =	shalt  }
0x75: {  	_ =	shalt  }
0x76: {  	_ =	shalt  }
0x77: {  	_ =	shalt  }
0x78: {  	_ =	shalt  }
0x79: {  	_ =	shalt  }
0x7a: {  	_ =	shalt  }
0x7b: {  	_ =	shalt  }
0x7c: {  	_ =	shalt  }
0x7d: {  	_ =	shalt  }
0x7e: {  	_ =	shalt  }
0x7f: {  	_ =	shalt  }
0x80: {  	_ =	shalt  }
0x81: {  	_ =	shalt  }
0x82: {  	_ =	shalt  }
0x83: {  	_ =	shalt  }
0x84: {  	_ =	shalt  }
0x85: {  	_ =	shalt  }
0x86: {  	_ =	shalt  }
0x87: {  	_ =	shalt  }
.Lfunc_end0:
.L_simem_size_0:
called_computation_lowered:
.L_overlay_start_0:
0x88: {  	s2 =	sld [smem:$0x3FD9]  }
0x89: {  	s3 =	sld [smem:$0x3FFE];
	_ =	sdelay $0x1  }
0x8a: {  	s1 =	srdreg.scid  }
0x8b: {  	s0 =	sand.u32 $0x1, s1  }
0x8c: {  	s17 =	sshll.u32 s0, $0xA;
	s2 =	sadd.s32 s3, s2  }
0x8d: {  	s2 =	sadd.s32 s2, s17  }
0x8e: {  	[smem:$0x3FBB] =	sst s2  }
0x8f: {  	_ = 	snop  }
0x90: {  	s2 =	sld [smem:$0x3FD0];
	(tm) =	ssettm $0x1  }
0x91: {  	s18 =	sld [smem:$0x3FFB];
	_ =	sdelay $0x3  }
0x92: {  	_ =	strace s18  }
0x93: {  	s3 =	sld [smem:$0x3FFC];
	_ =	sdelay $0x3  }
0x94: {  	_ =	strace s3  }
0x95: {  	s3 =	sld [smem:$0x3FFD];
	_ =	sdelay $0x3  }
0x96: {  	_ =	strace s3  }
0x97: {  	_ =	strace $0x8FFFFFFF  }
0x98: {  	s19 =	sld [smem:$0x3FDB];
	_ =	sdelay $0x1  }
0x99: {  	s4 =	simm.s32 $_scs_section_size  }
0x9a: {  	s5 =	simm.s32 $_size__tile_overlayer_lowered;
	s6 =	simm.s32 $_tile_overlayer_lowered  }
0x9b: {  	s22 =	simm.s32 $0x1BFF;
	s21 =	sshll.u32 s6, $0x1;
	s3 =	sadd.s32 s4, s19  }
0x9c: {  	s7 =	simm.s32 $0x0;
	s20 =	sshll.u32 s5, $0x1;
	s5 =	sadd.s32 s21, s3  }
0x9d: {  	[timem:s7], [sflag:s22] =	dma.local [hbm:s5], s20  }
0x9e: {  	_ =	swait.ge [sflag:s22], s20  }
0x9f: {  	s4 =	ssub.s32 $0x0, s20;
	[sflag:s22] =	ssyncset.done $0x0  }
0xa0: {  	[sflag:s22] =	ssyncadd.s32 s4;
	_ =	sdelay $0x1  }
0xa1: {  	s23 =	simm.s32 $0x1B8B  }
0xa2: {  	_ =	swait.ge [sflag:s23], $0x1  }
0xa3: {  	[sflag:s23] =	ssyncset.done $0x0  }
0xa4: {  	s25 =	simm.s32 $0x1B8E;
	s24 =	sld [smem:$0x3FFE];
	[sflag:s23] =	ssyncadd.s32 $0xFFFFFFFF  }
0xa5: {  	s26 =	simm.s32 $execute0_lowered;
	[smem:$0x3FD2] =	sst s25  }
0xa6: {  	s5 =	sshll.u32 s26, $0x1;
	_ =	strace $0x80000046;
	[dreg:$0x1] =	wrdreg $0xFFFFFFFF  }
0xa7: {  	s28 =	simm.s32 $_size_execute0_lowered;
	s3 =	sadd.s32 s3, s5;
	[dreg:$0x0] =	wrdreg $0x0  }
0xa8: {  	s5 =	sshll.u32 s28, $0x1;
	[dreg:$0x2] =	wrdreg s3  }
0xa9: {  	[dreg:$0x3] =	wrdreg s5  }
0xaa: {  	[dreg:$0x4] =	wrdreg $0xC0  }
0xab: {  	_ =	task [dreg:s7], $0x5FFFF  }
0xac: {  	[dreg:$0x1] =	wrdreg $0xFFFFFFFF  }
0xad: {  	[dreg:$0x0] =	wrdreg $0x60  }
0xae: {  	[dreg:$0x2] =	wrdreg s24  }
0xaf: {  	[dreg:$0x3] =	wrdreg s2  }
0xb0: {  	[dreg:$0x4] =	wrdreg $0x0  }
0xb1: {  	[dreg:$0x5] =	wrdreg $0x9  }
0xb2: {  	_ =	task.clear_ibuf [dreg:s7], $0x6FFFF;
	_ =	strace $0x90000046  }
0xb3: {  	s29 =	simm.s32 $0x9;
	_ =	strace $0x80000048  }
0xb4: {  	_ =	swait.ge [sflag:s29], $0x1  }
0xb5: {  	[sflag:s29] =	ssyncadd.s32 $0xFFFFFFFF  }
0xb6: {  	_ =	strace $0x90000048  }
0xb7: {  	_ =	sfence  }
0xb8: {  	s30 =	sld [smem:$0x0];
	_ =	sdelay $0x2  }
0xb9: {  	s31 =	sshll.u32 s1, $0xD;
	s1 =	sshrl.u32 s1, $0x2  }
0xba: {  	s3 =	sand.u32 $0x4000, s31;
	s1 =	sadd.s32 s1, s30  }
0xbb: {  	s0 =	sor.u32 s3, s0;
	s1 =	sshll.u32 s1, $0x11  }
0xbc: {  	s0 =	sor.u32 s1, s0  }
0xbd: {  	s0 =	sadd.s32 $0x8F2B, s0  }
0xbe: {  	[sflag:s0] =	ssyncadd.remote.s32 $0x1  }
0xbf: {  	_ =	sfence.sel $0xFFFF  }
0xc0: {  	[dreg:$0x0] =	wrdreg $0xFFFFFFFF;
	(pc) =	sbr.abs _section_cstart, $3  }
0xc1: {  	[dreg:$0x1] =	wrdreg $0xFFFFFFFF  }
0xc2: {  	_ =	task.clear_ibuf [dreg:s7], $0x2FFFF;
	_ =	strace $0x9FFFFFFF  }
0xc3: {  	(tm) =	ssettm $0x7FFFFFFF  }
tec
execute0_lowered:
.L_overlay_start_1:
0x0: {  	(tag) =	ssettag $0x1  }
0x1: {  	s5 =	rddreg [dreg:$0x0]  }
0x2: {  	s15 =	rddreg [dreg:$0x1]  }
0x3: {  	s1 =	rddreg [dreg:$0x2]  }
0x4: {  	s0 =	rddreg [dreg:$0x3];
	s3 =	simm.s32 $0x0;
	s2 =	srdreg.scid  }
0x5: {  	s18 =	simm.s32 $0x14000;
	s19 =	simm.s32 $0x14080;
	s20 =	simm.s32 $0x80  }
0x6: {  	s21 =	simm.s32 $0x14100;
	s22 =	simm.s32 $0x18100;
	s6 =	sand.u32 $0x1, s2  }
0x7: {  	s23 =	simm.s32 $0x18180;
	s2 =	stileid.u32;
	s7 =	smul.u32 $0x140000, s6  }
0x8: {  	s28 =	simm.s32 $0x0;
	[smem:$0x7FF] =	sst s3;
	s8 =	smul.u32 $0x14000, s2  }
0x9: {  	s4 =	sadd.s32 $0xC000, s5;
	s14 =	sadd.s32 $0x1E00, s5;
	s25 =	smul.u32 $0x50000, s2  }
0xa: {  	_ =	strace $0x80000047;
	s9 =	sshll.u32 s2, $0x1;
	s12 =	smul.u32 $0x5000, s2  }
0xb: {  	s10 =	ssub.s32 $0x2, s6;
	s30 =	smul.u32 $0x2800, s6;
	s24 =	sor.u32 s6, s9  }
0xc: {  	s26 =	sshrl.u32 s10, $0x1;
	s7 =	sadd.s32 s8, s7;
	s8 =	smul.u32 $0x2800, s24  }
0xd: {  	s29 =	sshrl.u32 s25, $0x2;
	s13 =	ssub.s32 s10, s26;
	s12 =	sadd.s32 s30, s12  }
0xe: {  	s24 =	simm.s32 $0x18200;
	s25 =	simm.s32 $0x1;
	s26 =	simm.s32 $0x2  }
0xf: {  	s7 =	sshrl.u32 s7, $0x3;
	s16 =	sor.u32 $0x180, s12;
	s17 =	sor.u32 $0x100, s12  }
0x10: {  	s11 =	sadd.s32 s7, s5;
	s8 =	sshrl.u32 s8, $0x3;
	s5 =	sadd.s32 s29, s1  }
0x11: {  	s16 =	sshrl.u32 s16, $0x3;
	s17 =	sshrl.u32 s17, $0x3;
	s6 =	sadd.s32 s15, s8  }
0x12: {  	s7 =	sadd.s32 s14, s8;
	s31 =	sor.u32 $0x10, s8;
	s10 =	sadd.s32 $0x34000, s11  }
0x13: {  	s11 =	smax.u32 s13, $0x1;
	s12 =	sadd.s32 s16, s14;
	s13 =	sadd.s32 s16, s15  }
0x14: {  	s16 =	simm.s32 $0x1C200;
	s8 =	sadd.s32 s15, s31;
	s9 =	sadd.s32 s14, s31  }
0x15: {  	v0 =	vimm.f32 $0.0e+00;
	s14 =	sadd.s32 s17, s14;
	s15 =	sadd.s32 s17, s15;
	s17 =	simm.s32 $0x3  }
.LBB2_1:
0x16: {  	s29 =	simm.s32 $0x0;
	s30 =	simm.s32 $0x200  }
.LBB2_2:
0x17: {  	p0 =	sne.s32 s30, $0x1E00;
	[tilespmem:s29+$0x1C270] =	vst v0  }
0x18: {  	[tilespmem:s29+$0x1C200] =	vst v0  }
0x19: {  	[tilespmem:s29+$0x1C210] =	vst v0  }
.Ltmp0:
0x1a: {  	[tilespmem:s29+$0x1C220] =	vst v0;
	(pc) =	sbr.rel @p0 .LBB2_2-.Ltmp0, $4  }
0x1b: {  	[tilespmem:s29+$0x1C230] =	vst v0  }
0x1c: {  	[tilespmem:s29+$0x1C240] =	vst v0  }
0x1d: {  	[tilespmem:s29+$0x1C250] =	vst v0  }
0x1e: {  	[tilespmem:s29+$0x1C260] =	vst v0;
	s29 =	sshra.s32 s30, $0x2;
	s30 =	sadd.s32 $0x200, s30  }
0x1f: {  	[tilespmem:s29+$0x1C270] =	vst v0  }
0x20: {  	[tilespmem:s29+$0x1C200] =	vst v0  }
0x21: {  	[tilespmem:s29+$0x1C210] =	vst v0  }
0x22: {  	[tilespmem:s29+$0x1C220] =	vst v0  }
0x23: {  	[tilespmem:s29+$0x1C230] =	vst v0  }
0x24: {  	[tilespmem:s29+$0x1C240] =	vst v0  }
0x25: {  	[tilespmem:s29+$0x1C250] =	vst v0  }
0x26: {  	[tilespmem:s29+$0x1C260] =	vst v0;
	s29 =	sadd.s32 $0x0, s5  }
0x27: {  	[spmem:s29] =	stream.linear.scatter [tilespmem:s16], [sflag:$0x3], $0x800, $0x38;
	[tilespmem:$0x1CA00] =	vst v63  }
0x28: {  	s29 =	simm.s32 $0x2000;
	_ =	swait.ge [sflag:s17], $0x800  }
.LBB2_4:
0x29: {  	s30 =	sshra.s32 s29, $0x2;
	[sflag:s17] =	ssyncset.done $0x0;
	p0 =	sne.s32 s29, $0x4E000  }
.Ltmp1:
0x2a: {  	s30 =	sadd.s32 s30, s5;
	[sflag:s17] =	ssyncadd.s32 $0xFFFFF800;
	(pc) =	sbr.rel @p0 .LBB2_4-.Ltmp1, $3  }
0x2b: {  	[spmem:s30] =	stream.linear.scatter [tilespmem:s16], [sflag:$0x3], $0x800, $0x38;
	[tilespmem:$0x1CA00] =	vst v63  }
0x2c: {  	s29 =	sadd.s32 $0x2000, s29;
	_ =	sdelay $0x1  }
0x2d: {  	_ =	swait.ge [sflag:s17], $0x800  }
0x2e: {  	[sflag:s17] =	ssyncset.done $0x0  }
0x2f: {  	[sflag:s17] =	ssyncadd.s32 $0xFFFFF800  }
0x30: {  	s29 =	simm.s32 $0x0;
	[bflag:$0x0] =	sbarrier.arrive $0xFFFF  }
0x31: {  	[tilespmem:s18], [sflag:$0x3] =	stream.linear.gather [hbm4b:s6+s29], $0x80, $0x38;
	[tilespmem:$0x1CA00] =	vst v63  }
0x32: {  	_ =	swait.ge [sflag:s17], $0x80  }
0x33: {  	[sflag:s17] =	ssyncset.done $0x0  }
0x34: {  	[sflag:s17] =	ssyncadd.s32 $0xFFFFFF80  }
0x35: {  	[tilespmem:s19], [sflag:$0x3] =	stream.linear.gather [hbm4b:s7+s29], $0x80, $0x38;
	[tilespmem:$0x1CA00] =	vst v63  }
0x36: {  	_ =	swait.ge [sflag:s17], $0x80  }
0x37: {  	[sflag:s17] =	ssyncset.done $0x0  }
0x38: {  	[sflag:s17] =	ssyncadd.s32 $0xFFFFFF80  }
0x39: {  	[tilespmem:s21], [sflag:$0x1] =	stream.indirect.gather [hbm4b:s4+s20], $0x80, s18, s20, $0xb8;
	[tilespmem:$0x1CA00] =	vst v63  }
0x3a: {  	_ = 	snop  }
0x3b: {  	[tilespmem:s22], [sflag:$0x3] =	stream.linear.gather [hbm4b:s8+s29], $0x80, $0x38;
	[tilespmem:$0x1CA00] =	vst v63  }
0x3c: {  	_ =	swait.ge [sflag:s17], $0x80  }
0x3d: {  	[sflag:s17] =	ssyncset.done $0x0  }
0x3e: {  	[sflag:s17] =	ssyncadd.s32 $0xFFFFFF80  }
0x3f: {  	[tilespmem:s23], [sflag:$0x3] =	stream.linear.gather [hbm4b:s9+s29], $0x80, $0x38;
	[tilespmem:$0x1CA00] =	vst v63  }
0x40: {  	_ =	swait.ge [sflag:s17], $0x80  }
0x41: {  	[sflag:s17] =	ssyncset.done $0x0  }
0x42: {  	[sflag:s17] =	ssyncadd.s32 $0xFFFFFF80  }
0x43: {  	[tilespmem:s24], [sflag:$0x2] =	stream.indirect.gather [hbm4b:s4+s20], $0x80, s22, s20, $0xb8;
	[tilespmem:$0x1CA00] =	vst v63  }
0x44: {  	_ =	swait.ge [sflag:s25], $0x4000  }
0x45: {  	[sflag:s25] =	ssyncset.done $0x0  }
0x46: {  	[sflag:s25] =	ssyncadd.s32 $0xFFFFC000  }
0x47: {  	[spmem:s1] =	stream.indirect.scatter.add.f32 [tilespmem:s21], [sflag:$0x3], $0x80, s19, s20, $0xb8;
	[tilespmem:$0x1CA00] =	vst v63  }
0x48: {  	_ =	swait.ge [sflag:s17], $0x4000  }
0x49: {  	[sflag:s17] =	ssyncset.done $0x0  }
0x4a: {  	s29 =	sadd.s32 $0x0, s15;
	[sflag:s17] =	ssyncadd.s32 $0xFFFFC000  }
0x4b: {  	[tilespmem:s18], [sflag:$0x3] =	stream.linear.gather [hbm4b:s29+s3], $0x80, $0x38;
	[tilespmem:$0x1CA00] =	vst v63  }
0x4c: {  	_ =	swait.ge [sflag:s17], $0x80  }
0x4d: {  	[sflag:s17] =	ssyncset.done $0x0  }
0x4e: {  	s29 =	sadd.s32 $0x0, s14;
	[sflag:s17] =	ssyncadd.s32 $0xFFFFFF80  }
0x4f: {  	[tilespmem:s19], [sflag:$0x3] =	stream.linear.gather [hbm4b:s29+s3], $0x80, $0x38;
	[tilespmem:$0x1CA00] =	vst v63  }
0x50: {  	_ =	swait.ge [sflag:s17], $0x80  }
0x51: {  	[sflag:s17] =	ssyncset.done $0x0  }
0x52: {  	[sflag:s17] =	ssyncadd.s32 $0xFFFFFF80  }
0x53: {  	[tilespmem:s21], [sflag:$0x1] =	stream.indirect.gather [hbm4b:s4+s20], $0x80, s18, s20, $0xb8;
	[tilespmem:$0x1CA00] =	vst v63  }
0x54: {  	_ =	swait.ge [sflag:s26], $0x4000  }
0x55: {  	[sflag:s26] =	ssyncset.done $0x0  }
0x56: {  	[sflag:s26] =	ssyncadd.s32 $0xFFFFC000  }
0x57: {  	[spmem:s1] =	stream.indirect.scatter.add.f32 [tilespmem:s24], [sflag:$0x3], $0x80, s23, s20, $0xb8;
	[tilespmem:$0x1CA00] =	vst v63  }
0x58: {  	_ =	swait.ge [sflag:s17], $0x4000  }
0x59: {  	[sflag:s17] =	ssyncset.done $0x0  }
0x5a: {  	s29 =	sadd.s32 $0x0, s13;
	[sflag:s17] =	ssyncadd.s32 $0xFFFFC000  }
0x5b: {  	[tilespmem:s22], [sflag:$0x3] =	stream.linear.gather [hbm4b:s29+s3], $0x80, $0x38;
	[tilespmem:$0x1CA00] =	vst v63  }
0x5c: {  	_ =	swait.ge [sflag:s17], $0x80  }
0x5d: {  	[sflag:s17] =	ssyncset.done $0x0  }
0x5e: {  	s29 =	sadd.s32 $0x0, s12;
	[sflag:s17] =	ssyncadd.s32 $0xFFFFFF80  }
0x5f: {  	[tilespmem:s23], [sflag:$0x3] =	stream.linear.gather [hbm4b:s29+s3], $0x80, $0x38;
	[tilespmem:$0x1CA00] =	vst v63  }
0x60: {  	_ =	swait.ge [sflag:s17], $0x80  }
0x61: {  	[sflag:s17] =	ssyncset.done $0x0  }
0x62: {  	s29 =	simm.s32 $0x20;
	[sflag:s17] =	ssyncadd.s32 $0xFFFFFF80  }
.LBB2_6:
0x63: {  	[tilespmem:s24], [sflag:$0x2] =	stream.indirect.gather [hbm4b:s4+s20], $0x80, s22, s20, $0xb8;
	[tilespmem:$0x1CA00] =	vst v63  }
0x64: {  	s30 =	smov.u32 s29  }
0x65: {  	p0 =	sne.s32 s29, $0x4E0;
	s29 =	sadd.s32 $0x20, s29;
	_ =	swait.ge [sflag:s25], $0x4000  }
0x66: {  	[sflag:s25] =	ssyncset.done $0x0  }
0x67: {  	[sflag:s25] =	ssyncadd.s32 $0xFFFFC000  }
0x68: {  	[spmem:s1] =	stream.indirect.scatter.add.f32 [tilespmem:s21], [sflag:$0x3], $0x80, s19, s20, $0xb8;
	[tilespmem:$0x1CA00] =	vst v63  }
0x69: {  	_ =	swait.ge [sflag:s17], $0x4000  }
0x6a: {  	[sflag:s17] =	ssyncset.done $0x0  }
0x6b: {  	s31 =	sadd.s32 s30, s15;
	[sflag:s17] =	ssyncadd.s32 $0xFFFFC000  }
0x6c: {  	[tilespmem:s18], [sflag:$0x3] =	stream.linear.gather [hbm4b:s31+s3], $0x80, $0x38;
	[tilespmem:$0x1CA00] =	vst v63  }
0x6d: {  	_ =	swait.ge [sflag:s17], $0x80  }
0x6e: {  	[sflag:s17] =	ssyncset.done $0x0  }
0x6f: {  	s31 =	sadd.s32 s30, s14;
	[sflag:s17] =	ssyncadd.s32 $0xFFFFFF80  }
0x70: {  	[tilespmem:s19], [sflag:$0x3] =	stream.linear.gather [hbm4b:s31+s3], $0x80, $0x38;
	[tilespmem:$0x1CA00] =	vst v63  }
0x71: {  	_ =	swait.ge [sflag:s17], $0x80  }
0x72: {  	[sflag:s17] =	ssyncset.done $0x0  }
0x73: {  	[sflag:s17] =	ssyncadd.s32 $0xFFFFFF80  }
0x74: {  	[tilespmem:s21], [sflag:$0x1] =	stream.indirect.gather [hbm4b:s4+s20], $0x80, s18, s20, $0xb8;
	[tilespmem:$0x1CA00] =	vst v63  }
0x75: {  	_ =	swait.ge [sflag:s26], $0x4000  }
0x76: {  	[sflag:s26] =	ssyncset.done $0x0  }
0x77: {  	[sflag:s26] =	ssyncadd.s32 $0xFFFFC000  }
0x78: {  	[spmem:s1] =	stream.indirect.scatter.add.f32 [tilespmem:s24], [sflag:$0x3], $0x80, s23, s20, $0xb8;
	[tilespmem:$0x1CA00] =	vst v63  }
0x79: {  	_ =	swait.ge [sflag:s17], $0x4000  }
0x7a: {  	[sflag:s17] =	ssyncset.done $0x0  }
0x7b: {  	s31 =	sadd.s32 s30, s13;
	[sflag:s17] =	ssyncadd.s32 $0xFFFFC000  }
0x7c: {  	[tilespmem:s22], [sflag:$0x3] =	stream.linear.gather [hbm4b:s31+s3], $0x80, $0x38;
	[tilespmem:$0x1CA00] =	vst v63  }
0x7d: {  	_ =	swait.ge [sflag:s17], $0x80  }
0x7e: {  	[sflag:s17] =	ssyncset.done $0x0  }
.Ltmp2:
0x7f: {  	s30 =	sadd.s32 s30, s12;
	[sflag:s17] =	ssyncadd.s32 $0xFFFFFF80;
	(pc) =	sbr.rel @p0 .LBB2_6-.Ltmp2, $4  }
0x80: {  	[tilespmem:s23], [sflag:$0x3] =	stream.linear.gather [hbm4b:s30+s3], $0x80, $0x38;
	[tilespmem:$0x1CA00] =	vst v63  }
0x81: {  	_ =	swait.ge [sflag:s17], $0x80  }
0x82: {  	[sflag:s17] =	ssyncset.done $0x0  }
0x83: {  	[sflag:s17] =	ssyncadd.s32 $0xFFFFFF80  }
0x84: {  	[tilespmem:s24], [sflag:$0x2] =	stream.indirect.gather [hbm4b:s4+s20], $0x80, s22, s20, $0xb8;
	[tilespmem:$0x1CA00] =	vst v63  }
0x85: {  	_ =	swait.ge [sflag:s25], $0x4000  }
0x86: {  	[sflag:s25] =	ssyncset.done $0x0  }
0x87: {  	[sflag:s25] =	ssyncadd.s32 $0xFFFFC000  }
0x88: {  	_ =	swait.ge [sflag:s26], $0x4000  }
0x89: {  	s29 =	sshll.u32 s2, $0x6;
	s28 =	sadd.s32 $0x1, s28;
	[sflag:s26] =	ssyncset.done $0x0  }
0x8a: {  	s30 =	sshrl.u32 s5, $0x3;
	p0 =	sne.s32 s28, s11;
	[sflag:s26] =	ssyncadd.s32 $0xFFFFC000  }
.Ltmp3:
0x8b: {  	s29 =	sor.u32 $0x1C03, s29;
	[bflag:$0x0] =	sbarrier.arrive $0xFFFF;
	(pc) =	sbr.rel @p0 .LBB2_1-.Ltmp3, $4  }
0x8c: {  	[hbm:s10], [sflag:s29] =	dma.local [spmem:s30], $0x2800  }
0x8d: {  	_ =	swait.ge [sflag:s17], $0x2800  }
0x8e: {  	[sflag:s17] =	ssyncset.done $0x0  }
0x8f: {  	[sflag:s17] =	ssyncadd.s32 $0xFFFFD800  }
0x90: {  	_ =	sfence.sel $0x180000  }
0x91: {  	[bflag:$0x0] =	sbarrier.arrive $0xFFFF  }
0x92: {  	p0 =	sne.s32 s2, $0x0;
	_ =	strace $0x90000047  }
0x93: {  	s0 =	sadd.s32 @!p0 $0x100000, s0;
	[bflag:$0x2] =	sbarrier.arrive $0xFFFF  }
0x94: {  	[sflag:s0] =	ssyncadd.tile.s32 @!p0 $0x1;
	_ =	shalt  }
.Lfunc_end2:
_tile_overlayer_lowered:
.L_overlay_start_2:
0x95: {  	(tag) =	ssettag $0x2  }
0x96: {  	s0 =	rddreg [dreg:$0x0];
	s2 =	stileid.u32  }
0x97: {  	s1 =	rddreg [dreg:$0x1];
	p0 =	sne.s32 s2, $0x0  }
0x98: {  	s3 =	rddreg [dreg:$0x2];
	[bflag:$0x3] =	sbarrier.arrive $0xFFFF;
	s2 =	simm.s32 @!p0 $0x1C03  }
0x99: {  	[timem:s3], [sflag:s2] =	dma.local @!p0 [hbm:s0], s1  }
0x9a: {  	s0 =	simm.s32 @!p0 $0x3  }
0x9b: {  	_ =	swait.ge @!p0 [sflag:s0], s1  }
0x9c: {  	s1 =	ssub.s32 @!p0 $0x0, s1;
	[sflag:s0] =	ssyncset.done @!p0 $0x0  }
0x9d: {  	[sflag:s0] =	ssyncadd.s32 @!p0 s1  }
0x9e: {  	[bflag:$0x3] =	sbarrier.arrive $0xFFFF  }
0x9f: {  	_ =	shalt  }

</sc_bundles>
